<compile_context>
chip_gen: v7x
topology: tpu7x:2x2x1
jax: 0.10.2.dev20260603
libtpu: 0.0.44.dev20260713+nightly
codegen_flags: <defaults>
</compile_context>

<pallas_src>
import functools

import jax
import jax.numpy as jnp
from jax import lax
from jax.experimental import pallas as pl
from jax.experimental.pallas import tpu as pltpu
from jax.experimental.pallas import tpu_sc as plsc

B = 8
C = 96
W = 224
R = B * C * W
E = C * W * W
NC, NS, L = 2, 16, 16
NW = NC * NS
WPS = NW // B
RPW = R // NW
KV = W // L

RB1 = 224
RPS = C * W
S_SC = 14336
RPW1 = S_SC // WPS
NJ1 = RPW1 // RB1 // 2
RBT = 896
NBT = (RPS - S_SC) // RBT
TBLK = RPS // RBT
RB2 = 96
NJ2 = RPW // RB2 // 2

_mesh = plsc.VectorSubcoreMesh(
    core_axis_name="c", subcore_axis_name="s", num_cores=NC, num_subcores=NS
)


def _worker_id():
    return lax.axis_index("s") * NC + lax.axis_index("c")


@functools.partial(
    pl.kernel,
    out_type=jax.ShapeDtypeStruct((NW, 3, L), jnp.float32),
    mesh=_mesh,
    scratch_types=[
        pltpu.VMEM((RB1, W), jnp.float32),
        pltpu.VMEM((RB1, W), jnp.float32),
        pltpu.VMEM((3, L), jnp.float32),
        pltpu.SemaphoreType.DMA,
        pltpu.SemaphoreType.DMA,
    ],
)
def _stats_kernel(x_hbm, part_hbm, buf_a, buf_b, part_v, sem_a, sem_b):
    wid = _worker_id()
    b = wid // WPS
    base = b * RPS + (wid % WPS) * RPW1

    def load(ci, buf, sem):
        return pltpu.make_async_copy(
            x_hbm.at[pl.ds(base + ci * RB1, RB1)], buf, sem
        )

    def chunk_stats(buf, acc):
        def row_body(j, c):
            neg, s1, s2 = c
            for k in range(KV):
                v = buf[j, pl.ds(k * L, L)]
                m = jnp.maximum(v, 0.0)
                neg = neg + lax.shift_right_logical(
                    lax.bitcast_convert_type(v, jnp.int32), 31
                )
                s1 = s1 + m
                s2 = s2 + m * m
            return (neg, s1, s2)

        return plsc.parallel_loop(0, RB1, 1, carry=acc)(row_body)

    load(0, buf_a, sem_a).start()

    def pair_body(j, acc):
        load(2 * j + 1, buf_b, sem_b).start()
        load(2 * j, buf_a, sem_a).wait()
        acc = chunk_stats(buf_a, acc)

        @pl.when(j < NJ1 - 1)
        def _():
            load(2 * j + 2, buf_a, sem_a).start()

        load(2 * j + 1, buf_b, sem_b).wait()
        return chunk_stats(buf_b, acc)

    zf = jnp.zeros((L,), jnp.float32)
    zi = jnp.zeros((L,), jnp.int32)
    neg, s1, s2 = lax.fori_loop(0, NJ1, pair_body, (zi, zf, zf))
    part_v[0, :] = neg.astype(jnp.float32)
    part_v[1, :] = s1
    part_v[2, :] = s2
    pltpu.sync_copy(part_v, part_hbm.at[wid])


def _tc_stats_body(x_ref, out_ref):
    bb = pl.program_id(0)
    i = pl.program_id(1)
    v = x_ref[...]
    valid = (v >= 0.0).astype(jnp.float32)
    m = jnp.maximum(v, 0.0)
    n = jnp.sum(valid)
    s1 = jnp.sum(m)
    s2 = jnp.sum(m * m)

    @pl.when(i == 0)
    def _():
        for j in range(L):
            out_ref[bb, j] = 0.0

    out_ref[bb, 0] = out_ref[bb, 0] + n
    out_ref[bb, 1] = out_ref[bb, 1] + s1
    out_ref[bb, 2] = out_ref[bb, 2] + s2


_tc_stats = pl.pallas_call(
    _tc_stats_body,
    out_shape=jax.ShapeDtypeStruct((B, L), jnp.float32),
    grid=(B, NBT),
    in_specs=[
        pl.BlockSpec((RBT, W), lambda b, i: (b * TBLK + S_SC // RBT + i, 0))
    ],
    out_specs=pl.BlockSpec(memory_space=pltpu.SMEM),
)


@functools.partial(
    pl.kernel,
    out_type=jax.ShapeDtypeStruct((R, W), jnp.float32),
    mesh=_mesh,
    scratch_types=[
        pltpu.VMEM((RB2, W), jnp.float32),
        pltpu.VMEM((RB2, W), jnp.float32),
        pltpu.VMEM((RB2, W), jnp.float32),
        pltpu.VMEM((RB2, W), jnp.float32),
        pltpu.VMEM((NW, 3, L), jnp.float32),
        pltpu.VMEM((B, L), jnp.float32),
        pltpu.SemaphoreType.DMA,
        pltpu.SemaphoreType.DMA,
        pltpu.SemaphoreType.DMA,
        pltpu.SemaphoreType.DMA,
    ],
)
def _norm_kernel(
    x_hbm, part_hbm, ptc_hbm, out_hbm,
    in_a, in_b, out_a, out_b, part_v, ptc_v,
    lsem_a, lsem_b, ssem_a, ssem_b,
):
    wid = _worker_id()
    b = wid // WPS
    base = wid * RPW

    pltpu.sync_copy(part_hbm, part_v)
    pltpu.sync_copy(ptc_hbm, ptc_v)
    negv = jnp.zeros((L,), jnp.float32)
    s1v = jnp.zeros((L,), jnp.float32)
    s2v = jnp.zeros((L,), jnp.float32)
    for k in range(WPS):
        w = b * WPS + k
        negv = negv + part_v[w, 0, :]
        s1v = s1v + part_v[w, 1, :]
        s2v = s2v + part_v[w, 2, :]
    neg = negv[0]
    s1 = s1v[0]
    s2 = s2v[0]
    for j in range(1, L):
        neg = neg + negv[j]
        s1 = s1 + s1v[j]
        s2 = s2 + s2v[j]

    tcv = ptc_v[b, pl.ds(0, L)]
    n_sc = float(S_SC * W) - neg
    n_v = jnp.full((L,), n_sc, jnp.float32) + jnp.full((L,), tcv[0], jnp.float32)
    s1_v = jnp.full((L,), s1, jnp.float32) + jnp.full((L,), tcv[1], jnp.float32)
    s2_v = jnp.full((L,), s2, jnp.float32) + jnp.full((L,), tcv[2], jnp.float32)
    mean_v = s1_v / n_v
    var_v = (s2_v - s1_v * mean_v) / (n_v - 1.0)
    var_v = jnp.maximum(var_v, 1e-20)
    bits = lax.bitcast_convert_type(var_v, jnp.int32)
    r = lax.bitcast_convert_type(0x5F3759DF - (bits >> 1), jnp.float32)
    for _ in range(3):
        r = r * (1.5 - 0.5 * var_v * r * r)
    inv_v = 1.0 / (var_v * r + 1e-5)
    c_v = -mean_v * inv_v

    def load(ci, buf, sem):
        return pltpu.make_async_copy(
            x_hbm.at[pl.ds(base + ci * RB2, RB2)], buf, sem
        )

    def store(ci, buf, sem):
        return pltpu.make_async_copy(
            buf, out_hbm.at[pl.ds(base + ci * RB2, RB2)], sem
        )

    def chunk_norm(ibuf, obuf):
        def row_body(j):
            for k in range(KV):
                v = ibuf[j, pl.ds(k * L, L)]
                obuf[j, pl.ds(k * L, L)] = jnp.where(
                    v >= 0.0, v * inv_v + c_v, v
                )

        plsc.parallel_loop(0, RB2, 1)(row_body)

    load(0, in_a, lsem_a).start()

    def pair_body(j, carry):
        load(2 * j + 1, in_b, lsem_b).start()
        load(2 * j, in_a, lsem_a).wait()

        @pl.when(j > 0)
        def _():
            store(2 * j - 2, out_a, ssem_a).wait()

        chunk_norm(in_a, out_a)
        store(2 * j, out_a, ssem_a).start()

        @pl.when(j < NJ2 - 1)
        def _():
            load(2 * j + 2, in_a, lsem_a).start()

        load(2 * j + 1, in_b, lsem_b).wait()

        @pl.when(j > 0)
        def _():
            store(2 * j - 1, out_b, ssem_b).wait()

        chunk_norm(in_b, out_b)
        store(2 * j + 1, out_b, ssem_b).start()
        return carry

    lax.fori_loop(0, NJ2, pair_body, 0)
    store(2 * NJ2 - 2, out_a, ssem_a).wait()
    store(2 * NJ2 - 1, out_b, ssem_b).wait()


def kernel(x):
    x2 = x.reshape(R, W)
    part_tc = _tc_stats(x2)
    part_sc = _stats_kernel(x2)
    out = _norm_kernel(x2, part_sc, part_tc)
    return out.reshape(x.shape)

# --- scband reference (transcript-rebuilt; emitter-appended) ---
"""Pipeline reference for scband-masked-normalize-31172872634755 (READ-ONLY COPY).

The authoritative reference and input builder live on the scoring server;
editing this copy changes nothing except your own understanding.
"""

import jax, jax.numpy as jnp
import numpy as np

# MaskedNormalize with mask_value=0, mask_type='lt', mask_fill=None,
# per_channel_mean=True, per_channel_var=False.
# NOTE: in the torch code, x = x_out[b] is a 3D slice of the 4D input, so
# len(x.shape)==4 is False and both mean and var use the whole-sample branch.
# get_mask returns (x < 0); mask = (get_mask == False) = (x >= 0) = valid elements.
# For each sample b: subtract mean over valid elems, then divide valid elems by
# sqrt(unbiased var over valid elems) + eps. Masked (x<0) elements keep original values.

def setup_inputs(seed: int = 0) -> dict:
    key = jax.random.key(seed)
    x = jax.random.normal(key, (8, 96, 224, 224), dtype=jnp.float32)
    return {"x": x}

def reference(x):
    eps = 1e-05
    valid = jnp.logical_not(x < 0)  # mask == False inverted -> valid entries
    vf = valid.astype(x.dtype)
    axes = (1, 2, 3)
    n = jnp.sum(vf, axis=axes, keepdims=True)
    # mean over valid elements, subtract from valid elements only
    mean = jnp.sum(x * vf, axis=axes, keepdims=True) / n
    y = jnp.where(valid, x - mean, x)
    # torch.var (unbiased, correction=1) over the valid elements of y
    ybar = jnp.sum(y * vf, axis=axes, keepdims=True) / n
    var = jnp.sum(vf * (y - ybar) ** 2, axis=axes, keepdims=True) / (n - 1.0)
    out = jnp.where(valid, y / (jnp.sqrt(var) + eps), y)
    # mask_fill is None -> no fill step
    return out

if __name__ == "__main__":
    import jax
    _d = setup_inputs()
    print(jax.jit(kernel)(*tuple(_d.values())))

</pallas_src>

<mosaic_0001>
#map = affine_map<(d0, d1) -> (0, 0)>
#map1 = affine_map<(d0, d1) -> (0, 0, 0)>
module attributes {stable_mosaic.version = 14 : i64} {
  func.func @_stats_kernel(%arg0: i32, %arg1: i32, %arg2: memref<172032x224xf32, #tpu.memory_space<hbm>>, %arg3: memref<32x3x16xf32, #tpu.memory_space<hbm>>, %arg4: memref<224x224xf32, #tpu.memory_space<vmem>>, %arg5: memref<224x224xf32, #tpu.memory_space<vmem>>, %arg6: memref<3x16xf32, #tpu.memory_space<vmem>>, %arg7: memref<!tpu.dma_semaphore, #tpu.memory_space<semaphore_mem>>, %arg8: memref<!tpu.dma_semaphore, #tpu.memory_space<semaphore_mem>>) attributes {dimension_semantics = [#tpu.dimension_semantics<core_parallel>, #tpu.dimension_semantics<subcore_parallel>], iteration_bounds = array<i64: 2, 16>, scalar_prefetch = 0 : i64, scratch_operands = 5 : i64, tpu.core_type = #tpu.core_type<sc_vector_subcore>, window_params = [{transform_indices = #map}, {transform_indices = #map1}]} {
    %mul3A = arith.constant 2 : i32
    %mul3A_0 = arith.muli %arg1, %mul3A : i32
    %add3A = arith.addi %mul3A_0, %arg0 : i32
    %jit3A = arith.constant 4 : i32
    %div3A = arith.divsi %add3A, %jit3A : i32
    %sign3A = arith.constant 0 : i32
    %sign3A_1 = arith.cmpi sgt, %add3A, %sign3A : i32
    %sign3A_2 = arith.extui %sign3A_1 : i1 to i32
    %sign3A_3 = arith.constant 0 : i32
    %sign3A_4 = arith.cmpi slt, %add3A, %sign3A_3 : i32
    %sign3A_5 = arith.extui %sign3A_4 : i1 to i32
    %sign3A_6 = arith.subi %sign3A_2, %sign3A_5 : i32
    %sign3A_7 = arith.constant 0 : i32
    %sign3A_8 = arith.cmpi sgt, %jit3A, %sign3A_7 : i32
    %sign3A_9 = arith.extui %sign3A_8 : i1 to i32
    %sign3A_10 = arith.constant 0 : i32
    %sign3A_11 = arith.cmpi slt, %jit3A, %sign3A_10 : i32
    %sign3A_12 = arith.extui %sign3A_11 : i1 to i32
    %sign3A_13 = arith.subi %sign3A_9, %sign3A_12 : i32
    %ne3A = arith.cmpi ne, %sign3A_6, %sign3A_13 : i32
    %rem3A = arith.remsi %add3A, %jit3A : i32
    %ne3A_14 = arith.constant 0 : i32
    %ne3A_15 = arith.cmpi ne, %rem3A, %ne3A_14 : i32
    %and3A = arith.andi %ne3A, %ne3A_15 : i1
    %sub3A = arith.constant 1 : i32
    %sub3A_16 = arith.subi %div3A, %sub3A : i32
    %select_n3A = arith.select %and3A, %sub3A_16, %div3A : i32
    %mul3A_17 = arith.constant 21504 : i32
    %mul3A_18 = arith.muli %select_n3A, %mul3A_17 : i32
    %jit3A_19 = arith.constant 4 : i32
    %eq3A = arith.constant 0 : i32
    %eq3A_20 = arith.cmpi eq, %jit3A_19, %eq3A : i32
    %jit3A_21 = arith.constant 1 : i32
    %select_n3A_22 = arith.select %eq3A_20, %jit3A_21, %jit3A_19 : i32
    %rem3A_23 = arith.remsi %add3A, %select_n3A_22 : i32
    %ne3A_24 = arith.constant 0 : i32
    %ne3A_25 = arith.cmpi ne, %rem3A_23, %ne3A_24 : i32
    %lt3A = arith.constant 0 : i32
    %lt3A_26 = arith.cmpi slt, %rem3A_23, %lt3A : i32
    %lt3A_27 = arith.constant 0 : i32
    %lt3A_28 = arith.cmpi slt, %select_n3A_22, %lt3A_27 : i32
    %ne3A_29 = arith.xori %lt3A_26, %lt3A_28 : i1
    %and3A_30 = arith.andi %ne3A_29, %ne3A_25 : i1
    %add3A_31 = arith.addi %rem3A_23, %select_n3A_22 : i32
    %select_n3A_32 = arith.select %and3A_30, %add3A_31, %rem3A_23 : i32
    %mul3A_33 = arith.constant 3584 : i32
    %mul3A_34 = arith.muli %select_n3A_32, %mul3A_33 : i32
    %add3A_35 = arith.addi %mul3A_18, %mul3A_34 : i32
    %add3A_36 = arith.constant 0 : i32
    %add3A_37 = arith.addi %add3A_35, %add3A_36 : i32
    %dma_start3A = arith.constant 0 : i32
    %dma_start3A_38 = tpu.memref_slice %arg2[%add3A_37, %dma_start3A] : memref<172032x224xf32, #tpu.memory_space<hbm>> -> memref<224x224xf32, #tpu.memory_space<hbm>>
    %dma_start3A_39 = arith.constant 0 : i32
    %dma_start3A_40 = tpu.memref_slice %arg2[%add3A_37, %dma_start3A_39] : memref<172032x224xf32, #tpu.memory_space<hbm>> -> memref<224x224xf32, #tpu.memory_space<hbm>>
    tpu.enqueue_dma source(%dma_start3A_40 : memref<224x224xf32, #tpu.memory_space<hbm>>) target(%arg4 : memref<224x224xf32, #tpu.memory_space<vmem>>) target_semaphore(%arg7 : memref<!tpu.dma_semaphore, #tpu.memory_space<semaphore_mem>>)
    %broadcast_in_dim3A = arith.constant 0.000000e+00 : f32
    %broadcast_in_dim3A_41 = vector.broadcast %broadcast_in_dim3A : f32 to vector<16xf32>
    %broadcast_in_dim3A_42 = arith.constant 0 : i32
    %broadcast_in_dim3A_43 = vector.broadcast %broadcast_in_dim3A_42 : i32 to vector<16xi32>
    %scan3A = arith.constant 0 : i32
    %scan3A_44 = arith.constant 8 : i32
    %scan3A_45 = arith.addi %scan3A, %scan3A_44 : i32
    %scan3A_46 = arith.constant 1 : i32
    %scan3A_47:3 = scf.for %scan3A_66 = %scan3A to %scan3A_45 step %scan3A_46 iter_args(%scan3A_67 = %broadcast_in_dim3A_43, %scan3A_68 = %broadcast_in_dim3A_41, %scan3A_69 = %broadcast_in_dim3A_41) -> (vector<16xi32>, vector<16xf32>, vector<16xf32>)  : i32 {
      %mul3A_70 = arith.constant 2 : i32
      %mul3A_71 = arith.muli %mul3A_70, %scan3A_66 : i32
      %add3A_72 = arith.constant 1 : i32
      %add3A_73 = arith.addi %mul3A_71, %add3A_72 : i32
      %mul3A_74 = arith.constant 224 : i32
      %mul3A_75 = arith.muli %add3A_73, %mul3A_74 : i32
      %add3A_76 = arith.addi %add3A_35, %mul3A_75 : i32
      %dma_start3A_77 = arith.constant 0 : i32
      %dma_start3A_78 = tpu.memref_slice %arg2[%add3A_76, %dma_start3A_77] : memref<172032x224xf32, #tpu.memory_space<hbm>> -> memref<224x224xf32, #tpu.memory_space<hbm>>
      %dma_start3A_79 = arith.constant 0 : i32
      %dma_start3A_80 = tpu.memref_slice %arg2[%add3A_76, %dma_start3A_79] : memref<172032x224xf32, #tpu.memory_space<hbm>> -> memref<224x224xf32, #tpu.memory_space<hbm>>
      tpu.enqueue_dma source(%dma_start3A_80 : memref<224x224xf32, #tpu.memory_space<hbm>>) target(%arg5 : memref<224x224xf32, #tpu.memory_space<vmem>>) target_semaphore(%arg8 : memref<!tpu.dma_semaphore, #tpu.memory_space<semaphore_mem>>)
      %mul3A_81 = arith.constant 2 : i32
      %mul3A_82 = arith.muli %mul3A_81, %scan3A_66 : i32
      %mul3A_83 = arith.constant 224 : i32
      %mul3A_84 = arith.muli %mul3A_82, %mul3A_83 : i32
      %add3A_85 = arith.addi %add3A_35, %mul3A_84 : i32
      %dma_wait3A = arith.constant 0 : i32
      %dma_wait3A_86 = tpu.memref_slice %arg2[%add3A_85, %dma_wait3A] : memref<172032x224xf32, #tpu.memory_space<hbm>> -> memref<224x224xf32, #tpu.memory_space<hbm>>
      %dma_wait3A_87 = arith.constant 0 : i32
      %dma_wait3A_88 = tpu.memref_slice %arg2[%add3A_85, %dma_wait3A_87] : memref<172032x224xf32, #tpu.memory_space<hbm>> -> memref<224x224xf32, #tpu.memory_space<hbm>>
      tpu.wait_dma2 semaphore(%arg7 : memref<!tpu.dma_semaphore, #tpu.memory_space<semaphore_mem>>) src(%dma_wait3A_88 : memref<224x224xf32, #tpu.memory_space<hbm>>) dst(%arg4 : memref<224x224xf32, #tpu.memory_space<vmem>>)
      %parallel_loop3A = arith.constant 0 : i32
      %parallel_loop3A_89 = arith.constant 224 : i32
      %parallel_loop3A_90 = arith.constant 1 : i32
      %parallel_loop3A_91:3 = scf.for %parallel_loop3A_111 = %parallel_loop3A to %parallel_loop3A_89 step %parallel_loop3A_90 iter_args(%parallel_loop3A_112 = %scan3A_67, %parallel_loop3A_113 = %scan3A_68, %parallel_loop3A_114 = %scan3A_69) -> (vector<16xi32>, vector<16xf32>, vector<16xf32>)  : i32 {
        %parallel_loop3A_115 = arith.index_cast %parallel_loop3A_111 : i32 to index
        %parallel_loop3A_116 = arith.constant 0 : index
        %parallel_loop3A_117 = tpu.vector_load %arg4[%parallel_loop3A_115, %parallel_loop3A_116] {strides = array<i32>} : memref<224x224xf32, #tpu.memory_space<vmem>>, vector<1x16xf32>,
        %parallel_loop3A_118 = vector.shape_cast %parallel_loop3A_117 : vector<1x16xf32> to vector<16xf32>
        %parallel_loop3A_119 = arith.constant 0.000000e+00 : f32
        %parallel_loop3A_120 = vector.broadcast %parallel_loop3A_119 : f32 to vector<16xf32>
        %parallel_loop3A_121 = arith.maximumf %parallel_loop3A_118, %parallel_loop3A_120 : vector<16xf32>
        %parallel_loop3A_122 = tpu.bitcast %parallel_loop3A_118 : vector<16xf32> -> vector<16xi32>
        %parallel_loop3A_123 = arith.constant 31 : i32
        %parallel_loop3A_124 = vector.broadcast %parallel_loop3A_123 : i32 to vector<16xi32>
        %parallel_loop3A_125 = arith.shrui %parallel_loop3A_122, %parallel_loop3A_124 : vector<16xi32>
        %parallel_loop3A_126 = arith.addi %parallel_loop3A_112, %parallel_loop3A_125 : vector<16xi32>
        %parallel_loop3A_127 = arith.addf %parallel_loop3A_113, %parallel_loop3A_121 : vector<16xf32>
        %parallel_loop3A_128 = arith.mulf %parallel_loop3A_121, %parallel_loop3A_121 : vector<16xf32>
        %parallel_loop3A_129 = arith.addf %parallel_loop3A_114, %parallel_loop3A_128 : vector<16xf32>
        %parallel_loop3A_130 = arith.index_cast %parallel_loop3A_111 : i32 to index
        %parallel_loop3A_131 = arith.constant 16 : index
        %parallel_loop3A_132 = tpu.vector_load %arg4[%parallel_loop3A_130, %parallel_loop3A_131] {strides = array<i32>} : memref<224x224xf32, #tpu.memory_space<vmem>>, vector<1x16xf32>,
        %parallel_loop3A_133 = vector.shape_cast %parallel_loop3A_132 : vector<1x16xf32> to vector<16xf32>
        %parallel_loop3A_134 = arith.constant 0.000000e+00 : f32
        %parallel_loop3A_135 = vector.broadcast %parallel_loop3A_134 : f32 to vector<16xf32>
        %parallel_loop3A_136 = arith.maximumf %parallel_loop3A_133, %parallel_loop3A_135 : vector<16xf32>
        %parallel_loop3A_137 = tpu.bitcast %parallel_loop3A_133 : vector<16xf32> -> vector<16xi32>
        %parallel_loop3A_138 = arith.constant 31 : i32
        %parallel_loop3A_139 = vector.broadcast %parallel_loop3A_138 : i32 to vector<16xi32>
        %parallel_loop3A_140 = arith.shrui %parallel_loop3A_137, %parallel_loop3A_139 : vector<16xi32>
        %parallel_loop3A_141 = arith.addi %parallel_loop3A_126, %parallel_loop3A_140 : vector<16xi32>
        %parallel_loop3A_142 = arith.addf %parallel_loop3A_127, %parallel_loop3A_136 : vector<16xf32>
        %parallel_loop3A_143 = arith.mulf %parallel_loop3A_136, %parallel_loop3A_136 : vector<16xf32>
        %parallel_loop3A_144 = arith.addf %parallel_loop3A_129, %parallel_loop3A_143 : vector<16xf32>
        %parallel_loop3A_145 = arith.index_cast %parallel_loop3A_111 : i32 to index
        %parallel_loop3A_146 = arith.constant 32 : index
        %parallel_loop3A_147 = tpu.vector_load %arg4[%parallel_loop3A_145, %parallel_loop3A_146] {strides = array<i32>} : memref<224x224xf32, #tpu.memory_space<vmem>>, vector<1x16xf32>,
        %parallel_loop3A_148 = vector.shape_cast %parallel_loop3A_147 : vector<1x16xf32> to vector<16xf32>
        %parallel_loop3A_149 = arith.constant 0.000000e+00 : f32
        %parallel_loop3A_150 = vector.broadcast %parallel_loop3A_149 : f32 to vector<16xf32>
        %parallel_loop3A_151 = arith.maximumf %parallel_loop3A_148, %parallel_loop3A_150 : vector<16xf32>
        %parallel_loop3A_152 = tpu.bitcast %parallel_loop3A_148 : vector<16xf32> -> vector<16xi32>
        %parallel_loop3A_153 = arith.constant 31 : i32
        %parallel_loop3A_154 = vector.broadcast %parallel_loop3A_153 : i32 to vector<16xi32>
        %parallel_loop3A_155 = arith.shrui %parallel_loop3A_152, %parallel_loop3A_154 : vector<16xi32>
        %parallel_loop3A_156 = arith.addi %parallel_loop3A_141, %parallel_loop3A_155 : vector<16xi32>
        %parallel_loop3A_157 = arith.addf %parallel_loop3A_142, %parallel_loop3A_151 : vector<16xf32>
        %parallel_loop3A_158 = arith.mulf %parallel_loop3A_151, %parallel_loop3A_151 : vector<16xf32>
        %parallel_loop3A_159 = arith.addf %parallel_loop3A_144, %parallel_loop3A_158 : vector<16xf32>
        %parallel_loop3A_160 = arith.index_cast %parallel_loop3A_111 : i32 to index
        %parallel_loop3A_161 = arith.constant 48 : index
        %parallel_loop3A_162 = tpu.vector_load %arg4[%parallel_loop3A_160, %parallel_loop3A_161] {strides = array<i32>} : memref<224x224xf32, #tpu.memory_space<vmem>>, vector<1x16xf32>,
        %parallel_loop3A_163 = vector.shape_cast %parallel_loop3A_162 : vector<1x16xf32> to vector<16xf32>
        %parallel_loop3A_164 = arith.constant 0.000000e+00 : f32
        %parallel_loop3A_165 = vector.broadcast %parallel_loop3A_164 : f32 to vector<16xf32>
        %parallel_loop3A_166 = arith.maximumf %parallel_loop3A_163, %parallel_loop3A_165 : vector<16xf32>
        %parallel_loop3A_167 = tpu.bitcast %parallel_loop3A_163 : vector<16xf32> -> vector<16xi32>
        %parallel_loop3A_168 = arith.constant 31 : i32
        %parallel_loop3A_169 = vector.broadcast %parallel_loop3A_168 : i32 to vector<16xi32>
        %parallel_loop3A_170 = arith.shrui %parallel_loop3A_167, %parallel_loop3A_169 : vector<16xi32>
        %parallel_loop3A_171 = arith.addi %parallel_loop3A_156, %parallel_loop3A_170 : vector<16xi32>
        %parallel_loop3A_172 = arith.addf %parallel_loop3A_157, %parallel_loop3A_166 : vector<16xf32>
        %parallel_loop3A_173 = arith.mulf %parallel_loop3A_166, %parallel_loop3A_166 : vector<16xf32>
        %parallel_loop3A_174 = arith.addf %parallel_loop3A_159, %parallel_loop3A_173 : vector<16xf32>
        %parallel_loop3A_175 = arith.index_cast %parallel_loop3A_111 : i32 to index
        %parallel_loop3A_176 = arith.constant 64 : index
        %parallel_loop3A_177 = tpu.vector_load %arg4[%parallel_loop3A_175, %parallel_loop3A_176] {strides = array<i32>} : memref<224x224xf32, #tpu.memory_space<vmem>>, vector<1x16xf32>,
        %parallel_loop3A_178 = vector.shape_cast %parallel_loop3A_177 : vector<1x16xf32> to vector<16xf32>
        %parallel_loop3A_179 = arith.constant 0.000000e+00 : f32
        %parallel_loop3A_180 = vector.broadcast %parallel_loop3A_179 : f32 to vector<16xf32>
        %parallel_loop3A_181 = arith.maximumf %parallel_loop3A_178, %parallel_loop3A_180 : vector<16xf32>
        %parallel_loop3A_182 = tpu.bitcast %parallel_loop3A_178 : vector<16xf32> -> vector<16xi32>
        %parallel_loop3A_183 = arith.constant 31 : i32
        %parallel_loop3A_184 = vector.broadcast %parallel_loop3A_183 : i32 to vector<16xi32>
        %parallel_loop3A_185 = arith.shrui %parallel_loop3A_182, %parallel_loop3A_184 : vector<16xi32>
        %parallel_loop3A_186 = arith.addi %parallel_loop3A_171, %parallel_loop3A_185 : vector<16xi32>
        %parallel_loop3A_187 = arith.addf %parallel_loop3A_172, %parallel_loop3A_181 : vector<16xf32>
        %parallel_loop3A_188 = arith.mulf %parallel_loop3A_181, %parallel_loop3A_181 : vector<16xf32>
        %parallel_loop3A_189 = arith.addf %parallel_loop3A_174, %parallel_loop3A_188 : vector<16xf32>
        %parallel_loop3A_190 = arith.index_cast %parallel_loop3A_111 : i32 to index
        %parallel_loop3A_191 = arith.constant 80 : index
        %parallel_loop3A_192 = tpu.vector_load %arg4[%parallel_loop3A_190, %parallel_loop3A_191] {strides = array<i32>} : memref<224x224xf32, #tpu.memory_space<vmem>>, vector<1x16xf32>,
        %parallel_loop3A_193 = vector.shape_cast %parallel_loop3A_192 : vector<1x16xf32> to vector<16xf32>
        %parallel_loop3A_194 = arith.constant 0.000000e+00 : f32
        %parallel_loop3A_195 = vector.broadcast %parallel_loop3A_194 : f32 to vector<16xf32>
        %parallel_loop3A_196 = arith.maximumf %parallel_loop3A_193, %parallel_loop3A_195 : vector<16xf32>
        %parallel_loop3A_197 = tpu.bitcast %parallel_loop3A_193 : vector<16xf32> -> vector<16xi32>
        %parallel_loop3A_198 = arith.constant 31 : i32
        %parallel_loop3A_199 = vector.broadcast %parallel_loop3A_198 : i32 to vector<16xi32>
        %parallel_loop3A_200 = arith.shrui %parallel_loop3A_197, %parallel_loop3A_199 : vector<16xi32>
        %parallel_loop3A_201 = arith.addi %parallel_loop3A_186, %parallel_loop3A_200 : vector<16xi32>
        %parallel_loop3A_202 = arith.addf %parallel_loop3A_187, %parallel_loop3A_196 : vector<16xf32>
        %parallel_loop3A_203 = arith.mulf %parallel_loop3A_196, %parallel_loop3A_196 : vector<16xf32>
        %parallel_loop3A_204 = arith.addf %parallel_loop3A_189, %parallel_loop3A_203 : vector<16xf32>
        %parallel_loop3A_205 = arith.index_cast %parallel_loop3A_111 : i32 to index
        %parallel_loop3A_206 = arith.constant 96 : index
        %parallel_loop3A_207 = tpu.vector_load %arg4[%parallel_loop3A_205, %parallel_loop3A_206] {strides = array<i32>} : memref<224x224xf32, #tpu.memory_space<vmem>>, vector<1x16xf32>,
        %parallel_loop3A_208 = vector.shape_cast %parallel_loop3A_207 : vector<1x16xf32> to vector<16xf32>
        %parallel_loop3A_209 = arith.constant 0.000000e+00 : f32
        %parallel_loop3A_210 = vector.broadcast %parallel_loop3A_209 : f32 to vector<16xf32>
        %parallel_loop3A_211 = arith.maximumf %parallel_loop3A_208, %parallel_loop3A_210 : vector<16xf32>
        %parallel_loop3A_212 = tpu.bitcast %parallel_loop3A_208 : vector<16xf32> -> vector<16xi32>
        %parallel_loop3A_213 = arith.constant 31 : i32
        %parallel_loop3A_214 = vector.broadcast %parallel_loop3A_213 : i32 to vector<16xi32>
        %parallel_loop3A_215 = arith.shrui %parallel_loop3A_212, %parallel_loop3A_214 : vector<16xi32>
        %parallel_loop3A_216 = arith.addi %parallel_loop3A_201, %parallel_loop3A_215 : vector<16xi32>
        %parallel_loop3A_217 = arith.addf %parallel_loop3A_202, %parallel_loop3A_211 : vector<16xf32>
        %parallel_loop3A_218 = arith.mulf %parallel_loop3A_211, %parallel_loop3A_211 : vector<16xf32>
        %parallel_loop3A_219 = arith.addf %parallel_loop3A_204, %parallel_loop3A_218 : vector<16xf32>
        %parallel_loop3A_220 = arith.index_cast %parallel_loop3A_111 : i32 to index
        %parallel_loop3A_221 = arith.constant 112 : index
        %parallel_loop3A_222 = tpu.vector_load %arg4[%parallel_loop3A_220, %parallel_loop3A_221] {strides = array<i32>} : memref<224x224xf32, #tpu.memory_space<vmem>>, vector<1x16xf32>,
        %parallel_loop3A_223 = vector.shape_cast %parallel_loop3A_222 : vector<1x16xf32> to vector<16xf32>
        %parallel_loop3A_224 = arith.constant 0.000000e+00 : f32
        %parallel_loop3A_225 = vector.broadcast %parallel_loop3A_224 : f32 to vector<16xf32>
        %parallel_loop3A_226 = arith.maximumf %parallel_loop3A_223, %parallel_loop3A_225 : vector<16xf32>
        %parallel_loop3A_227 = tpu.bitcast %parallel_loop3A_223 : vector<16xf32> -> vector<16xi32>
        %parallel_loop3A_228 = arith.constant 31 : i32
        %parallel_loop3A_229 = vector.broadcast %parallel_loop3A_228 : i32 to vector<16xi32>
        %parallel_loop3A_230 = arith.shrui %parallel_loop3A_227, %parallel_loop3A_229 : vector<16xi32>
        %parallel_loop3A_231 = arith.addi %parallel_loop3A_216, %parallel_loop3A_230 : vector<16xi32>
        %parallel_loop3A_232 = arith.addf %parallel_loop3A_217, %parallel_loop3A_226 : vector<16xf32>
        %parallel_loop3A_233 = arith.mulf %parallel_loop3A_226, %parallel_loop3A_226 : vector<16xf32>
        %parallel_loop3A_234 = arith.addf %parallel_loop3A_219, %parallel_loop3A_233 : vector<16xf32>
        %parallel_loop3A_235 = arith.index_cast %parallel_loop3A_111 : i32 to index
        %parallel_loop3A_236 = arith.constant 128 : index
        %parallel_loop3A_237 = tpu.vector_load %arg4[%parallel_loop3A_235, %parallel_loop3A_236] {strides = array<i32>} : memref<224x224xf32, #tpu.memory_space<vmem>>, vector<1x16xf32>,
        %parallel_loop3A_238 = vector.shape_cast %parallel_loop3A_237 : vector<1x16xf32> to vector<16xf32>
        %parallel_loop3A_239 = arith.constant 0.000000e+00 : f32
        %parallel_loop3A_240 = vector.broadcast %parallel_loop3A_239 : f32 to vector<16xf32>
        %parallel_loop3A_241 = arith.maximumf %parallel_loop3A_238, %parallel_loop3A_240 : vector<16xf32>
        %parallel_loop3A_242 = tpu.bitcast %parallel_loop3A_238 : vector<16xf32> -> vector<16xi32>
        %parallel_loop3A_243 = arith.constant 31 : i32
        %parallel_loop3A_244 = vector.broadcast %parallel_loop3A_243 : i32 to vector<16xi32>
        %parallel_loop3A_245 = arith.shrui %parallel_loop3A_242, %parallel_loop3A_244 : vector<16xi32>
        %parallel_loop3A_246 = arith.addi %parallel_loop3A_231, %parallel_loop3A_245 : vector<16xi32>
        %parallel_loop3A_247 = arith.addf %parallel_loop3A_232, %parallel_loop3A_241 : vector<16xf32>
        %parallel_loop3A_248 = arith.mulf %parallel_loop3A_241, %parallel_loop3A_241 : vector<16xf32>
        %parallel_loop3A_249 = arith.addf %parallel_loop3A_234, %parallel_loop3A_248 : vector<16xf32>
        %parallel_loop3A_250 = arith.index_cast %parallel_loop3A_111 : i32 to index
        %parallel_loop3A_251 = arith.constant 144 : index
        %parallel_loop3A_252 = tpu.vector_load %arg4[%parallel_loop3A_250, %parallel_loop3A_251] {strides = array<i32>} : memref<224x224xf32, #tpu.memory_space<vmem>>, vector<1x16xf32>,
        %parallel_loop3A_253 = vector.shape_cast %parallel_loop3A_252 : vector<1x16xf32> to vector<16xf32>
        %parallel_loop3A_254 = arith.constant 0.000000e+00 : f32
        %parallel_loop3A_255 = vector.broadcast %parallel_loop3A_254 : f32 to vector<16xf32>
        %parallel_loop3A_256 = arith.maximumf %parallel_loop3A_253, %parallel_loop3A_255 : vector<16xf32>
        %parallel_loop3A_257 = tpu.bitcast %parallel_loop3A_253 : vector<16xf32> -> vector<16xi32>
        %parallel_loop3A_258 = arith.constant 31 : i32
        %parallel_loop3A_259 = vector.broadcast %parallel_loop3A_258 : i32 to vector<16xi32>
        %parallel_loop3A_260 = arith.shrui %parallel_loop3A_257, %parallel_loop3A_259 : vector<16xi32>
        %parallel_loop3A_261 = arith.addi %parallel_loop3A_246, %parallel_loop3A_260 : vector<16xi32>
        %parallel_loop3A_262 = arith.addf %parallel_loop3A_247, %parallel_loop3A_256 : vector<16xf32>
        %parallel_loop3A_263 = arith.mulf %parallel_loop3A_256, %parallel_loop3A_256 : vector<16xf32>
        %parallel_loop3A_264 = arith.addf %parallel_loop3A_249, %parallel_loop3A_263 : vector<16xf32>
        %parallel_loop3A_265 = arith.index_cast %parallel_loop3A_111 : i32 to index
        %parallel_loop3A_266 = arith.constant 160 : index
        %parallel_loop3A_267 = tpu.vector_load %arg4[%parallel_loop3A_265, %parallel_loop3A_266] {strides = array<i32>} : memref<224x224xf32, #tpu.memory_space<vmem>>, vector<1x16xf32>,
        %parallel_loop3A_268 = vector.shape_cast %parallel_loop3A_267 : vector<1x16xf32> to vector<16xf32>
        %parallel_loop3A_269 = arith.constant 0.000000e+00 : f32
        %parallel_loop3A_270 = vector.broadcast %parallel_loop3A_269 : f32 to vector<16xf32>
        %parallel_loop3A_271 = arith.maximumf %parallel_loop3A_268, %parallel_loop3A_270 : vector<16xf32>
        %parallel_loop3A_272 = tpu.bitcast %parallel_loop3A_268 : vector<16xf32> -> vector<16xi32>
        %parallel_loop3A_273 = arith.constant 31 : i32
        %parallel_loop3A_274 = vector.broadcast %parallel_loop3A_273 : i32 to vector<16xi32>
        %parallel_loop3A_275 = arith.shrui %parallel_loop3A_272, %parallel_loop3A_274 : vector<16xi32>
        %parallel_loop3A_276 = arith.addi %parallel_loop3A_261, %parallel_loop3A_275 : vector<16xi32>
        %parallel_loop3A_277 = arith.addf %parallel_loop3A_262, %parallel_loop3A_271 : vector<16xf32>
        %parallel_loop3A_278 = arith.mulf %parallel_loop3A_271, %parallel_loop3A_271 : vector<16xf32>
        %parallel_loop3A_279 = arith.addf %parallel_loop3A_264, %parallel_loop3A_278 : vector<16xf32>
        %parallel_loop3A_280 = arith.index_cast %parallel_loop3A_111 : i32 to index
        %parallel_loop3A_281 = arith.constant 176 : index
        %parallel_loop3A_282 = tpu.vector_load %arg4[%parallel_loop3A_280, %parallel_loop3A_281] {strides = array<i32>} : memref<224x224xf32, #tpu.memory_space<vmem>>, vector<1x16xf32>,
        %parallel_loop3A_283 = vector.shape_cast %parallel_loop3A_282 : vector<1x16xf32> to vector<16xf32>
        %parallel_loop3A_284 = arith.constant 0.000000e+00 : f32
        %parallel_loop3A_285 = vector.broadcast %parallel_loop3A_284 : f32 to vector<16xf32>
        %parallel_loop3A_286 = arith.maximumf %parallel_loop3A_283, %parallel_loop3A_285 : vector<16xf32>
        %parallel_loop3A_287 = tpu.bitcast %parallel_loop3A_283 : vector<16xf32> -> vector<16xi32>
        %parallel_loop3A_288 = arith.constant 31 : i32
        %parallel_loop3A_289 = vector.broadcast %parallel_loop3A_288 : i32 to vector<16xi32>
        %parallel_loop3A_290 = arith.shrui %parallel_loop3A_287, %parallel_loop3A_289 : vector<16xi32>
        %parallel_loop3A_291 = arith.addi %parallel_loop3A_276, %parallel_loop3A_290 : vector<16xi32>
        %parallel_loop3A_292 = arith.addf %parallel_loop3A_277, %parallel_loop3A_286 : vector<16xf32>
        %parallel_loop3A_293 = arith.mulf %parallel_loop3A_286, %parallel_loop3A_286 : vector<16xf32>
        %parallel_loop3A_294 = arith.addf %parallel_loop3A_279, %parallel_loop3A_293 : vector<16xf32>
        %parallel_loop3A_295 = arith.index_cast %parallel_loop3A_111 : i32 to index
        %parallel_loop3A_296 = arith.constant 192 : index
        %parallel_loop3A_297 = tpu.vector_load %arg4[%parallel_loop3A_295, %parallel_loop3A_296] {strides = array<i32>} : memref<224x224xf32, #tpu.memory_space<vmem>>, vector<1x16xf32>,
        %parallel_loop3A_298 = vector.shape_cast %parallel_loop3A_297 : vector<1x16xf32> to vector<16xf32>
        %parallel_loop3A_299 = arith.constant 0.000000e+00 : f32
        %parallel_loop3A_300 = vector.broadcast %parallel_loop3A_299 : f32 to vector<16xf32>
        %parallel_loop3A_301 = arith.maximumf %parallel_loop3A_298, %parallel_loop3A_300 : vector<16xf32>
        %parallel_loop3A_302 = tpu.bitcast %parallel_loop3A_298 : vector<16xf32> -> vector<16xi32>
        %parallel_loop3A_303 = arith.constant 31 : i32
        %parallel_loop3A_304 = vector.broadcast %parallel_loop3A_303 : i32 to vector<16xi32>
        %parallel_loop3A_305 = arith.shrui %parallel_loop3A_302, %parallel_loop3A_304 : vector<16xi32>
        %parallel_loop3A_306 = arith.addi %parallel_loop3A_291, %parallel_loop3A_305 : vector<16xi32>
        %parallel_loop3A_307 = arith.addf %parallel_loop3A_292, %parallel_loop3A_301 : vector<16xf32>
        %parallel_loop3A_308 = arith.mulf %parallel_loop3A_301, %parallel_loop3A_301 : vector<16xf32>
        %parallel_loop3A_309 = arith.addf %parallel_loop3A_294, %parallel_loop3A_308 : vector<16xf32>
        %parallel_loop3A_310 = arith.index_cast %parallel_loop3A_111 : i32 to index
        %parallel_loop3A_311 = arith.constant 208 : index
        %parallel_loop3A_312 = tpu.vector_load %arg4[%parallel_loop3A_310, %parallel_loop3A_311] {strides = array<i32>} : memref<224x224xf32, #tpu.memory_space<vmem>>, vector<1x16xf32>,
        %parallel_loop3A_313 = vector.shape_cast %parallel_loop3A_312 : vector<1x16xf32> to vector<16xf32>
        %parallel_loop3A_314 = arith.constant 0.000000e+00 : f32
        %parallel_loop3A_315 = vector.broadcast %parallel_loop3A_314 : f32 to vector<16xf32>
        %parallel_loop3A_316 = arith.maximumf %parallel_loop3A_313, %parallel_loop3A_315 : vector<16xf32>
        %parallel_loop3A_317 = tpu.bitcast %parallel_loop3A_313 : vector<16xf32> -> vector<16xi32>
        %parallel_loop3A_318 = arith.constant 31 : i32
        %parallel_loop3A_319 = vector.broadcast %parallel_loop3A_318 : i32 to vector<16xi32>
        %parallel_loop3A_320 = arith.shrui %parallel_loop3A_317, %parallel_loop3A_319 : vector<16xi32>
        %parallel_loop3A_321 = arith.addi %parallel_loop3A_306, %parallel_loop3A_320 : vector<16xi32>
        %parallel_loop3A_322 = arith.addf %parallel_loop3A_307, %parallel_loop3A_316 : vector<16xf32>
        %parallel_loop3A_323 = arith.mulf %parallel_loop3A_316, %parallel_loop3A_316 : vector<16xf32>
        %parallel_loop3A_324 = arith.addf %parallel_loop3A_309, %parallel_loop3A_323 : vector<16xf32>
        scf.yield %parallel_loop3A_321, %parallel_loop3A_322, %parallel_loop3A_324 : vector<16xi32>, vector<16xf32>, vector<16xf32>
      } {sc.loop_unroll_factor = 1 : i64, sc.parallel_access}
      %lt3A_92 = arith.constant 7 : i32
      %lt3A_93 = arith.cmpi slt, %scan3A_66, %lt3A_92 : i32
      %convert_element_type3A_94 = arith.extui %lt3A_93 : i1 to i32
      %cond3A = arith.constant 0 : i32
      %cond3A_95 = arith.cmpi ne, %convert_element_type3A_94, %cond3A : i32
      scf.if %cond3A_95 {
        %mul3A_111 = arith.constant 2 : i32
        %mul3A_112 = arith.muli %mul3A_111, %scan3A_66 : i32
        %add3A_113 = arith.constant 2 : i32
        %add3A_114 = arith.addi %mul3A_112, %add3A_113 : i32
        %mul3A_115 = arith.constant 224 : i32
        %mul3A_116 = arith.muli %add3A_114, %mul3A_115 : i32
        %add3A_117 = arith.addi %add3A_35, %mul3A_116 : i32
        %dma_start3A_118 = arith.constant 0 : i32
        %dma_start3A_119 = tpu.memref_slice %arg2[%add3A_117, %dma_start3A_118] : memref<172032x224xf32, #tpu.memory_space<hbm>> -> memref<224x224xf32, #tpu.memory_space<hbm>>
        %dma_start3A_120 = arith.constant 0 : i32
        %dma_start3A_121 = tpu.memref_slice %arg2[%add3A_117, %dma_start3A_120] : memref<172032x224xf32, #tpu.memory_space<hbm>> -> memref<224x224xf32, #tpu.memory_space<hbm>>
        tpu.enqueue_dma source(%dma_start3A_121 : memref<224x224xf32, #tpu.memory_space<hbm>>) target(%arg4 : memref<224x224xf32, #tpu.memory_space<vmem>>) target_semaphore(%arg7 : memref<!tpu.dma_semaphore, #tpu.memory_space<semaphore_mem>>)
      } else {
      }
      %mul3A_96 = arith.constant 2 : i32
      %mul3A_97 = arith.muli %mul3A_96, %scan3A_66 : i32
      %add3A_98 = arith.constant 1 : i32
      %add3A_99 = arith.addi %mul3A_97, %add3A_98 : i32
      %mul3A_100 = arith.constant 224 : i32
      %mul3A_101 = arith.muli %add3A_99, %mul3A_100 : i32
      %add3A_102 = arith.addi %add3A_35, %mul3A_101 : i32
      %dma_wait3A_103 = arith.constant 0 : i32
      %dma_wait3A_104 = tpu.memref_slice %arg2[%add3A_102, %dma_wait3A_103] : memref<172032x224xf32, #tpu.memory_space<hbm>> -> memref<224x224xf32, #tpu.memory_space<hbm>>
      %dma_wait3A_105 = arith.constant 0 : i32
      %dma_wait3A_106 = tpu.memref_slice %arg2[%add3A_102, %dma_wait3A_105] : memref<172032x224xf32, #tpu.memory_space<hbm>> -> memref<224x224xf32, #tpu.memory_space<hbm>>
      tpu.wait_dma2 semaphore(%arg8 : memref<!tpu.dma_semaphore, #tpu.memory_space<semaphore_mem>>) src(%dma_wait3A_106 : memref<224x224xf32, #tpu.memory_space<hbm>>) dst(%arg5 : memref<224x224xf32, #tpu.memory_space<vmem>>)
      %parallel_loop3A_107 = arith.constant 0 : i32
      %parallel_loop3A_108 = arith.constant 224 : i32
      %parallel_loop3A_109 = arith.constant 1 : i32
      %parallel_loop3A_110:3 = scf.for %parallel_loop3A_111 = %parallel_loop3A_107 to %parallel_loop3A_108 step %parallel_loop3A_109 iter_args(%parallel_loop3A_112 = %parallel_loop3A_91#0, %parallel_loop3A_113 = %parallel_loop3A_91#1, %parallel_loop3A_114 = %parallel_loop3A_91#2) -> (vector<16xi32>, vector<16xf32>, vector<16xf32>)  : i32 {
        %parallel_loop3A_115 = arith.index_cast %parallel_loop3A_111 : i32 to index
        %parallel_loop3A_116 = arith.constant 0 : index
        %parallel_loop3A_117 = tpu.vector_load %arg5[%parallel_loop3A_115, %parallel_loop3A_116] {strides = array<i32>} : memref<224x224xf32, #tpu.memory_space<vmem>>, vector<1x16xf32>,
        %parallel_loop3A_118 = vector.shape_cast %parallel_loop3A_117 : vector<1x16xf32> to vector<16xf32>
        %parallel_loop3A_119 = arith.constant 0.000000e+00 : f32
        %parallel_loop3A_120 = vector.broadcast %parallel_loop3A_119 : f32 to vector<16xf32>
        %parallel_loop3A_121 = arith.maximumf %parallel_loop3A_118, %parallel_loop3A_120 : vector<16xf32>
        %parallel_loop3A_122 = tpu.bitcast %parallel_loop3A_118 : vector<16xf32> -> vector<16xi32>
        %parallel_loop3A_123 = arith.constant 31 : i32
        %parallel_loop3A_124 = vector.broadcast %parallel_loop3A_123 : i32 to vector<16xi32>
        %parallel_loop3A_125 = arith.shrui %parallel_loop3A_122, %parallel_loop3A_124 : vector<16xi32>
        %parallel_loop3A_126 = arith.addi %parallel_loop3A_112, %parallel_loop3A_125 : vector<16xi32>
        %parallel_loop3A_127 = arith.addf %parallel_loop3A_113, %parallel_loop3A_121 : vector<16xf32>
        %parallel_loop3A_128 = arith.mulf %parallel_loop3A_121, %parallel_loop3A_121 : vector<16xf32>
        %parallel_loop3A_129 = arith.addf %parallel_loop3A_114, %parallel_loop3A_128 : vector<16xf32>
        %parallel_loop3A_130 = arith.index_cast %parallel_loop3A_111 : i32 to index
        %parallel_loop3A_131 = arith.constant 16 : index
        %parallel_loop3A_132 = tpu.vector_load %arg5[%parallel_loop3A_130, %parallel_loop3A_131] {strides = array<i32>} : memref<224x224xf32, #tpu.memory_space<vmem>>, vector<1x16xf32>,
        %parallel_loop3A_133 = vector.shape_cast %parallel_loop3A_132 : vector<1x16xf32> to vector<16xf32>
        %parallel_loop3A_134 = arith.constant 0.000000e+00 : f32
        %parallel_loop3A_135 = vector.broadcast %parallel_loop3A_134 : f32 to vector<16xf32>
        %parallel_loop3A_136 = arith.maximumf %parallel_loop3A_133, %parallel_loop3A_135 : vector<16xf32>
        %parallel_loop3A_137 = tpu.bitcast %parallel_loop3A_133 : vector<16xf32> -> vector<16xi32>
        %parallel_loop3A_138 = arith.constant 31 : i32
        %parallel_loop3A_139 = vector.broadcast %parallel_loop3A_138 : i32 to vector<16xi32>
        %parallel_loop3A_140 = arith.shrui %parallel_loop3A_137, %parallel_loop3A_139 : vector<16xi32>
        %parallel_loop3A_141 = arith.addi %parallel_loop3A_126, %parallel_loop3A_140 : vector<16xi32>
        %parallel_loop3A_142 = arith.addf %parallel_loop3A_127, %parallel_loop3A_136 : vector<16xf32>
        %parallel_loop3A_143 = arith.mulf %parallel_loop3A_136, %parallel_loop3A_136 : vector<16xf32>
        %parallel_loop3A_144 = arith.addf %parallel_loop3A_129, %parallel_loop3A_143 : vector<16xf32>
        %parallel_loop3A_145 = arith.index_cast %parallel_loop3A_111 : i32 to index
        %parallel_loop3A_146 = arith.constant 32 : index
        %parallel_loop3A_147 = tpu.vector_load %arg5[%parallel_loop3A_145, %parallel_loop3A_146] {strides = array<i32>} : memref<224x224xf32, #tpu.memory_space<vmem>>, vector<1x16xf32>,
        %parallel_loop3A_148 = vector.shape_cast %parallel_loop3A_147 : vector<1x16xf32> to vector<16xf32>
        %parallel_loop3A_149 = arith.constant 0.000000e+00 : f32
        %parallel_loop3A_150 = vector.broadcast %parallel_loop3A_149 : f32 to vector<16xf32>
        %parallel_loop3A_151 = arith.maximumf %parallel_loop3A_148, %parallel_loop3A_150 : vector<16xf32>
        %parallel_loop3A_152 = tpu.bitcast %parallel_loop3A_148 : vector<16xf32> -> vector<16xi32>
        %parallel_loop3A_153 = arith.constant 31 : i32
        %parallel_loop3A_154 = vector.broadcast %parallel_loop3A_153 : i32 to vector<16xi32>
        %parallel_loop3A_155 = arith.shrui %parallel_loop3A_152, %parallel_loop3A_154 : vector<16xi32>
        %parallel_loop3A_156 = arith.addi %parallel_loop3A_141, %parallel_loop3A_155 : vector<16xi32>
        %parallel_loop3A_157 = arith.addf %parallel_loop3A_142, %parallel_loop3A_151 : vector<16xf32>
        %parallel_loop3A_158 = arith.mulf %parallel_loop3A_151, %parallel_loop3A_151 : vector<16xf32>
        %parallel_loop3A_159 = arith.addf %parallel_loop3A_144, %parallel_loop3A_158 : vector<16xf32>
        %parallel_loop3A_160 = arith.index_cast %parallel_loop3A_111 : i32 to index
        %parallel_loop3A_161 = arith.constant 48 : index
        %parallel_loop3A_162 = tpu.vector_load %arg5[%parallel_loop3A_160, %parallel_loop3A_161] {strides = array<i32>} : memref<224x224xf32, #tpu.memory_space<vmem>>, vector<1x16xf32>,
        %parallel_loop3A_163 = vector.shape_cast %parallel_loop3A_162 : vector<1x16xf32> to vector<16xf32>
        %parallel_loop3A_164 = arith.constant 0.000000e+00 : f32
        %parallel_loop3A_165 = vector.broadcast %parallel_loop3A_164 : f32 to vector<16xf32>
        %parallel_loop3A_166 = arith.maximumf %parallel_loop3A_163, %parallel_loop3A_165 : vector<16xf32>
        %parallel_loop3A_167 = tpu.bitcast %parallel_loop3A_163 : vector<16xf32> -> vector<16xi32>
        %parallel_loop3A_168 = arith.constant 31 : i32
        %parallel_loop3A_169 = vector.broadcast %parallel_loop3A_168 : i32 to vector<16xi32>
        %parallel_loop3A_170 = arith.shrui %parallel_loop3A_167, %parallel_loop3A_169 : vector<16xi32>
        %parallel_loop3A_171 = arith.addi %parallel_loop3A_156, %parallel_loop3A_170 : vector<16xi32>
        %parallel_loop3A_172 = arith.addf %parallel_loop3A_157, %parallel_loop3A_166 : vector<16xf32>
        %parallel_loop3A_173 = arith.mulf %parallel_loop3A_166, %parallel_loop3A_166 : vector<16xf32>
        %parallel_loop3A_174 = arith.addf %parallel_loop3A_159, %parallel_loop3A_173 : vector<16xf32>
        %parallel_loop3A_175 = arith.index_cast %parallel_loop3A_111 : i32 to index
        %parallel_loop3A_176 = arith.constant 64 : index
        %parallel_loop3A_177 = tpu.vector_load %arg5[%parallel_loop3A_175, %parallel_loop3A_176] {strides = array<i32>} : memref<224x224xf32, #tpu.memory_space<vmem>>, vector<1x16xf32>,
        %parallel_loop3A_178 = vector.shape_cast %parallel_loop3A_177 : vector<1x16xf32> to vector<16xf32>
        %parallel_loop3A_179 = arith.constant 0.000000e+00 : f32
        %parallel_loop3A_180 = vector.broadcast %parallel_loop3A_179 : f32 to vector<16xf32>
        %parallel_loop3A_181 = arith.maximumf %parallel_loop3A_178, %parallel_loop3A_180 : vector<16xf32>
        %parallel_loop3A_182 = tpu.bitcast %parallel_loop3A_178 : vector<16xf32> -> vector<16xi32>
        %parallel_loop3A_183 = arith.constant 31 : i32
        %parallel_loop3A_184 = vector.broadcast %parallel_loop3A_183 : i32 to vector<16xi32>
        %parallel_loop3A_185 = arith.shrui %parallel_loop3A_182, %parallel_loop3A_184 : vector<16xi32>
        %parallel_loop3A_186 = arith.addi %parallel_loop3A_171, %parallel_loop3A_185 : vector<16xi32>
        %parallel_loop3A_187 = arith.addf %parallel_loop3A_172, %parallel_loop3A_181 : vector<16xf32>
        %parallel_loop3A_188 = arith.mulf %parallel_loop3A_181, %parallel_loop3A_181 : vector<16xf32>
        %parallel_loop3A_189 = arith.addf %parallel_loop3A_174, %parallel_loop3A_188 : vector<16xf32>
        %parallel_loop3A_190 = arith.index_cast %parallel_loop3A_111 : i32 to index
        %parallel_loop3A_191 = arith.constant 80 : index
        %parallel_loop3A_192 = tpu.vector_load %arg5[%parallel_loop3A_190, %parallel_loop3A_191] {strides = array<i32>} : memref<224x224xf32, #tpu.memory_space<vmem>>, vector<1x16xf32>,
        %parallel_loop3A_193 = vector.shape_cast %parallel_loop3A_192 : vector<1x16xf32> to vector<16xf32>
        %parallel_loop3A_194 = arith.constant 0.000000e+00 : f32
        %parallel_loop3A_195 = vector.broadcast %parallel_loop3A_194 : f32 to vector<16xf32>
        %parallel_loop3A_196 = arith.maximumf %parallel_loop3A_193, %parallel_loop3A_195 : vector<16xf32>
        %parallel_loop3A_197 = tpu.bitcast %parallel_loop3A_193 : vector<16xf32> -> vector<16xi32>
        %parallel_loop3A_198 = arith.constant 31 : i32
        %parallel_loop3A_199 = vector.broadcast %parallel_loop3A_198 : i32 to vector<16xi32>
        %parallel_loop3A_200 = arith.shrui %parallel_loop3A_197, %parallel_loop3A_199 : vector<16xi32>
        %parallel_loop3A_201 = arith.addi %parallel_loop3A_186, %parallel_loop3A_200 : vector<16xi32>
        %parallel_loop3A_202 = arith.addf %parallel_loop3A_187, %parallel_loop3A_196 : vector<16xf32>
        %parallel_loop3A_203 = arith.mulf %parallel_loop3A_196, %parallel_loop3A_196 : vector<16xf32>
        %parallel_loop3A_204 = arith.addf %parallel_loop3A_189, %parallel_loop3A_203 : vector<16xf32>
        %parallel_loop3A_205 = arith.index_cast %parallel_loop3A_111 : i32 to index
        %parallel_loop3A_206 = arith.constant 96 : index
        %parallel_loop3A_207 = tpu.vector_load %arg5[%parallel_loop3A_205, %parallel_loop3A_206] {strides = array<i32>} : memref<224x224xf32, #tpu.memory_space<vmem>>, vector<1x16xf32>,
        %parallel_loop3A_208 = vector.shape_cast %parallel_loop3A_207 : vector<1x16xf32> to vector<16xf32>
        %parallel_loop3A_209 = arith.constant 0.000000e+00 : f32
        %parallel_loop3A_210 = vector.broadcast %parallel_loop3A_209 : f32 to vector<16xf32>
        %parallel_loop3A_211 = arith.maximumf %parallel_loop3A_208, %parallel_loop3A_210 : vector<16xf32>
        %parallel_loop3A_212 = tpu.bitcast %parallel_loop3A_208 : vector<16xf32> -> vector<16xi32>
        %parallel_loop3A_213 = arith.constant 31 : i32
        %parallel_loop3A_214 = vector.broadcast %parallel_loop3A_213 : i32 to vector<16xi32>
        %parallel_loop3A_215 = arith.shrui %parallel_loop3A_212, %parallel_loop3A_214 : vector<16xi32>
        %parallel_loop3A_216 = arith.addi %parallel_loop3A_201, %parallel_loop3A_215 : vector<16xi32>
        %parallel_loop3A_217 = arith.addf %parallel_loop3A_202, %parallel_loop3A_211 : vector<16xf32>
        %parallel_loop3A_218 = arith.mulf %parallel_loop3A_211, %parallel_loop3A_211 : vector<16xf32>
        %parallel_loop3A_219 = arith.addf %parallel_loop3A_204, %parallel_loop3A_218 : vector<16xf32>
        %parallel_loop3A_220 = arith.index_cast %parallel_loop3A_111 : i32 to index
        %parallel_loop3A_221 = arith.constant 112 : index
        %parallel_loop3A_222 = tpu.vector_load %arg5[%parallel_loop3A_220, %parallel_loop3A_221] {strides = array<i32>} : memref<224x224xf32, #tpu.memory_space<vmem>>, vector<1x16xf32>,
        %parallel_loop3A_223 = vector.shape_cast %parallel_loop3A_222 : vector<1x16xf32> to vector<16xf32>
        %parallel_loop3A_224 = arith.constant 0.000000e+00 : f32
        %parallel_loop3A_225 = vector.broadcast %parallel_loop3A_224 : f32 to vector<16xf32>
        %parallel_loop3A_226 = arith.maximumf %parallel_loop3A_223, %parallel_loop3A_225 : vector<16xf32>
        %parallel_loop3A_227 = tpu.bitcast %parallel_loop3A_223 : vector<16xf32> -> vector<16xi32>
        %parallel_loop3A_228 = arith.constant 31 : i32
        %parallel_loop3A_229 = vector.broadcast %parallel_loop3A_228 : i32 to vector<16xi32>
        %parallel_loop3A_230 = arith.shrui %parallel_loop3A_227, %parallel_loop3A_229 : vector<16xi32>
        %parallel_loop3A_231 = arith.addi %parallel_loop3A_216, %parallel_loop3A_230 : vector<16xi32>
        %parallel_loop3A_232 = arith.addf %parallel_loop3A_217, %parallel_loop3A_226 : vector<16xf32>
        %parallel_loop3A_233 = arith.mulf %parallel_loop3A_226, %parallel_loop3A_226 : vector<16xf32>
        %parallel_loop3A_234 = arith.addf %parallel_loop3A_219, %parallel_loop3A_233 : vector<16xf32>
        %parallel_loop3A_235 = arith.index_cast %parallel_loop3A_111 : i32 to index
        %parallel_loop3A_236 = arith.constant 128 : index
        %parallel_loop3A_237 = tpu.vector_load %arg5[%parallel_loop3A_235, %parallel_loop3A_236] {strides = array<i32>} : memref<224x224xf32, #tpu.memory_space<vmem>>, vector<1x16xf32>,
        %parallel_loop3A_238 = vector.shape_cast %parallel_loop3A_237 : vector<1x16xf32> to vector<16xf32>
        %parallel_loop3A_239 = arith.constant 0.000000e+00 : f32
        %parallel_loop3A_240 = vector.broadcast %parallel_loop3A_239 : f32 to vector<16xf32>
        %parallel_loop3A_241 = arith.maximumf %parallel_loop3A_238, %parallel_loop3A_240 : vector<16xf32>
        %parallel_loop3A_242 = tpu.bitcast %parallel_loop3A_238 : vector<16xf32> -> vector<16xi32>
        %parallel_loop3A_243 = arith.constant 31 : i32
        %parallel_loop3A_244 = vector.broadcast %parallel_loop3A_243 : i32 to vector<16xi32>
        %parallel_loop3A_245 = arith.shrui %parallel_loop3A_242, %parallel_loop3A_244 : vector<16xi32>
        %parallel_loop3A_246 = arith.addi %parallel_loop3A_231, %parallel_loop3A_245 : vector<16xi32>
        %parallel_loop3A_247 = arith.addf %parallel_loop3A_232, %parallel_loop3A_241 : vector<16xf32>
        %parallel_loop3A_248 = arith.mulf %parallel_loop3A_241, %parallel_loop3A_241 : vector<16xf32>
        %parallel_loop3A_249 = arith.addf %parallel_loop3A_234, %parallel_loop3A_248 : vector<16xf32>
        %parallel_loop3A_250 = arith.index_cast %parallel_loop3A_111 : i32 to index
        %parallel_loop3A_251 = arith.constant 144 : index
        %parallel_loop3A_252 = tpu.vector_load %arg5[%parallel_loop3A_250, %parallel_loop3A_251] {strides = array<i32>} : memref<224x224xf32, #tpu.memory_space<vmem>>, vector<1x16xf32>,
        %parallel_loop3A_253 = vector.shape_cast %parallel_loop3A_252 : vector<1x16xf32> to vector<16xf32>
        %parallel_loop3A_254 = arith.constant 0.000000e+00 : f32
        %parallel_loop3A_255 = vector.broadcast %parallel_loop3A_254 : f32 to vector<16xf32>
        %parallel_loop3A_256 = arith.maximumf %parallel_loop3A_253, %parallel_loop3A_255 : vector<16xf32>
        %parallel_loop3A_257 = tpu.bitcast %parallel_loop3A_253 : vector<16xf32> -> vector<16xi32>
        %parallel_loop3A_258 = arith.constant 31 : i32
        %parallel_loop3A_259 = vector.broadcast %parallel_loop3A_258 : i32 to vector<16xi32>
        %parallel_loop3A_260 = arith.shrui %parallel_loop3A_257, %parallel_loop3A_259 : vector<16xi32>
        %parallel_loop3A_261 = arith.addi %parallel_loop3A_246, %parallel_loop3A_260 : vector<16xi32>
        %parallel_loop3A_262 = arith.addf %parallel_loop3A_247, %parallel_loop3A_256 : vector<16xf32>
        %parallel_loop3A_263 = arith.mulf %parallel_loop3A_256, %parallel_loop3A_256 : vector<16xf32>
        %parallel_loop3A_264 = arith.addf %parallel_loop3A_249, %parallel_loop3A_263 : vector<16xf32>
        %parallel_loop3A_265 = arith.index_cast %parallel_loop3A_111 : i32 to index
        %parallel_loop3A_266 = arith.constant 160 : index
        %parallel_loop3A_267 = tpu.vector_load %arg5[%parallel_loop3A_265, %parallel_loop3A_266] {strides = array<i32>} : memref<224x224xf32, #tpu.memory_space<vmem>>, vector<1x16xf32>,
        %parallel_loop3A_268 = vector.shape_cast %parallel_loop3A_267 : vector<1x16xf32> to vector<16xf32>
        %parallel_loop3A_269 = arith.constant 0.000000e+00 : f32
        %parallel_loop3A_270 = vector.broadcast %parallel_loop3A_269 : f32 to vector<16xf32>
        %parallel_loop3A_271 = arith.maximumf %parallel_loop3A_268, %parallel_loop3A_270 : vector<16xf32>
        %parallel_loop3A_272 = tpu.bitcast %parallel_loop3A_268 : vector<16xf32> -> vector<16xi32>
        %parallel_loop3A_273 = arith.constant 31 : i32
        %parallel_loop3A_274 = vector.broadcast %parallel_loop3A_273 : i32 to vector<16xi32>
        %parallel_loop3A_275 = arith.shrui %parallel_loop3A_272, %parallel_loop3A_274 : vector<16xi32>
        %parallel_loop3A_276 = arith.addi %parallel_loop3A_261, %parallel_loop3A_275 : vector<16xi32>
        %parallel_loop3A_277 = arith.addf %parallel_loop3A_262, %parallel_loop3A_271 : vector<16xf32>
        %parallel_loop3A_278 = arith.mulf %parallel_loop3A_271, %parallel_loop3A_271 : vector<16xf32>
        %parallel_loop3A_279 = arith.addf %parallel_loop3A_264, %parallel_loop3A_278 : vector<16xf32>
        %parallel_loop3A_280 = arith.index_cast %parallel_loop3A_111 : i32 to index
        %parallel_loop3A_281 = arith.constant 176 : index
        %parallel_loop3A_282 = tpu.vector_load %arg5[%parallel_loop3A_280, %parallel_loop3A_281] {strides = array<i32>} : memref<224x224xf32, #tpu.memory_space<vmem>>, vector<1x16xf32>,
        %parallel_loop3A_283 = vector.shape_cast %parallel_loop3A_282 : vector<1x16xf32> to vector<16xf32>
        %parallel_loop3A_284 = arith.constant 0.000000e+00 : f32
        %parallel_loop3A_285 = vector.broadcast %parallel_loop3A_284 : f32 to vector<16xf32>
        %parallel_loop3A_286 = arith.maximumf %parallel_loop3A_283, %parallel_loop3A_285 : vector<16xf32>
        %parallel_loop3A_287 = tpu.bitcast %parallel_loop3A_283 : vector<16xf32> -> vector<16xi32>
        %parallel_loop3A_288 = arith.constant 31 : i32
        %parallel_loop3A_289 = vector.broadcast %parallel_loop3A_288 : i32 to vector<16xi32>
        %parallel_loop3A_290 = arith.shrui %parallel_loop3A_287, %parallel_loop3A_289 : vector<16xi32>
        %parallel_loop3A_291 = arith.addi %parallel_loop3A_276, %parallel_loop3A_290 : vector<16xi32>
        %parallel_loop3A_292 = arith.addf %parallel_loop3A_277, %parallel_loop3A_286 : vector<16xf32>
        %parallel_loop3A_293 = arith.mulf %parallel_loop3A_286, %parallel_loop3A_286 : vector<16xf32>
        %parallel_loop3A_294 = arith.addf %parallel_loop3A_279, %parallel_loop3A_293 : vector<16xf32>
        %parallel_loop3A_295 = arith.index_cast %parallel_loop3A_111 : i32 to index
        %parallel_loop3A_296 = arith.constant 192 : index
        %parallel_loop3A_297 = tpu.vector_load %arg5[%parallel_loop3A_295, %parallel_loop3A_296] {strides = array<i32>} : memref<224x224xf32, #tpu.memory_space<vmem>>, vector<1x16xf32>,
        %parallel_loop3A_298 = vector.shape_cast %parallel_loop3A_297 : vector<1x16xf32> to vector<16xf32>
        %parallel_loop3A_299 = arith.constant 0.000000e+00 : f32
        %parallel_loop3A_300 = vector.broadcast %parallel_loop3A_299 : f32 to vector<16xf32>
        %parallel_loop3A_301 = arith.maximumf %parallel_loop3A_298, %parallel_loop3A_300 : vector<16xf32>
        %parallel_loop3A_302 = tpu.bitcast %parallel_loop3A_298 : vector<16xf32> -> vector<16xi32>
        %parallel_loop3A_303 = arith.constant 31 : i32
        %parallel_loop3A_304 = vector.broadcast %parallel_loop3A_303 : i32 to vector<16xi32>
        %parallel_loop3A_305 = arith.shrui %parallel_loop3A_302, %parallel_loop3A_304 : vector<16xi32>
        %parallel_loop3A_306 = arith.addi %parallel_loop3A_291, %parallel_loop3A_305 : vector<16xi32>
        %parallel_loop3A_307 = arith.addf %parallel_loop3A_292, %parallel_loop3A_301 : vector<16xf32>
        %parallel_loop3A_308 = arith.mulf %parallel_loop3A_301, %parallel_loop3A_301 : vector<16xf32>
        %parallel_loop3A_309 = arith.addf %parallel_loop3A_294, %parallel_loop3A_308 : vector<16xf32>
        %parallel_loop3A_310 = arith.index_cast %parallel_loop3A_111 : i32 to index
        %parallel_loop3A_311 = arith.constant 208 : index
        %parallel_loop3A_312 = tpu.vector_load %arg5[%parallel_loop3A_310, %parallel_loop3A_311] {strides = array<i32>} : memref<224x224xf32, #tpu.memory_space<vmem>>, vector<1x16xf32>,
        %parallel_loop3A_313 = vector.shape_cast %parallel_loop3A_312 : vector<1x16xf32> to vector<16xf32>
        %parallel_loop3A_314 = arith.constant 0.000000e+00 : f32
        %parallel_loop3A_315 = vector.broadcast %parallel_loop3A_314 : f32 to vector<16xf32>
        %parallel_loop3A_316 = arith.maximumf %parallel_loop3A_313, %parallel_loop3A_315 : vector<16xf32>
        %parallel_loop3A_317 = tpu.bitcast %parallel_loop3A_313 : vector<16xf32> -> vector<16xi32>
        %parallel_loop3A_318 = arith.constant 31 : i32
        %parallel_loop3A_319 = vector.broadcast %parallel_loop3A_318 : i32 to vector<16xi32>
        %parallel_loop3A_320 = arith.shrui %parallel_loop3A_317, %parallel_loop3A_319 : vector<16xi32>
        %parallel_loop3A_321 = arith.addi %parallel_loop3A_306, %parallel_loop3A_320 : vector<16xi32>
        %parallel_loop3A_322 = arith.addf %parallel_loop3A_307, %parallel_loop3A_316 : vector<16xf32>
        %parallel_loop3A_323 = arith.mulf %parallel_loop3A_316, %parallel_loop3A_316 : vector<16xf32>
        %parallel_loop3A_324 = arith.addf %parallel_loop3A_309, %parallel_loop3A_323 : vector<16xf32>
        scf.yield %parallel_loop3A_321, %parallel_loop3A_322, %parallel_loop3A_324 : vector<16xi32>, vector<16xf32>, vector<16xf32>
      } {sc.loop_unroll_factor = 1 : i64, sc.parallel_access}
      scf.yield %parallel_loop3A_110#0, %parallel_loop3A_110#1, %parallel_loop3A_110#2 : vector<16xi32>, vector<16xf32>, vector<16xf32>
    }
    %scan3A_48 = arith.constant 8 : i32
    %convert_element_type3A = arith.sitofp %scan3A_47#0 : vector<16xi32> to vector<16xf32>
    %swap3A = arith.constant 0 : i32
    %swap3A_49 = arith.index_cast %swap3A : i32 to index
    %swap3A_50 = arith.constant 0 : index
    %swap3A_51 = tpu.vector_load %arg6[%swap3A_49, %swap3A_50] {strides = array<i32>} : memref<3x16xf32, #tpu.memory_space<vmem>>, vector<1x16xf32>,
    %swap3A_52 = vector.shape_cast %swap3A_51 : vector<1x16xf32> to vector<16xf32>
    %swap3A_53 = vector.shape_cast %convert_element_type3A : vector<16xf32> to vector<1x16xf32>
    tpu.vector_store %arg6[%swap3A_49, %swap3A_50], %swap3A_53 {strides = array<i32>} : memref<3x16xf32, #tpu.memory_space<vmem>>, vector<1x16xf32>,
    %swap3A_54 = arith.constant 1 : i32
    %swap3A_55 = arith.index_cast %swap3A_54 : i32 to index
    %swap3A_56 = arith.constant 0 : index
    %swap3A_57 = tpu.vector_load %arg6[%swap3A_55, %swap3A_56] {strides = array<i32>} : memref<3x16xf32, #tpu.memory_space<vmem>>, vector<1x16xf32>,
    %swap3A_58 = vector.shape_cast %swap3A_57 : vector<1x16xf32> to vector<16xf32>
    %swap3A_59 = vector.shape_cast %scan3A_47#1 : vector<16xf32> to vector<1x16xf32>
    tpu.vector_store %arg6[%swap3A_55, %swap3A_56], %swap3A_59 {strides = array<i32>} : memref<3x16xf32, #tpu.memory_space<vmem>>, vector<1x16xf32>,
    %swap3A_60 = arith.constant 2 : i32
    %swap3A_61 = arith.index_cast %swap3A_60 : i32 to index
    %swap3A_62 = arith.constant 0 : index
    %swap3A_63 = tpu.vector_load %arg6[%swap3A_61, %swap3A_62] {strides = array<i32>} : memref<3x16xf32, #tpu.memory_space<vmem>>, vector<1x16xf32>,
    %swap3A_64 = vector.shape_cast %swap3A_63 : vector<1x16xf32> to vector<16xf32>
    %swap3A_65 = vector.shape_cast %scan3A_47#2 : vector<16xf32> to vector<1x16xf32>
    tpu.vector_store %arg6[%swap3A_61, %swap3A_62], %swap3A_65 {strides = array<i32>} : memref<3x16xf32, #tpu.memory_space<vmem>>, vector<1x16xf32>,
    "tpu.region"() ({
      %run_scoped3A = tpu.sem_alloc : memref<!tpu.dma_semaphore, #tpu.memory_space<semaphore_mem>>
      %dma_start3A_66 = arith.constant 0 : i32
      %dma_start3A_67 = arith.constant 0 : i32
      %dma_start3A_68 = tpu.memref_slice %arg3[%add3A, %dma_start3A_66, %dma_start3A_67] : memref<32x3x16xf32, #tpu.memory_space<hbm>> -> memref<1x3x16xf32, #tpu.memory_space<hbm>>
      %dma_start3A_69 = tpu.memref_squeeze %dma_start3A_68 : memref<1x3x16xf32, #tpu.memory_space<hbm>> -> memref<3x16xf32, #tpu.memory_space<hbm>>
      %dma_start3A_70 = arith.constant 0 : i32
      %dma_start3A_71 = arith.constant 0 : i32
      %dma_start3A_72 = tpu.memref_slice %arg3[%add3A, %dma_start3A_70, %dma_start3A_71] : memref<32x3x16xf32, #tpu.memory_space<hbm>> -> memref<1x3x16xf32, #tpu.memory_space<hbm>>
      %dma_start3A_73 = tpu.memref_squeeze %dma_start3A_72 : memref<1x3x16xf32, #tpu.memory_space<hbm>> -> memref<3x16xf32, #tpu.memory_space<hbm>>
      tpu.enqueue_dma source(%arg6 : memref<3x16xf32, #tpu.memory_space<vmem>>) target(%dma_start3A_73 : memref<3x16xf32, #tpu.memory_space<hbm>>) target_semaphore(%run_scoped3A : memref<!tpu.dma_semaphore, #tpu.memory_space<semaphore_mem>>)
      %dma_wait3A = arith.constant 0 : i32
      %dma_wait3A_74 = arith.constant 0 : i32
      %dma_wait3A_75 = tpu.memref_slice %arg3[%add3A, %dma_wait3A, %dma_wait3A_74] : memref<32x3x16xf32, #tpu.memory_space<hbm>> -> memref<1x3x16xf32, #tpu.memory_space<hbm>>
      %dma_wait3A_76 = tpu.memref_squeeze %dma_wait3A_75 : memref<1x3x16xf32, #tpu.memory_space<hbm>> -> memref<3x16xf32, #tpu.memory_space<hbm>>
      %dma_wait3A_77 = arith.constant 0 : i32
      %dma_wait3A_78 = arith.constant 0 : i32
      %dma_wait3A_79 = tpu.memref_slice %arg3[%add3A, %dma_wait3A_77, %dma_wait3A_78] : memref<32x3x16xf32, #tpu.memory_space<hbm>> -> memref<1x3x16xf32, #tpu.memory_space<hbm>>
      %dma_wait3A_80 = tpu.memref_squeeze %dma_wait3A_79 : memref<1x3x16xf32, #tpu.memory_space<hbm>> -> memref<3x16xf32, #tpu.memory_space<hbm>>
      tpu.wait_dma2 semaphore(%run_scoped3A : memref<!tpu.dma_semaphore, #tpu.memory_space<semaphore_mem>>) src(%arg6 : memref<3x16xf32, #tpu.memory_space<vmem>>) dst(%dma_wait3A_80 : memref<3x16xf32, #tpu.memory_space<hbm>>)
      tpu.yield
    }) : () -> ()
    return
  }
}

#map = affine_map<(d0, d1) -> (0, 0)>
#map1 = affine_map<(d0, d1) -> (0, 0, 0)>
module attributes {stable_mosaic.version = 14 : i64} {
  func.func @_norm_kernel(%arg0: i32, %arg1: i32, %arg2: memref<172032x224xf32, #tpu.memory_space<hbm>>, %arg3: memref<32x3x16xf32, #tpu.memory_space<hbm>>, %arg4: memref<8x16xf32, #tpu.memory_space<hbm>>, %arg5: memref<172032x224xf32, #tpu.memory_space<hbm>>, %arg6: memref<96x224xf32, #tpu.memory_space<vmem>>, %arg7: memref<96x224xf32, #tpu.memory_space<vmem>>, %arg8: memref<96x224xf32, #tpu.memory_space<vmem>>, %arg9: memref<96x224xf32, #tpu.memory_space<vmem>>, %arg10: memref<32x3x16xf32, #tpu.memory_space<vmem>>, %arg11: memref<8x16xf32, #tpu.memory_space<vmem>>, %arg12: memref<!tpu.dma_semaphore, #tpu.memory_space<semaphore_mem>>, %arg13: memref<!tpu.dma_semaphore, #tpu.memory_space<semaphore_mem>>, %arg14: memref<!tpu.dma_semaphore, #tpu.memory_space<semaphore_mem>>, %arg15: memref<!tpu.dma_semaphore, #tpu.memory_space<semaphore_mem>>) attributes {dimension_semantics = [#tpu.dimension_semantics<core_parallel>, #tpu.dimension_semantics<subcore_parallel>], iteration_bounds = array<i64: 2, 16>, scalar_prefetch = 0 : i64, scratch_operands = 10 : i64, tpu.core_type = #tpu.core_type<sc_vector_subcore>, window_params = [{transform_indices = #map}, {transform_indices = #map1}, {transform_indices = #map}, {transform_indices = #map}]} {
    %mul3A = arith.constant 2 : i32
    %mul3A_0 = arith.muli %arg1, %mul3A : i32
    %add3A = arith.addi %mul3A_0, %arg0 : i32
    %jit3A = arith.constant 4 : i32
    %div3A = arith.divsi %add3A, %jit3A : i32
    %sign3A = arith.constant 0 : i32
    %sign3A_1 = arith.cmpi sgt, %add3A, %sign3A : i32
    %sign3A_2 = arith.extui %sign3A_1 : i1 to i32
    %sign3A_3 = arith.constant 0 : i32
    %sign3A_4 = arith.cmpi slt, %add3A, %sign3A_3 : i32
    %sign3A_5 = arith.extui %sign3A_4 : i1 to i32
    %sign3A_6 = arith.subi %sign3A_2, %sign3A_5 : i32
    %sign3A_7 = arith.constant 0 : i32
    %sign3A_8 = arith.cmpi sgt, %jit3A, %sign3A_7 : i32
    %sign3A_9 = arith.extui %sign3A_8 : i1 to i32
    %sign3A_10 = arith.constant 0 : i32
    %sign3A_11 = arith.cmpi slt, %jit3A, %sign3A_10 : i32
    %sign3A_12 = arith.extui %sign3A_11 : i1 to i32
    %sign3A_13 = arith.subi %sign3A_9, %sign3A_12 : i32
    %ne3A = arith.cmpi ne, %sign3A_6, %sign3A_13 : i32
    %rem3A = arith.remsi %add3A, %jit3A : i32
    %ne3A_14 = arith.constant 0 : i32
    %ne3A_15 = arith.cmpi ne, %rem3A, %ne3A_14 : i32
    %and3A = arith.andi %ne3A, %ne3A_15 : i1
    %sub3A = arith.constant 1 : i32
    %sub3A_16 = arith.subi %div3A, %sub3A : i32
    %select_n3A = arith.select %and3A, %sub3A_16, %div3A : i32
    %mul3A_17 = arith.constant 5376 : i32
    %mul3A_18 = arith.muli %add3A, %mul3A_17 : i32
    "tpu.region"() ({
      %run_scoped3A = tpu.sem_alloc : memref<!tpu.dma_semaphore, #tpu.memory_space<semaphore_mem>>
      tpu.enqueue_dma source(%arg3 : memref<32x3x16xf32, #tpu.memory_space<hbm>>) target(%arg10 : memref<32x3x16xf32, #tpu.memory_space<vmem>>) target_semaphore(%run_scoped3A : memref<!tpu.dma_semaphore, #tpu.memory_space<semaphore_mem>>)
      tpu.wait_dma2 semaphore(%run_scoped3A : memref<!tpu.dma_semaphore, #tpu.memory_space<semaphore_mem>>) src(%arg3 : memref<32x3x16xf32, #tpu.memory_space<hbm>>) dst(%arg10 : memref<32x3x16xf32, #tpu.memory_space<vmem>>)
      tpu.yield
    }) : () -> ()
    "tpu.region"() ({
      %run_scoped3A = tpu.sem_alloc : memref<!tpu.dma_semaphore, #tpu.memory_space<semaphore_mem>>
      tpu.enqueue_dma source(%arg4 : memref<8x16xf32, #tpu.memory_space<hbm>>) target(%arg11 : memref<8x16xf32, #tpu.memory_space<vmem>>) target_semaphore(%run_scoped3A : memref<!tpu.dma_semaphore, #tpu.memory_space<semaphore_mem>>)
      tpu.wait_dma2 semaphore(%run_scoped3A : memref<!tpu.dma_semaphore, #tpu.memory_space<semaphore_mem>>) src(%arg4 : memref<8x16xf32, #tpu.memory_space<hbm>>) dst(%arg11 : memref<8x16xf32, #tpu.memory_space<vmem>>)
      tpu.yield
    }) : () -> ()
    %broadcast_in_dim3A = arith.constant 0.000000e+00 : f32
    %broadcast_in_dim3A_19 = vector.broadcast %broadcast_in_dim3A : f32 to vector<16xf32>
    %broadcast_in_dim3A_20 = arith.constant 0.000000e+00 : f32
    %broadcast_in_dim3A_21 = vector.broadcast %broadcast_in_dim3A_20 : f32 to vector<16xf32>
    %broadcast_in_dim3A_22 = arith.constant 0.000000e+00 : f32
    %broadcast_in_dim3A_23 = vector.broadcast %broadcast_in_dim3A_22 : f32 to vector<16xf32>
    %mul3A_24 = arith.constant 4 : i32
    %mul3A_25 = arith.muli %select_n3A, %mul3A_24 : i32
    %add3A_26 = arith.constant 0 : i32
    %add3A_27 = arith.addi %mul3A_25, %add3A_26 : i32
    %get3A = arith.constant 0 : i32
    %get3A_28 = arith.index_cast %add3A_27 : i32 to index
    %get3A_29 = arith.index_cast %get3A : i32 to index
    %get3A_30 = arith.constant 0 : index
    %get3A_31 = tpu.vector_load %arg10[%get3A_28, %get3A_29, %get3A_30] {strides = array<i32>} : memref<32x3x16xf32, #tpu.memory_space<vmem>>, vector<1x1x16xf32>,
    %get3A_32 = vector.shape_cast %get3A_31 : vector<1x1x16xf32> to vector<16xf32>
    %add3A_33 = arith.addf %broadcast_in_dim3A_19, %get3A_32 : vector<16xf32>
    %get3A_34 = arith.constant 1 : i32
    %get3A_35 = arith.index_cast %add3A_27 : i32 to index
    %get3A_36 = arith.index_cast %get3A_34 : i32 to index
    %get3A_37 = arith.constant 0 : index
    %get3A_38 = tpu.vector_load %arg10[%get3A_35, %get3A_36, %get3A_37] {strides = array<i32>} : memref<32x3x16xf32, #tpu.memory_space<vmem>>, vector<1x1x16xf32>,
    %get3A_39 = vector.shape_cast %get3A_38 : vector<1x1x16xf32> to vector<16xf32>
    %add3A_40 = arith.addf %broadcast_in_dim3A_21, %get3A_39 : vector<16xf32>
    %get3A_41 = arith.constant 2 : i32
    %get3A_42 = arith.index_cast %add3A_27 : i32 to index
    %get3A_43 = arith.index_cast %get3A_41 : i32 to index
    %get3A_44 = arith.constant 0 : index
    %get3A_45 = tpu.vector_load %arg10[%get3A_42, %get3A_43, %get3A_44] {strides = array<i32>} : memref<32x3x16xf32, #tpu.memory_space<vmem>>, vector<1x1x16xf32>,
    %get3A_46 = vector.shape_cast %get3A_45 : vector<1x1x16xf32> to vector<16xf32>
    %add3A_47 = arith.addf %broadcast_in_dim3A_23, %get3A_46 : vector<16xf32>
    %mul3A_48 = arith.constant 4 : i32
    %mul3A_49 = arith.muli %select_n3A, %mul3A_48 : i32
    %add3A_50 = arith.constant 1 : i32
    %add3A_51 = arith.addi %mul3A_49, %add3A_50 : i32
    %get3A_52 = arith.constant 0 : i32
    %get3A_53 = arith.index_cast %add3A_51 : i32 to index
    %get3A_54 = arith.index_cast %get3A_52 : i32 to index
    %get3A_55 = arith.constant 0 : index
    %get3A_56 = tpu.vector_load %arg10[%get3A_53, %get3A_54, %get3A_55] {strides = array<i32>} : memref<32x3x16xf32, #tpu.memory_space<vmem>>, vector<1x1x16xf32>,
    %get3A_57 = vector.shape_cast %get3A_56 : vector<1x1x16xf32> to vector<16xf32>
    %add3A_58 = arith.addf %add3A_33, %get3A_57 : vector<16xf32>
    %get3A_59 = arith.constant 1 : i32
    %get3A_60 = arith.index_cast %add3A_51 : i32 to index
    %get3A_61 = arith.index_cast %get3A_59 : i32 to index
    %get3A_62 = arith.constant 0 : index
    %get3A_63 = tpu.vector_load %arg10[%get3A_60, %get3A_61, %get3A_62] {strides = array<i32>} : memref<32x3x16xf32, #tpu.memory_space<vmem>>, vector<1x1x16xf32>,
    %get3A_64 = vector.shape_cast %get3A_63 : vector<1x1x16xf32> to vector<16xf32>
    %add3A_65 = arith.addf %add3A_40, %get3A_64 : vector<16xf32>
    %get3A_66 = arith.constant 2 : i32
    %get3A_67 = arith.index_cast %add3A_51 : i32 to index
    %get3A_68 = arith.index_cast %get3A_66 : i32 to index
    %get3A_69 = arith.constant 0 : index
    %get3A_70 = tpu.vector_load %arg10[%get3A_67, %get3A_68, %get3A_69] {strides = array<i32>} : memref<32x3x16xf32, #tpu.memory_space<vmem>>, vector<1x1x16xf32>,
    %get3A_71 = vector.shape_cast %get3A_70 : vector<1x1x16xf32> to vector<16xf32>
    %add3A_72 = arith.addf %add3A_47, %get3A_71 : vector<16xf32>
    %mul3A_73 = arith.constant 4 : i32
    %mul3A_74 = arith.muli %select_n3A, %mul3A_73 : i32
    %add3A_75 = arith.constant 2 : i32
    %add3A_76 = arith.addi %mul3A_74, %add3A_75 : i32
    %get3A_77 = arith.constant 0 : i32
    %get3A_78 = arith.index_cast %add3A_76 : i32 to index
    %get3A_79 = arith.index_cast %get3A_77 : i32 to index
    %get3A_80 = arith.constant 0 : index
    %get3A_81 = tpu.vector_load %arg10[%get3A_78, %get3A_79, %get3A_80] {strides = array<i32>} : memref<32x3x16xf32, #tpu.memory_space<vmem>>, vector<1x1x16xf32>,
    %get3A_82 = vector.shape_cast %get3A_81 : vector<1x1x16xf32> to vector<16xf32>
    %add3A_83 = arith.addf %add3A_58, %get3A_82 : vector<16xf32>
    %get3A_84 = arith.constant 1 : i32
    %get3A_85 = arith.index_cast %add3A_76 : i32 to index
    %get3A_86 = arith.index_cast %get3A_84 : i32 to index
    %get3A_87 = arith.constant 0 : index
    %get3A_88 = tpu.vector_load %arg10[%get3A_85, %get3A_86, %get3A_87] {strides = array<i32>} : memref<32x3x16xf32, #tpu.memory_space<vmem>>, vector<1x1x16xf32>,
    %get3A_89 = vector.shape_cast %get3A_88 : vector<1x1x16xf32> to vector<16xf32>
    %add3A_90 = arith.addf %add3A_65, %get3A_89 : vector<16xf32>
    %get3A_91 = arith.constant 2 : i32
    %get3A_92 = arith.index_cast %add3A_76 : i32 to index
    %get3A_93 = arith.index_cast %get3A_91 : i32 to index
    %get3A_94 = arith.constant 0 : index
    %get3A_95 = tpu.vector_load %arg10[%get3A_92, %get3A_93, %get3A_94] {strides = array<i32>} : memref<32x3x16xf32, #tpu.memory_space<vmem>>, vector<1x1x16xf32>,
    %get3A_96 = vector.shape_cast %get3A_95 : vector<1x1x16xf32> to vector<16xf32>
    %add3A_97 = arith.addf %add3A_72, %get3A_96 : vector<16xf32>
    %mul3A_98 = arith.constant 4 : i32
    %mul3A_99 = arith.muli %select_n3A, %mul3A_98 : i32
    %add3A_100 = arith.constant 3 : i32
    %add3A_101 = arith.addi %mul3A_99, %add3A_100 : i32
    %get3A_102 = arith.constant 0 : i32
    %get3A_103 = arith.index_cast %add3A_101 : i32 to index
    %get3A_104 = arith.index_cast %get3A_102 : i32 to index
    %get3A_105 = arith.constant 0 : index
    %get3A_106 = tpu.vector_load %arg10[%get3A_103, %get3A_104, %get3A_105] {strides = array<i32>} : memref<32x3x16xf32, #tpu.memory_space<vmem>>, vector<1x1x16xf32>,
    %get3A_107 = vector.shape_cast %get3A_106 : vector<1x1x16xf32> to vector<16xf32>
    %add3A_108 = arith.addf %add3A_83, %get3A_107 : vector<16xf32>
    %get3A_109 = arith.constant 1 : i32
    %get3A_110 = arith.index_cast %add3A_101 : i32 to index
    %get3A_111 = arith.index_cast %get3A_109 : i32 to index
    %get3A_112 = arith.constant 0 : index
    %get3A_113 = tpu.vector_load %arg10[%get3A_110, %get3A_111, %get3A_112] {strides = array<i32>} : memref<32x3x16xf32, #tpu.memory_space<vmem>>, vector<1x1x16xf32>,
    %get3A_114 = vector.shape_cast %get3A_113 : vector<1x1x16xf32> to vector<16xf32>
    %add3A_115 = arith.addf %add3A_90, %get3A_114 : vector<16xf32>
    %get3A_116 = arith.constant 2 : i32
    %get3A_117 = arith.index_cast %add3A_101 : i32 to index
    %get3A_118 = arith.index_cast %get3A_116 : i32 to index
    %get3A_119 = arith.constant 0 : index
    %get3A_120 = tpu.vector_load %arg10[%get3A_117, %get3A_118, %get3A_119] {strides = array<i32>} : memref<32x3x16xf32, #tpu.memory_space<vmem>>, vector<1x1x16xf32>,
    %get3A_121 = vector.shape_cast %get3A_120 : vector<1x1x16xf32> to vector<16xf32>
    %add3A_122 = arith.addf %add3A_97, %get3A_121 : vector<16xf32>
    %slice3A = vector.extract_strided_slice %add3A_108 {offsets = [0], sizes = [1], strides = [1]} : vector<16xf32> to vector<1xf32>
    %squeeze3A = vector.extract %slice3A[0] : f32 from vector<1xf32>
    %slice3A_123 = vector.extract_strided_slice %add3A_115 {offsets = [0], sizes = [1], strides = [1]} : vector<16xf32> to vector<1xf32>
    %squeeze3A_124 = vector.extract %slice3A_123[0] : f32 from vector<1xf32>
    %slice3A_125 = vector.extract_strided_slice %add3A_122 {offsets = [0], sizes = [1], strides = [1]} : vector<16xf32> to vector<1xf32>
    %squeeze3A_126 = vector.extract %slice3A_125[0] : f32 from vector<1xf32>
    %slice3A_127 = vector.extract_strided_slice %add3A_108 {offsets = [1], sizes = [1], strides = [1]} : vector<16xf32> to vector<1xf32>
    %squeeze3A_128 = vector.extract %slice3A_127[0] : f32 from vector<1xf32>
    %add3A_129 = arith.addf %squeeze3A, %squeeze3A_128 : f32
    %slice3A_130 = vector.extract_strided_slice %add3A_115 {offsets = [1], sizes = [1], strides = [1]} : vector<16xf32> to vector<1xf32>
    %squeeze3A_131 = vector.extract %slice3A_130[0] : f32 from vector<1xf32>
    %add3A_132 = arith.addf %squeeze3A_124, %squeeze3A_131 : f32
    %slice3A_133 = vector.extract_strided_slice %add3A_122 {offsets = [1], sizes = [1], strides = [1]} : vector<16xf32> to vector<1xf32>
    %squeeze3A_134 = vector.extract %slice3A_133[0] : f32 from vector<1xf32>
    %add3A_135 = arith.addf %squeeze3A_126, %squeeze3A_134 : f32
    %slice3A_136 = vector.extract_strided_slice %add3A_108 {offsets = [2], sizes = [1], strides = [1]} : vector<16xf32> to vector<1xf32>
    %squeeze3A_137 = vector.extract %slice3A_136[0] : f32 from vector<1xf32>
    %add3A_138 = arith.addf %add3A_129, %squeeze3A_137 : f32
    %slice3A_139 = vector.extract_strided_slice %add3A_115 {offsets = [2], sizes = [1], strides = [1]} : vector<16xf32> to vector<1xf32>
    %squeeze3A_140 = vector.extract %slice3A_139[0] : f32 from vector<1xf32>
    %add3A_141 = arith.addf %add3A_132, %squeeze3A_140 : f32
    %slice3A_142 = vector.extract_strided_slice %add3A_122 {offsets = [2], sizes = [1], strides = [1]} : vector<16xf32> to vector<1xf32>
    %squeeze3A_143 = vector.extract %slice3A_142[0] : f32 from vector<1xf32>
    %add3A_144 = arith.addf %add3A_135, %squeeze3A_143 : f32
    %slice3A_145 = vector.extract_strided_slice %add3A_108 {offsets = [3], sizes = [1], strides = [1]} : vector<16xf32> to vector<1xf32>
    %squeeze3A_146 = vector.extract %slice3A_145[0] : f32 from vector<1xf32>
    %add3A_147 = arith.addf %add3A_138, %squeeze3A_146 : f32
    %slice3A_148 = vector.extract_strided_slice %add3A_115 {offsets = [3], sizes = [1], strides = [1]} : vector<16xf32> to vector<1xf32>
    %squeeze3A_149 = vector.extract %slice3A_148[0] : f32 from vector<1xf32>
    %add3A_150 = arith.addf %add3A_141, %squeeze3A_149 : f32
    %slice3A_151 = vector.extract_strided_slice %add3A_122 {offsets = [3], sizes = [1], strides = [1]} : vector<16xf32> to vector<1xf32>
    %squeeze3A_152 = vector.extract %slice3A_151[0] : f32 from vector<1xf32>
    %add3A_153 = arith.addf %add3A_144, %squeeze3A_152 : f32
    %slice3A_154 = vector.extract_strided_slice %add3A_108 {offsets = [4], sizes = [1], strides = [1]} : vector<16xf32> to vector<1xf32>
    %squeeze3A_155 = vector.extract %slice3A_154[0] : f32 from vector<1xf32>
    %add3A_156 = arith.addf %add3A_147, %squeeze3A_155 : f32
    %slice3A_157 = vector.extract_strided_slice %add3A_115 {offsets = [4], sizes = [1], strides = [1]} : vector<16xf32> to vector<1xf32>
    %squeeze3A_158 = vector.extract %slice3A_157[0] : f32 from vector<1xf32>
    %add3A_159 = arith.addf %add3A_150, %squeeze3A_158 : f32
    %slice3A_160 = vector.extract_strided_slice %add3A_122 {offsets = [4], sizes = [1], strides = [1]} : vector<16xf32> to vector<1xf32>
    %squeeze3A_161 = vector.extract %slice3A_160[0] : f32 from vector<1xf32>
    %add3A_162 = arith.addf %add3A_153, %squeeze3A_161 : f32
    %slice3A_163 = vector.extract_strided_slice %add3A_108 {offsets = [5], sizes = [1], strides = [1]} : vector<16xf32> to vector<1xf32>
    %squeeze3A_164 = vector.extract %slice3A_163[0] : f32 from vector<1xf32>
    %add3A_165 = arith.addf %add3A_156, %squeeze3A_164 : f32
    %slice3A_166 = vector.extract_strided_slice %add3A_115 {offsets = [5], sizes = [1], strides = [1]} : vector<16xf32> to vector<1xf32>
    %squeeze3A_167 = vector.extract %slice3A_166[0] : f32 from vector<1xf32>
    %add3A_168 = arith.addf %add3A_159, %squeeze3A_167 : f32
    %slice3A_169 = vector.extract_strided_slice %add3A_122 {offsets = [5], sizes = [1], strides = [1]} : vector<16xf32> to vector<1xf32>
    %squeeze3A_170 = vector.extract %slice3A_169[0] : f32 from vector<1xf32>
    %add3A_171 = arith.addf %add3A_162, %squeeze3A_170 : f32
    %slice3A_172 = vector.extract_strided_slice %add3A_108 {offsets = [6], sizes = [1], strides = [1]} : vector<16xf32> to vector<1xf32>
    %squeeze3A_173 = vector.extract %slice3A_172[0] : f32 from vector<1xf32>
    %add3A_174 = arith.addf %add3A_165, %squeeze3A_173 : f32
    %slice3A_175 = vector.extract_strided_slice %add3A_115 {offsets = [6], sizes = [1], strides = [1]} : vector<16xf32> to vector<1xf32>
    %squeeze3A_176 = vector.extract %slice3A_175[0] : f32 from vector<1xf32>
    %add3A_177 = arith.addf %add3A_168, %squeeze3A_176 : f32
    %slice3A_178 = vector.extract_strided_slice %add3A_122 {offsets = [6], sizes = [1], strides = [1]} : vector<16xf32> to vector<1xf32>
    %squeeze3A_179 = vector.extract %slice3A_178[0] : f32 from vector<1xf32>
    %add3A_180 = arith.addf %add3A_171, %squeeze3A_179 : f32
    %slice3A_181 = vector.extract_strided_slice %add3A_108 {offsets = [7], sizes = [1], strides = [1]} : vector<16xf32> to vector<1xf32>
    %squeeze3A_182 = vector.extract %slice3A_181[0] : f32 from vector<1xf32>
    %add3A_183 = arith.addf %add3A_174, %squeeze3A_182 : f32
    %slice3A_184 = vector.extract_strided_slice %add3A_115 {offsets = [7], sizes = [1], strides = [1]} : vector<16xf32> to vector<1xf32>
    %squeeze3A_185 = vector.extract %slice3A_184[0] : f32 from vector<1xf32>
    %add3A_186 = arith.addf %add3A_177, %squeeze3A_185 : f32
    %slice3A_187 = vector.extract_strided_slice %add3A_122 {offsets = [7], sizes = [1], strides = [1]} : vector<16xf32> to vector<1xf32>
    %squeeze3A_188 = vector.extract %slice3A_187[0] : f32 from vector<1xf32>
    %add3A_189 = arith.addf %add3A_180, %squeeze3A_188 : f32
    %slice3A_190 = vector.extract_strided_slice %add3A_108 {offsets = [8], sizes = [1], strides = [1]} : vector<16xf32> to vector<1xf32>
    %squeeze3A_191 = vector.extract %slice3A_190[0] : f32 from vector<1xf32>
    %add3A_192 = arith.addf %add3A_183, %squeeze3A_191 : f32
    %slice3A_193 = vector.extract_strided_slice %add3A_115 {offsets = [8], sizes = [1], strides = [1]} : vector<16xf32> to vector<1xf32>
    %squeeze3A_194 = vector.extract %slice3A_193[0] : f32 from vector<1xf32>
    %add3A_195 = arith.addf %add3A_186, %squeeze3A_194 : f32
    %slice3A_196 = vector.extract_strided_slice %add3A_122 {offsets = [8], sizes = [1], strides = [1]} : vector<16xf32> to vector<1xf32>
    %squeeze3A_197 = vector.extract %slice3A_196[0] : f32 from vector<1xf32>
    %add3A_198 = arith.addf %add3A_189, %squeeze3A_197 : f32
    %slice3A_199 = vector.extract_strided_slice %add3A_108 {offsets = [9], sizes = [1], strides = [1]} : vector<16xf32> to vector<1xf32>
    %squeeze3A_200 = vector.extract %slice3A_199[0] : f32 from vector<1xf32>
    %add3A_201 = arith.addf %add3A_192, %squeeze3A_200 : f32
    %slice3A_202 = vector.extract_strided_slice %add3A_115 {offsets = [9], sizes = [1], strides = [1]} : vector<16xf32> to vector<1xf32>
    %squeeze3A_203 = vector.extract %slice3A_202[0] : f32 from vector<1xf32>
    %add3A_204 = arith.addf %add3A_195, %squeeze3A_203 : f32
    %slice3A_205 = vector.extract_strided_slice %add3A_122 {offsets = [9], sizes = [1], strides = [1]} : vector<16xf32> to vector<1xf32>
    %squeeze3A_206 = vector.extract %slice3A_205[0] : f32 from vector<1xf32>
    %add3A_207 = arith.addf %add3A_198, %squeeze3A_206 : f32
    %slice3A_208 = vector.extract_strided_slice %add3A_108 {offsets = [10], sizes = [1], strides = [1]} : vector<16xf32> to vector<1xf32>
    %squeeze3A_209 = vector.extract %slice3A_208[0] : f32 from vector<1xf32>
    %add3A_210 = arith.addf %add3A_201, %squeeze3A_209 : f32
    %slice3A_211 = vector.extract_strided_slice %add3A_115 {offsets = [10], sizes = [1], strides = [1]} : vector<16xf32> to vector<1xf32>
    %squeeze3A_212 = vector.extract %slice3A_211[0] : f32 from vector<1xf32>
    %add3A_213 = arith.addf %add3A_204, %squeeze3A_212 : f32
    %slice3A_214 = vector.extract_strided_slice %add3A_122 {offsets = [10], sizes = [1], strides = [1]} : vector<16xf32> to vector<1xf32>
    %squeeze3A_215 = vector.extract %slice3A_214[0] : f32 from vector<1xf32>
    %add3A_216 = arith.addf %add3A_207, %squeeze3A_215 : f32
    %slice3A_217 = vector.extract_strided_slice %add3A_108 {offsets = [11], sizes = [1], strides = [1]} : vector<16xf32> to vector<1xf32>
    %squeeze3A_218 = vector.extract %slice3A_217[0] : f32 from vector<1xf32>
    %add3A_219 = arith.addf %add3A_210, %squeeze3A_218 : f32
    %slice3A_220 = vector.extract_strided_slice %add3A_115 {offsets = [11], sizes = [1], strides = [1]} : vector<16xf32> to vector<1xf32>
    %squeeze3A_221 = vector.extract %slice3A_220[0] : f32 from vector<1xf32>
    %add3A_222 = arith.addf %add3A_213, %squeeze3A_221 : f32
    %slice3A_223 = vector.extract_strided_slice %add3A_122 {offsets = [11], sizes = [1], strides = [1]} : vector<16xf32> to vector<1xf32>
    %squeeze3A_224 = vector.extract %slice3A_223[0] : f32 from vector<1xf32>
    %add3A_225 = arith.addf %add3A_216, %squeeze3A_224 : f32
    %slice3A_226 = vector.extract_strided_slice %add3A_108 {offsets = [12], sizes = [1], strides = [1]} : vector<16xf32> to vector<1xf32>
    %squeeze3A_227 = vector.extract %slice3A_226[0] : f32 from vector<1xf32>
    %add3A_228 = arith.addf %add3A_219, %squeeze3A_227 : f32
    %slice3A_229 = vector.extract_strided_slice %add3A_115 {offsets = [12], sizes = [1], strides = [1]} : vector<16xf32> to vector<1xf32>
    %squeeze3A_230 = vector.extract %slice3A_229[0] : f32 from vector<1xf32>
    %add3A_231 = arith.addf %add3A_222, %squeeze3A_230 : f32
    %slice3A_232 = vector.extract_strided_slice %add3A_122 {offsets = [12], sizes = [1], strides = [1]} : vector<16xf32> to vector<1xf32>
    %squeeze3A_233 = vector.extract %slice3A_232[0] : f32 from vector<1xf32>
    %add3A_234 = arith.addf %add3A_225, %squeeze3A_233 : f32
    %slice3A_235 = vector.extract_strided_slice %add3A_108 {offsets = [13], sizes = [1], strides = [1]} : vector<16xf32> to vector<1xf32>
    %squeeze3A_236 = vector.extract %slice3A_235[0] : f32 from vector<1xf32>
    %add3A_237 = arith.addf %add3A_228, %squeeze3A_236 : f32
    %slice3A_238 = vector.extract_strided_slice %add3A_115 {offsets = [13], sizes = [1], strides = [1]} : vector<16xf32> to vector<1xf32>
    %squeeze3A_239 = vector.extract %slice3A_238[0] : f32 from vector<1xf32>
    %add3A_240 = arith.addf %add3A_231, %squeeze3A_239 : f32
    %slice3A_241 = vector.extract_strided_slice %add3A_122 {offsets = [13], sizes = [1], strides = [1]} : vector<16xf32> to vector<1xf32>
    %squeeze3A_242 = vector.extract %slice3A_241[0] : f32 from vector<1xf32>
    %add3A_243 = arith.addf %add3A_234, %squeeze3A_242 : f32
    %slice3A_244 = vector.extract_strided_slice %add3A_108 {offsets = [14], sizes = [1], strides = [1]} : vector<16xf32> to vector<1xf32>
    %squeeze3A_245 = vector.extract %slice3A_244[0] : f32 from vector<1xf32>
    %add3A_246 = arith.addf %add3A_237, %squeeze3A_245 : f32
    %slice3A_247 = vector.extract_strided_slice %add3A_115 {offsets = [14], sizes = [1], strides = [1]} : vector<16xf32> to vector<1xf32>
    %squeeze3A_248 = vector.extract %slice3A_247[0] : f32 from vector<1xf32>
    %add3A_249 = arith.addf %add3A_240, %squeeze3A_248 : f32
    %slice3A_250 = vector.extract_strided_slice %add3A_122 {offsets = [14], sizes = [1], strides = [1]} : vector<16xf32> to vector<1xf32>
    %squeeze3A_251 = vector.extract %slice3A_250[0] : f32 from vector<1xf32>
    %add3A_252 = arith.addf %add3A_243, %squeeze3A_251 : f32
    %slice3A_253 = vector.extract_strided_slice %add3A_108 {offsets = [15], sizes = [1], strides = [1]} : vector<16xf32> to vector<1xf32>
    %squeeze3A_254 = vector.extract %slice3A_253[0] : f32 from vector<1xf32>
    %add3A_255 = arith.addf %add3A_246, %squeeze3A_254 : f32
    %slice3A_256 = vector.extract_strided_slice %add3A_115 {offsets = [15], sizes = [1], strides = [1]} : vector<16xf32> to vector<1xf32>
    %squeeze3A_257 = vector.extract %slice3A_256[0] : f32 from vector<1xf32>
    %add3A_258 = arith.addf %add3A_249, %squeeze3A_257 : f32
    %slice3A_259 = vector.extract_strided_slice %add3A_122 {offsets = [15], sizes = [1], strides = [1]} : vector<16xf32> to vector<1xf32>
    %squeeze3A_260 = vector.extract %slice3A_259[0] : f32 from vector<1xf32>
    %add3A_261 = arith.addf %add3A_252, %squeeze3A_260 : f32
    %get3A_262 = arith.index_cast %select_n3A : i32 to index
    %get3A_263 = arith.constant 0 : index
    %get3A_264 = tpu.vector_load %arg11[%get3A_262, %get3A_263] {strides = array<i32>} : memref<8x16xf32, #tpu.memory_space<vmem>>, vector<1x16xf32>,
    %get3A_265 = vector.shape_cast %get3A_264 : vector<1x16xf32> to vector<16xf32>
    %sub3A_266 = arith.constant 0x4A440000 : f32
    %sub3A_267 = arith.subf %sub3A_266, %add3A_255 : f32
    %broadcast_in_dim3A_268 = vector.broadcast %sub3A_267 : f32 to vector<16xf32>
    %slice3A_269 = vector.extract_strided_slice %get3A_265 {offsets = [0], sizes = [1], strides = [1]} : vector<16xf32> to vector<1xf32>
    %squeeze3A_270 = vector.extract %slice3A_269[0] : f32 from vector<1xf32>
    %broadcast_in_dim3A_271 = vector.broadcast %squeeze3A_270 : f32 to vector<16xf32>
    %add3A_272 = arith.addf %broadcast_in_dim3A_268, %broadcast_in_dim3A_271 : vector<16xf32>
    %broadcast_in_dim3A_273 = vector.broadcast %add3A_258 : f32 to vector<16xf32>
    %slice3A_274 = vector.extract_strided_slice %get3A_265 {offsets = [1], sizes = [1], strides = [1]} : vector<16xf32> to vector<1xf32>
    %squeeze3A_275 = vector.extract %slice3A_274[0] : f32 from vector<1xf32>
    %broadcast_in_dim3A_276 = vector.broadcast %squeeze3A_275 : f32 to vector<16xf32>
    %add3A_277 = arith.addf %broadcast_in_dim3A_273, %broadcast_in_dim3A_276 : vector<16xf32>
    %broadcast_in_dim3A_278 = vector.broadcast %add3A_261 : f32 to vector<16xf32>
    %slice3A_279 = vector.extract_strided_slice %get3A_265 {offsets = [2], sizes = [1], strides = [1]} : vector<16xf32> to vector<1xf32>
    %squeeze3A_280 = vector.extract %slice3A_279[0] : f32 from vector<1xf32>
    %broadcast_in_dim3A_281 = vector.broadcast %squeeze3A_280 : f32 to vector<16xf32>
    %add3A_282 = arith.addf %broadcast_in_dim3A_278, %broadcast_in_dim3A_281 : vector<16xf32>
    %div3A_283 = arith.divf %add3A_277, %add3A_272 : vector<16xf32>
    %mul3A_284 = arith.mulf %add3A_277, %div3A_283 : vector<16xf32>
    %sub3A_285 = arith.subf %add3A_282, %mul3A_284 : vector<16xf32>
    %sub3A_286 = arith.constant 1.000000e+00 : f32
    %sub3A_287 = vector.broadcast %sub3A_286 : f32 to vector<16xf32>
    %sub3A_288 = arith.subf %add3A_272, %sub3A_287 : vector<16xf32>
    %div3A_289 = arith.divf %sub3A_285, %sub3A_288 : vector<16xf32>
    %max3A = arith.constant 9.99999968E-21 : f32
    %max3A_290 = vector.broadcast %max3A : f32 to vector<16xf32>
    %max3A_291 = arith.maximumf %div3A_289, %max3A_290 : vector<16xf32>
    %bitcast_convert_type3A = tpu.bitcast %max3A_291 : vector<16xf32> -> vector<16xi32>
    %shift_right_arithmetic3A = arith.constant 1 : i32
    %shift_right_arithmetic3A_292 = vector.broadcast %shift_right_arithmetic3A : i32 to vector<16xi32>
    %shift_right_arithmetic3A_293 = arith.shrsi %bitcast_convert_type3A, %shift_right_arithmetic3A_292 : vector<16xi32>
    %sub3A_294 = arith.constant 1597463007 : i32
    %sub3A_295 = vector.broadcast %sub3A_294 : i32 to vector<16xi32>
    %sub3A_296 = arith.subi %sub3A_295, %shift_right_arithmetic3A_293 : vector<16xi32>
    %bitcast_convert_type3A_297 = tpu.bitcast %sub3A_296 : vector<16xi32> -> vector<16xf32>
    %mul3A_298 = arith.constant 5.000000e-01 : f32
    %mul3A_299 = vector.broadcast %mul3A_298 : f32 to vector<16xf32>
    %mul3A_300 = arith.mulf %mul3A_299, %max3A_291 : vector<16xf32>
    %mul3A_301 = arith.mulf %mul3A_300, %bitcast_convert_type3A_297 : vector<16xf32>
    %mul3A_302 = arith.mulf %mul3A_301, %bitcast_convert_type3A_297 : vector<16xf32>
    %sub3A_303 = arith.constant 1.500000e+00 : f32
    %sub3A_304 = vector.broadcast %sub3A_303 : f32 to vector<16xf32>
    %sub3A_305 = arith.subf %sub3A_304, %mul3A_302 : vector<16xf32>
    %mul3A_306 = arith.mulf %bitcast_convert_type3A_297, %sub3A_305 : vector<16xf32>
    %mul3A_307 = arith.constant 5.000000e-01 : f32
    %mul3A_308 = vector.broadcast %mul3A_307 : f32 to vector<16xf32>
    %mul3A_309 = arith.mulf %mul3A_308, %max3A_291 : vector<16xf32>
    %mul3A_310 = arith.mulf %mul3A_309, %mul3A_306 : vector<16xf32>
    %mul3A_311 = arith.mulf %mul3A_310, %mul3A_306 : vector<16xf32>
    %sub3A_312 = arith.constant 1.500000e+00 : f32
    %sub3A_313 = vector.broadcast %sub3A_312 : f32 to vector<16xf32>
    %sub3A_314 = arith.subf %sub3A_313, %mul3A_311 : vector<16xf32>
    %mul3A_315 = arith.mulf %mul3A_306, %sub3A_314 : vector<16xf32>
    %mul3A_316 = arith.constant 5.000000e-01 : f32
    %mul3A_317 = vector.broadcast %mul3A_316 : f32 to vector<16xf32>
    %mul3A_318 = arith.mulf %mul3A_317, %max3A_291 : vector<16xf32>
    %mul3A_319 = arith.mulf %mul3A_318, %mul3A_315 : vector<16xf32>
    %mul3A_320 = arith.mulf %mul3A_319, %mul3A_315 : vector<16xf32>
    %sub3A_321 = arith.constant 1.500000e+00 : f32
    %sub3A_322 = vector.broadcast %sub3A_321 : f32 to vector<16xf32>
    %sub3A_323 = arith.subf %sub3A_322, %mul3A_320 : vector<16xf32>
    %mul3A_324 = arith.mulf %mul3A_315, %sub3A_323 : vector<16xf32>
    %mul3A_325 = arith.mulf %max3A_291, %mul3A_324 : vector<16xf32>
    %add3A_326 = arith.constant 9.99999974E-6 : f32
    %add3A_327 = vector.broadcast %add3A_326 : f32 to vector<16xf32>
    %add3A_328 = arith.addf %mul3A_325, %add3A_327 : vector<16xf32>
    %div3A_329 = arith.constant 1.000000e+00 : f32
    %div3A_330 = vector.broadcast %div3A_329 : f32 to vector<16xf32>
    %div3A_331 = arith.divf %div3A_330, %add3A_328 : vector<16xf32>
    %neg3A = arith.constant 0.000000e+00 : f32
    %neg3A_332 = vector.broadcast %neg3A : f32 to vector<16xf32>
    %neg3A_333 = arith.subf %neg3A_332, %div3A_283 : vector<16xf32>
    %mul3A_334 = arith.mulf %neg3A_333, %div3A_331 : vector<16xf32>
    %add3A_335 = arith.constant 0 : i32
    %add3A_336 = arith.addi %mul3A_18, %add3A_335 : i32
    %dma_start3A = arith.constant 0 : i32
    %dma_start3A_337 = tpu.memref_slice %arg2[%add3A_336, %dma_start3A] : memref<172032x224xf32, #tpu.memory_space<hbm>> -> memref<96x224xf32, #tpu.memory_space<hbm>>
    %dma_start3A_338 = arith.constant 0 : i32
    %dma_start3A_339 = tpu.memref_slice %arg2[%add3A_336, %dma_start3A_338] : memref<172032x224xf32, #tpu.memory_space<hbm>> -> memref<96x224xf32, #tpu.memory_space<hbm>>
    tpu.enqueue_dma source(%dma_start3A_339 : memref<96x224xf32, #tpu.memory_space<hbm>>) target(%arg6 : memref<96x224xf32, #tpu.memory_space<vmem>>) target_semaphore(%arg12 : memref<!tpu.dma_semaphore, #tpu.memory_space<semaphore_mem>>)
    %scan3A = arith.constant 0 : i32
    %scan3A_340 = arith.constant 0 : i32
    %scan3A_341 = arith.constant 28 : i32
    %scan3A_342 = arith.addi %scan3A_340, %scan3A_341 : i32
    %scan3A_343 = arith.constant 1 : i32
    scf.for %scan3A_356 = %scan3A_340 to %scan3A_342 step %scan3A_343  : i32 {
      %mul3A_357 = arith.constant 2 : i32
      %mul3A_358 = arith.muli %mul3A_357, %scan3A_356 : i32
      %add3A_359 = arith.constant 1 : i32
      %add3A_360 = arith.addi %mul3A_358, %add3A_359 : i32
      %mul3A_361 = arith.constant 96 : i32
      %mul3A_362 = arith.muli %add3A_360, %mul3A_361 : i32
      %add3A_363 = arith.addi %mul3A_18, %mul3A_362 : i32
      %dma_start3A_364 = arith.constant 0 : i32
      %dma_start3A_365 = tpu.memref_slice %arg2[%add3A_363, %dma_start3A_364] : memref<172032x224xf32, #tpu.memory_space<hbm>> -> memref<96x224xf32, #tpu.memory_space<hbm>>
      %dma_start3A_366 = arith.constant 0 : i32
      %dma_start3A_367 = tpu.memref_slice %arg2[%add3A_363, %dma_start3A_366] : memref<172032x224xf32, #tpu.memory_space<hbm>> -> memref<96x224xf32, #tpu.memory_space<hbm>>
      tpu.enqueue_dma source(%dma_start3A_367 : memref<96x224xf32, #tpu.memory_space<hbm>>) target(%arg7 : memref<96x224xf32, #tpu.memory_space<vmem>>) target_semaphore(%arg13 : memref<!tpu.dma_semaphore, #tpu.memory_space<semaphore_mem>>)
      %mul3A_368 = arith.constant 2 : i32
      %mul3A_369 = arith.muli %mul3A_368, %scan3A_356 : i32
      %mul3A_370 = arith.constant 96 : i32
      %mul3A_371 = arith.muli %mul3A_369, %mul3A_370 : i32
      %add3A_372 = arith.addi %mul3A_18, %mul3A_371 : i32
      %dma_wait3A_373 = arith.constant 0 : i32
      %dma_wait3A_374 = tpu.memref_slice %arg2[%add3A_372, %dma_wait3A_373] : memref<172032x224xf32, #tpu.memory_space<hbm>> -> memref<96x224xf32, #tpu.memory_space<hbm>>
      %dma_wait3A_375 = arith.constant 0 : i32
      %dma_wait3A_376 = tpu.memref_slice %arg2[%add3A_372, %dma_wait3A_375] : memref<172032x224xf32, #tpu.memory_space<hbm>> -> memref<96x224xf32, #tpu.memory_space<hbm>>
      tpu.wait_dma2 semaphore(%arg12 : memref<!tpu.dma_semaphore, #tpu.memory_space<semaphore_mem>>) src(%dma_wait3A_376 : memref<96x224xf32, #tpu.memory_space<hbm>>) dst(%arg6 : memref<96x224xf32, #tpu.memory_space<vmem>>)
      %gt3A = arith.constant 0 : i32
      %gt3A_377 = arith.cmpi sgt, %scan3A_356, %gt3A : i32
      %convert_element_type3A = arith.extui %gt3A_377 : i1 to i32
      %cond3A = arith.constant 0 : i32
      %cond3A_378 = arith.cmpi ne, %convert_element_type3A, %cond3A : i32
      scf.if %cond3A_378 {
        %mul3A_424 = arith.constant 2 : i32
        %mul3A_425 = arith.muli %mul3A_424, %scan3A_356 : i32
        %sub3A_426 = arith.constant 2 : i32
        %sub3A_427 = arith.subi %mul3A_425, %sub3A_426 : i32
        %mul3A_428 = arith.constant 96 : i32
        %mul3A_429 = arith.muli %sub3A_427, %mul3A_428 : i32
        %add3A_430 = arith.addi %mul3A_18, %mul3A_429 : i32
        %dma_wait3A_431 = arith.constant 0 : i32
        %dma_wait3A_432 = tpu.memref_slice %arg5[%add3A_430, %dma_wait3A_431] : memref<172032x224xf32, #tpu.memory_space<hbm>> -> memref<96x224xf32, #tpu.memory_space<hbm>>
        %dma_wait3A_433 = arith.constant 0 : i32
        %dma_wait3A_434 = tpu.memref_slice %arg5[%add3A_430, %dma_wait3A_433] : memref<172032x224xf32, #tpu.memory_space<hbm>> -> memref<96x224xf32, #tpu.memory_space<hbm>>
        tpu.wait_dma2 semaphore(%arg14 : memref<!tpu.dma_semaphore, #tpu.memory_space<semaphore_mem>>) src(%arg8 : memref<96x224xf32, #tpu.memory_space<vmem>>) dst(%dma_wait3A_434 : memref<96x224xf32, #tpu.memory_space<hbm>>)
      } else {
      }
      %parallel_loop3A = arith.constant 0 : i32
      %parallel_loop3A_379 = arith.constant 96 : i32
      %parallel_loop3A_380 = arith.constant 1 : i32
      scf.for %parallel_loop3A_424 = %parallel_loop3A to %parallel_loop3A_379 step %parallel_loop3A_380  : i32 {
        %parallel_loop3A_425 = arith.index_cast %parallel_loop3A_424 : i32 to index
        %parallel_loop3A_426 = arith.constant 0 : index
        %parallel_loop3A_427 = tpu.vector_load %arg6[%parallel_loop3A_425, %parallel_loop3A_426] {strides = array<i32>} : memref<96x224xf32, #tpu.memory_space<vmem>>, vector<1x16xf32>,
        %parallel_loop3A_428 = vector.shape_cast %parallel_loop3A_427 : vector<1x16xf32> to vector<16xf32>
        %parallel_loop3A_429 = arith.constant 0.000000e+00 : f32
        %parallel_loop3A_430 = vector.broadcast %parallel_loop3A_429 : f32 to vector<16xf32>
        %parallel_loop3A_431 = arith.cmpf oge, %parallel_loop3A_428, %parallel_loop3A_430 : vector<16xf32>
        %parallel_loop3A_432 = arith.mulf %parallel_loop3A_428, %div3A_331 : vector<16xf32>
        %parallel_loop3A_433 = arith.addf %parallel_loop3A_432, %mul3A_334 : vector<16xf32>
        %parallel_loop3A_434 = arith.select %parallel_loop3A_431, %parallel_loop3A_433, %parallel_loop3A_428 : vector<16xi1>, vector<16xf32>
        %parallel_loop3A_435 = arith.index_cast %parallel_loop3A_424 : i32 to index
        %parallel_loop3A_436 = arith.constant 0 : index
        %parallel_loop3A_437 = tpu.vector_load %arg8[%parallel_loop3A_435, %parallel_loop3A_436] {strides = array<i32>} : memref<96x224xf32, #tpu.memory_space<vmem>>, vector<1x16xf32>,
        %parallel_loop3A_438 = vector.shape_cast %parallel_loop3A_437 : vector<1x16xf32> to vector<16xf32>
        %parallel_loop3A_439 = vector.shape_cast %parallel_loop3A_434 : vector<16xf32> to vector<1x16xf32>
        tpu.vector_store %arg8[%parallel_loop3A_435, %parallel_loop3A_436], %parallel_loop3A_439 {strides = array<i32>} : memref<96x224xf32, #tpu.memory_space<vmem>>, vector<1x16xf32>,
        %parallel_loop3A_440 = arith.index_cast %parallel_loop3A_424 : i32 to index
        %parallel_loop3A_441 = arith.constant 16 : index
        %parallel_loop3A_442 = tpu.vector_load %arg6[%parallel_loop3A_440, %parallel_loop3A_441] {strides = array<i32>} : memref<96x224xf32, #tpu.memory_space<vmem>>, vector<1x16xf32>,
        %parallel_loop3A_443 = vector.shape_cast %parallel_loop3A_442 : vector<1x16xf32> to vector<16xf32>
        %parallel_loop3A_444 = arith.constant 0.000000e+00 : f32
        %parallel_loop3A_445 = vector.broadcast %parallel_loop3A_444 : f32 to vector<16xf32>
        %parallel_loop3A_446 = arith.cmpf oge, %parallel_loop3A_443, %parallel_loop3A_445 : vector<16xf32>
        %parallel_loop3A_447 = arith.mulf %parallel_loop3A_443, %div3A_331 : vector<16xf32>
        %parallel_loop3A_448 = arith.addf %parallel_loop3A_447, %mul3A_334 : vector<16xf32>
        %parallel_loop3A_449 = arith.select %parallel_loop3A_446, %parallel_loop3A_448, %parallel_loop3A_443 : vector<16xi1>, vector<16xf32>
        %parallel_loop3A_450 = arith.index_cast %parallel_loop3A_424 : i32 to index
        %parallel_loop3A_451 = arith.constant 16 : index
        %parallel_loop3A_452 = tpu.vector_load %arg8[%parallel_loop3A_450, %parallel_loop3A_451] {strides = array<i32>} : memref<96x224xf32, #tpu.memory_space<vmem>>, vector<1x16xf32>,
        %parallel_loop3A_453 = vector.shape_cast %parallel_loop3A_452 : vector<1x16xf32> to vector<16xf32>
        %parallel_loop3A_454 = vector.shape_cast %parallel_loop3A_449 : vector<16xf32> to vector<1x16xf32>
        tpu.vector_store %arg8[%parallel_loop3A_450, %parallel_loop3A_451], %parallel_loop3A_454 {strides = array<i32>} : memref<96x224xf32, #tpu.memory_space<vmem>>, vector<1x16xf32>,
        %parallel_loop3A_455 = arith.index_cast %parallel_loop3A_424 : i32 to index
        %parallel_loop3A_456 = arith.constant 32 : index
        %parallel_loop3A_457 = tpu.vector_load %arg6[%parallel_loop3A_455, %parallel_loop3A_456] {strides = array<i32>} : memref<96x224xf32, #tpu.memory_space<vmem>>, vector<1x16xf32>,
        %parallel_loop3A_458 = vector.shape_cast %parallel_loop3A_457 : vector<1x16xf32> to vector<16xf32>
        %parallel_loop3A_459 = arith.constant 0.000000e+00 : f32
        %parallel_loop3A_460 = vector.broadcast %parallel_loop3A_459 : f32 to vector<16xf32>
        %parallel_loop3A_461 = arith.cmpf oge, %parallel_loop3A_458, %parallel_loop3A_460 : vector<16xf32>
        %parallel_loop3A_462 = arith.mulf %parallel_loop3A_458, %div3A_331 : vector<16xf32>
        %parallel_loop3A_463 = arith.addf %parallel_loop3A_462, %mul3A_334 : vector<16xf32>
        %parallel_loop3A_464 = arith.select %parallel_loop3A_461, %parallel_loop3A_463, %parallel_loop3A_458 : vector<16xi1>, vector<16xf32>
        %parallel_loop3A_465 = arith.index_cast %parallel_loop3A_424 : i32 to index
        %parallel_loop3A_466 = arith.constant 32 : index
        %parallel_loop3A_467 = tpu.vector_load %arg8[%parallel_loop3A_465, %parallel_loop3A_466] {strides = array<i32>} : memref<96x224xf32, #tpu.memory_space<vmem>>, vector<1x16xf32>,
        %parallel_loop3A_468 = vector.shape_cast %parallel_loop3A_467 : vector<1x16xf32> to vector<16xf32>
        %parallel_loop3A_469 = vector.shape_cast %parallel_loop3A_464 : vector<16xf32> to vector<1x16xf32>
        tpu.vector_store %arg8[%parallel_loop3A_465, %parallel_loop3A_466], %parallel_loop3A_469 {strides = array<i32>} : memref<96x224xf32, #tpu.memory_space<vmem>>, vector<1x16xf32>,
        %parallel_loop3A_470 = arith.index_cast %parallel_loop3A_424 : i32 to index
        %parallel_loop3A_471 = arith.constant 48 : index
        %parallel_loop3A_472 = tpu.vector_load %arg6[%parallel_loop3A_470, %parallel_loop3A_471] {strides = array<i32>} : memref<96x224xf32, #tpu.memory_space<vmem>>, vector<1x16xf32>,
        %parallel_loop3A_473 = vector.shape_cast %parallel_loop3A_472 : vector<1x16xf32> to vector<16xf32>
        %parallel_loop3A_474 = arith.constant 0.000000e+00 : f32
        %parallel_loop3A_475 = vector.broadcast %parallel_loop3A_474 : f32 to vector<16xf32>
        %parallel_loop3A_476 = arith.cmpf oge, %parallel_loop3A_473, %parallel_loop3A_475 : vector<16xf32>
        %parallel_loop3A_477 = arith.mulf %parallel_loop3A_473, %div3A_331 : vector<16xf32>
        %parallel_loop3A_478 = arith.addf %parallel_loop3A_477, %mul3A_334 : vector<16xf32>
        %parallel_loop3A_479 = arith.select %parallel_loop3A_476, %parallel_loop3A_478, %parallel_loop3A_473 : vector<16xi1>, vector<16xf32>
        %parallel_loop3A_480 = arith.index_cast %parallel_loop3A_424 : i32 to index
        %parallel_loop3A_481 = arith.constant 48 : index
        %parallel_loop3A_482 = tpu.vector_load %arg8[%parallel_loop3A_480, %parallel_loop3A_481] {strides = array<i32>} : memref<96x224xf32, #tpu.memory_space<vmem>>, vector<1x16xf32>,
        %parallel_loop3A_483 = vector.shape_cast %parallel_loop3A_482 : vector<1x16xf32> to vector<16xf32>
        %parallel_loop3A_484 = vector.shape_cast %parallel_loop3A_479 : vector<16xf32> to vector<1x16xf32>
        tpu.vector_store %arg8[%parallel_loop3A_480, %parallel_loop3A_481], %parallel_loop3A_484 {strides = array<i32>} : memref<96x224xf32, #tpu.memory_space<vmem>>, vector<1x16xf32>,
        %parallel_loop3A_485 = arith.index_cast %parallel_loop3A_424 : i32 to index
        %parallel_loop3A_486 = arith.constant 64 : index
        %parallel_loop3A_487 = tpu.vector_load %arg6[%parallel_loop3A_485, %parallel_loop3A_486] {strides = array<i32>} : memref<96x224xf32, #tpu.memory_space<vmem>>, vector<1x16xf32>,
        %parallel_loop3A_488 = vector.shape_cast %parallel_loop3A_487 : vector<1x16xf32> to vector<16xf32>
        %parallel_loop3A_489 = arith.constant 0.000000e+00 : f32
        %parallel_loop3A_490 = vector.broadcast %parallel_loop3A_489 : f32 to vector<16xf32>
        %parallel_loop3A_491 = arith.cmpf oge, %parallel_loop3A_488, %parallel_loop3A_490 : vector<16xf32>
        %parallel_loop3A_492 = arith.mulf %parallel_loop3A_488, %div3A_331 : vector<16xf32>
        %parallel_loop3A_493 = arith.addf %parallel_loop3A_492, %mul3A_334 : vector<16xf32>
        %parallel_loop3A_494 = arith.select %parallel_loop3A_491, %parallel_loop3A_493, %parallel_loop3A_488 : vector<16xi1>, vector<16xf32>
        %parallel_loop3A_495 = arith.index_cast %parallel_loop3A_424 : i32 to index
        %parallel_loop3A_496 = arith.constant 64 : index
        %parallel_loop3A_497 = tpu.vector_load %arg8[%parallel_loop3A_495, %parallel_loop3A_496] {strides = array<i32>} : memref<96x224xf32, #tpu.memory_space<vmem>>, vector<1x16xf32>,
        %parallel_loop3A_498 = vector.shape_cast %parallel_loop3A_497 : vector<1x16xf32> to vector<16xf32>
        %parallel_loop3A_499 = vector.shape_cast %parallel_loop3A_494 : vector<16xf32> to vector<1x16xf32>
        tpu.vector_store %arg8[%parallel_loop3A_495, %parallel_loop3A_496], %parallel_loop3A_499 {strides = array<i32>} : memref<96x224xf32, #tpu.memory_space<vmem>>, vector<1x16xf32>,
        %parallel_loop3A_500 = arith.index_cast %parallel_loop3A_424 : i32 to index
        %parallel_loop3A_501 = arith.constant 80 : index
        %parallel_loop3A_502 = tpu.vector_load %arg6[%parallel_loop3A_500, %parallel_loop3A_501] {strides = array<i32>} : memref<96x224xf32, #tpu.memory_space<vmem>>, vector<1x16xf32>,
        %parallel_loop3A_503 = vector.shape_cast %parallel_loop3A_502 : vector<1x16xf32> to vector<16xf32>
        %parallel_loop3A_504 = arith.constant 0.000000e+00 : f32
        %parallel_loop3A_505 = vector.broadcast %parallel_loop3A_504 : f32 to vector<16xf32>
        %parallel_loop3A_506 = arith.cmpf oge, %parallel_loop3A_503, %parallel_loop3A_505 : vector<16xf32>
        %parallel_loop3A_507 = arith.mulf %parallel_loop3A_503, %div3A_331 : vector<16xf32>
        %parallel_loop3A_508 = arith.addf %parallel_loop3A_507, %mul3A_334 : vector<16xf32>
        %parallel_loop3A_509 = arith.select %parallel_loop3A_506, %parallel_loop3A_508, %parallel_loop3A_503 : vector<16xi1>, vector<16xf32>
        %parallel_loop3A_510 = arith.index_cast %parallel_loop3A_424 : i32 to index
        %parallel_loop3A_511 = arith.constant 80 : index
        %parallel_loop3A_512 = tpu.vector_load %arg8[%parallel_loop3A_510, %parallel_loop3A_511] {strides = array<i32>} : memref<96x224xf32, #tpu.memory_space<vmem>>, vector<1x16xf32>,
        %parallel_loop3A_513 = vector.shape_cast %parallel_loop3A_512 : vector<1x16xf32> to vector<16xf32>
        %parallel_loop3A_514 = vector.shape_cast %parallel_loop3A_509 : vector<16xf32> to vector<1x16xf32>
        tpu.vector_store %arg8[%parallel_loop3A_510, %parallel_loop3A_511], %parallel_loop3A_514 {strides = array<i32>} : memref<96x224xf32, #tpu.memory_space<vmem>>, vector<1x16xf32>,
        %parallel_loop3A_515 = arith.index_cast %parallel_loop3A_424 : i32 to index
        %parallel_loop3A_516 = arith.constant 96 : index
        %parallel_loop3A_517 = tpu.vector_load %arg6[%parallel_loop3A_515, %parallel_loop3A_516] {strides = array<i32>} : memref<96x224xf32, #tpu.memory_space<vmem>>, vector<1x16xf32>,
        %parallel_loop3A_518 = vector.shape_cast %parallel_loop3A_517 : vector<1x16xf32> to vector<16xf32>
        %parallel_loop3A_519 = arith.constant 0.000000e+00 : f32
        %parallel_loop3A_520 = vector.broadcast %parallel_loop3A_519 : f32 to vector<16xf32>
        %parallel_loop3A_521 = arith.cmpf oge, %parallel_loop3A_518, %parallel_loop3A_520 : vector<16xf32>
        %parallel_loop3A_522 = arith.mulf %parallel_loop3A_518, %div3A_331 : vector<16xf32>
        %parallel_loop3A_523 = arith.addf %parallel_loop3A_522, %mul3A_334 : vector<16xf32>
        %parallel_loop3A_524 = arith.select %parallel_loop3A_521, %parallel_loop3A_523, %parallel_loop3A_518 : vector<16xi1>, vector<16xf32>
        %parallel_loop3A_525 = arith.index_cast %parallel_loop3A_424 : i32 to index
        %parallel_loop3A_526 = arith.constant 96 : index
        %parallel_loop3A_527 = tpu.vector_load %arg8[%parallel_loop3A_525, %parallel_loop3A_526] {strides = array<i32>} : memref<96x224xf32, #tpu.memory_space<vmem>>, vector<1x16xf32>,
        %parallel_loop3A_528 = vector.shape_cast %parallel_loop3A_527 : vector<1x16xf32> to vector<16xf32>
        %parallel_loop3A_529 = vector.shape_cast %parallel_loop3A_524 : vector<16xf32> to vector<1x16xf32>
        tpu.vector_store %arg8[%parallel_loop3A_525, %parallel_loop3A_526], %parallel_loop3A_529 {strides = array<i32>} : memref<96x224xf32, #tpu.memory_space<vmem>>, vector<1x16xf32>,
        %parallel_loop3A_530 = arith.index_cast %parallel_loop3A_424 : i32 to index
        %parallel_loop3A_531 = arith.constant 112 : index
        %parallel_loop3A_532 = tpu.vector_load %arg6[%parallel_loop3A_530, %parallel_loop3A_531] {strides = array<i32>} : memref<96x224xf32, #tpu.memory_space<vmem>>, vector<1x16xf32>,
        %parallel_loop3A_533 = vector.shape_cast %parallel_loop3A_532 : vector<1x16xf32> to vector<16xf32>
        %parallel_loop3A_534 = arith.constant 0.000000e+00 : f32
        %parallel_loop3A_535 = vector.broadcast %parallel_loop3A_534 : f32 to vector<16xf32>
        %parallel_loop3A_536 = arith.cmpf oge, %parallel_loop3A_533, %parallel_loop3A_535 : vector<16xf32>
        %parallel_loop3A_537 = arith.mulf %parallel_loop3A_533, %div3A_331 : vector<16xf32>
        %parallel_loop3A_538 = arith.addf %parallel_loop3A_537, %mul3A_334 : vector<16xf32>
        %parallel_loop3A_539 = arith.select %parallel_loop3A_536, %parallel_loop3A_538, %parallel_loop3A_533 : vector<16xi1>, vector<16xf32>
        %parallel_loop3A_540 = arith.index_cast %parallel_loop3A_424 : i32 to index
        %parallel_loop3A_541 = arith.constant 112 : index
        %parallel_loop3A_542 = tpu.vector_load %arg8[%parallel_loop3A_540, %parallel_loop3A_541] {strides = array<i32>} : memref<96x224xf32, #tpu.memory_space<vmem>>, vector<1x16xf32>,
        %parallel_loop3A_543 = vector.shape_cast %parallel_loop3A_542 : vector<1x16xf32> to vector<16xf32>
        %parallel_loop3A_544 = vector.shape_cast %parallel_loop3A_539 : vector<16xf32> to vector<1x16xf32>
        tpu.vector_store %arg8[%parallel_loop3A_540, %parallel_loop3A_541], %parallel_loop3A_544 {strides = array<i32>} : memref<96x224xf32, #tpu.memory_space<vmem>>, vector<1x16xf32>,
        %parallel_loop3A_545 = arith.index_cast %parallel_loop3A_424 : i32 to index
        %parallel_loop3A_546 = arith.constant 128 : index
        %parallel_loop3A_547 = tpu.vector_load %arg6[%parallel_loop3A_545, %parallel_loop3A_546] {strides = array<i32>} : memref<96x224xf32, #tpu.memory_space<vmem>>, vector<1x16xf32>,
        %parallel_loop3A_548 = vector.shape_cast %parallel_loop3A_547 : vector<1x16xf32> to vector<16xf32>
        %parallel_loop3A_549 = arith.constant 0.000000e+00 : f32
        %parallel_loop3A_550 = vector.broadcast %parallel_loop3A_549 : f32 to vector<16xf32>
        %parallel_loop3A_551 = arith.cmpf oge, %parallel_loop3A_548, %parallel_loop3A_550 : vector<16xf32>
        %parallel_loop3A_552 = arith.mulf %parallel_loop3A_548, %div3A_331 : vector<16xf32>
        %parallel_loop3A_553 = arith.addf %parallel_loop3A_552, %mul3A_334 : vector<16xf32>
        %parallel_loop3A_554 = arith.select %parallel_loop3A_551, %parallel_loop3A_553, %parallel_loop3A_548 : vector<16xi1>, vector<16xf32>
        %parallel_loop3A_555 = arith.index_cast %parallel_loop3A_424 : i32 to index
        %parallel_loop3A_556 = arith.constant 128 : index
        %parallel_loop3A_557 = tpu.vector_load %arg8[%parallel_loop3A_555, %parallel_loop3A_556] {strides = array<i32>} : memref<96x224xf32, #tpu.memory_space<vmem>>, vector<1x16xf32>,
        %parallel_loop3A_558 = vector.shape_cast %parallel_loop3A_557 : vector<1x16xf32> to vector<16xf32>
        %parallel_loop3A_559 = vector.shape_cast %parallel_loop3A_554 : vector<16xf32> to vector<1x16xf32>
        tpu.vector_store %arg8[%parallel_loop3A_555, %parallel_loop3A_556], %parallel_loop3A_559 {strides = array<i32>} : memref<96x224xf32, #tpu.memory_space<vmem>>, vector<1x16xf32>,
        %parallel_loop3A_560 = arith.index_cast %parallel_loop3A_424 : i32 to index
        %parallel_loop3A_561 = arith.constant 144 : index
        %parallel_loop3A_562 = tpu.vector_load %arg6[%parallel_loop3A_560, %parallel_loop3A_561] {strides = array<i32>} : memref<96x224xf32, #tpu.memory_space<vmem>>, vector<1x16xf32>,
        %parallel_loop3A_563 = vector.shape_cast %parallel_loop3A_562 : vector<1x16xf32> to vector<16xf32>
        %parallel_loop3A_564 = arith.constant 0.000000e+00 : f32
        %parallel_loop3A_565 = vector.broadcast %parallel_loop3A_564 : f32 to vector<16xf32>
        %parallel_loop3A_566 = arith.cmpf oge, %parallel_loop3A_563, %parallel_loop3A_565 : vector<16xf32>
        %parallel_loop3A_567 = arith.mulf %parallel_loop3A_563, %div3A_331 : vector<16xf32>
        %parallel_loop3A_568 = arith.addf %parallel_loop3A_567, %mul3A_334 : vector<16xf32>
        %parallel_loop3A_569 = arith.select %parallel_loop3A_566, %parallel_loop3A_568, %parallel_loop3A_563 : vector<16xi1>, vector<16xf32>
        %parallel_loop3A_570 = arith.index_cast %parallel_loop3A_424 : i32 to index
        %parallel_loop3A_571 = arith.constant 144 : index
        %parallel_loop3A_572 = tpu.vector_load %arg8[%parallel_loop3A_570, %parallel_loop3A_571] {strides = array<i32>} : memref<96x224xf32, #tpu.memory_space<vmem>>, vector<1x16xf32>,
        %parallel_loop3A_573 = vector.shape_cast %parallel_loop3A_572 : vector<1x16xf32> to vector<16xf32>
        %parallel_loop3A_574 = vector.shape_cast %parallel_loop3A_569 : vector<16xf32> to vector<1x16xf32>
        tpu.vector_store %arg8[%parallel_loop3A_570, %parallel_loop3A_571], %parallel_loop3A_574 {strides = array<i32>} : memref<96x224xf32, #tpu.memory_space<vmem>>, vector<1x16xf32>,
        %parallel_loop3A_575 = arith.index_cast %parallel_loop3A_424 : i32 to index
        %parallel_loop3A_576 = arith.constant 160 : index
        %parallel_loop3A_577 = tpu.vector_load %arg6[%parallel_loop3A_575, %parallel_loop3A_576] {strides = array<i32>} : memref<96x224xf32, #tpu.memory_space<vmem>>, vector<1x16xf32>,
        %parallel_loop3A_578 = vector.shape_cast %parallel_loop3A_577 : vector<1x16xf32> to vector<16xf32>
        %parallel_loop3A_579 = arith.constant 0.000000e+00 : f32
        %parallel_loop3A_580 = vector.broadcast %parallel_loop3A_579 : f32 to vector<16xf32>
        %parallel_loop3A_581 = arith.cmpf oge, %parallel_loop3A_578, %parallel_loop3A_580 : vector<16xf32>
        %parallel_loop3A_582 = arith.mulf %parallel_loop3A_578, %div3A_331 : vector<16xf32>
        %parallel_loop3A_583 = arith.addf %parallel_loop3A_582, %mul3A_334 : vector<16xf32>
        %parallel_loop3A_584 = arith.select %parallel_loop3A_581, %parallel_loop3A_583, %parallel_loop3A_578 : vector<16xi1>, vector<16xf32>
        %parallel_loop3A_585 = arith.index_cast %parallel_loop3A_424 : i32 to index
        %parallel_loop3A_586 = arith.constant 160 : index
        %parallel_loop3A_587 = tpu.vector_load %arg8[%parallel_loop3A_585, %parallel_loop3A_586] {strides = array<i32>} : memref<96x224xf32, #tpu.memory_space<vmem>>, vector<1x16xf32>,
        %parallel_loop3A_588 = vector.shape_cast %parallel_loop3A_587 : vector<1x16xf32> to vector<16xf32>
        %parallel_loop3A_589 = vector.shape_cast %parallel_loop3A_584 : vector<16xf32> to vector<1x16xf32>
        tpu.vector_store %arg8[%parallel_loop3A_585, %parallel_loop3A_586], %parallel_loop3A_589 {strides = array<i32>} : memref<96x224xf32, #tpu.memory_space<vmem>>, vector<1x16xf32>,
        %parallel_loop3A_590 = arith.index_cast %parallel_loop3A_424 : i32 to index
        %parallel_loop3A_591 = arith.constant 176 : index
        %parallel_loop3A_592 = tpu.vector_load %arg6[%parallel_loop3A_590, %parallel_loop3A_591] {strides = array<i32>} : memref<96x224xf32, #tpu.memory_space<vmem>>, vector<1x16xf32>,
        %parallel_loop3A_593 = vector.shape_cast %parallel_loop3A_592 : vector<1x16xf32> to vector<16xf32>
        %parallel_loop3A_594 = arith.constant 0.000000e+00 : f32
        %parallel_loop3A_595 = vector.broadcast %parallel_loop3A_594 : f32 to vector<16xf32>
        %parallel_loop3A_596 = arith.cmpf oge, %parallel_loop3A_593, %parallel_loop3A_595 : vector<16xf32>
        %parallel_loop3A_597 = arith.mulf %parallel_loop3A_593, %div3A_331 : vector<16xf32>
        %parallel_loop3A_598 = arith.addf %parallel_loop3A_597, %mul3A_334 : vector<16xf32>
        %parallel_loop3A_599 = arith.select %parallel_loop3A_596, %parallel_loop3A_598, %parallel_loop3A_593 : vector<16xi1>, vector<16xf32>
        %parallel_loop3A_600 = arith.index_cast %parallel_loop3A_424 : i32 to index
        %parallel_loop3A_601 = arith.constant 176 : index
        %parallel_loop3A_602 = tpu.vector_load %arg8[%parallel_loop3A_600, %parallel_loop3A_601] {strides = array<i32>} : memref<96x224xf32, #tpu.memory_space<vmem>>, vector<1x16xf32>,
        %parallel_loop3A_603 = vector.shape_cast %parallel_loop3A_602 : vector<1x16xf32> to vector<16xf32>
        %parallel_loop3A_604 = vector.shape_cast %parallel_loop3A_599 : vector<16xf32> to vector<1x16xf32>
        tpu.vector_store %arg8[%parallel_loop3A_600, %parallel_loop3A_601], %parallel_loop3A_604 {strides = array<i32>} : memref<96x224xf32, #tpu.memory_space<vmem>>, vector<1x16xf32>,
        %parallel_loop3A_605 = arith.index_cast %parallel_loop3A_424 : i32 to index
        %parallel_loop3A_606 = arith.constant 192 : index
        %parallel_loop3A_607 = tpu.vector_load %arg6[%parallel_loop3A_605, %parallel_loop3A_606] {strides = array<i32>} : memref<96x224xf32, #tpu.memory_space<vmem>>, vector<1x16xf32>,
        %parallel_loop3A_608 = vector.shape_cast %parallel_loop3A_607 : vector<1x16xf32> to vector<16xf32>
        %parallel_loop3A_609 = arith.constant 0.000000e+00 : f32
        %parallel_loop3A_610 = vector.broadcast %parallel_loop3A_609 : f32 to vector<16xf32>
        %parallel_loop3A_611 = arith.cmpf oge, %parallel_loop3A_608, %parallel_loop3A_610 : vector<16xf32>
        %parallel_loop3A_612 = arith.mulf %parallel_loop3A_608, %div3A_331 : vector<16xf32>
        %parallel_loop3A_613 = arith.addf %parallel_loop3A_612, %mul3A_334 : vector<16xf32>
        %parallel_loop3A_614 = arith.select %parallel_loop3A_611, %parallel_loop3A_613, %parallel_loop3A_608 : vector<16xi1>, vector<16xf32>
        %parallel_loop3A_615 = arith.index_cast %parallel_loop3A_424 : i32 to index
        %parallel_loop3A_616 = arith.constant 192 : index
        %parallel_loop3A_617 = tpu.vector_load %arg8[%parallel_loop3A_615, %parallel_loop3A_616] {strides = array<i32>} : memref<96x224xf32, #tpu.memory_space<vmem>>, vector<1x16xf32>,
        %parallel_loop3A_618 = vector.shape_cast %parallel_loop3A_617 : vector<1x16xf32> to vector<16xf32>
        %parallel_loop3A_619 = vector.shape_cast %parallel_loop3A_614 : vector<16xf32> to vector<1x16xf32>
        tpu.vector_store %arg8[%parallel_loop3A_615, %parallel_loop3A_616], %parallel_loop3A_619 {strides = array<i32>} : memref<96x224xf32, #tpu.memory_space<vmem>>, vector<1x16xf32>,
        %parallel_loop3A_620 = arith.index_cast %parallel_loop3A_424 : i32 to index
        %parallel_loop3A_621 = arith.constant 208 : index
        %parallel_loop3A_622 = tpu.vector_load %arg6[%parallel_loop3A_620, %parallel_loop3A_621] {strides = array<i32>} : memref<96x224xf32, #tpu.memory_space<vmem>>, vector<1x16xf32>,
        %parallel_loop3A_623 = vector.shape_cast %parallel_loop3A_622 : vector<1x16xf32> to vector<16xf32>
        %parallel_loop3A_624 = arith.constant 0.000000e+00 : f32
        %parallel_loop3A_625 = vector.broadcast %parallel_loop3A_624 : f32 to vector<16xf32>
        %parallel_loop3A_626 = arith.cmpf oge, %parallel_loop3A_623, %parallel_loop3A_625 : vector<16xf32>
        %parallel_loop3A_627 = arith.mulf %parallel_loop3A_623, %div3A_331 : vector<16xf32>
        %parallel_loop3A_628 = arith.addf %parallel_loop3A_627, %mul3A_334 : vector<16xf32>
        %parallel_loop3A_629 = arith.select %parallel_loop3A_626, %parallel_loop3A_628, %parallel_loop3A_623 : vector<16xi1>, vector<16xf32>
        %parallel_loop3A_630 = arith.index_cast %parallel_loop3A_424 : i32 to index
        %parallel_loop3A_631 = arith.constant 208 : index
        %parallel_loop3A_632 = tpu.vector_load %arg8[%parallel_loop3A_630, %parallel_loop3A_631] {strides = array<i32>} : memref<96x224xf32, #tpu.memory_space<vmem>>, vector<1x16xf32>,
        %parallel_loop3A_633 = vector.shape_cast %parallel_loop3A_632 : vector<1x16xf32> to vector<16xf32>
        %parallel_loop3A_634 = vector.shape_cast %parallel_loop3A_629 : vector<16xf32> to vector<1x16xf32>
        tpu.vector_store %arg8[%parallel_loop3A_630, %parallel_loop3A_631], %parallel_loop3A_634 {strides = array<i32>} : memref<96x224xf32, #tpu.memory_space<vmem>>, vector<1x16xf32>,
      } {sc.loop_unroll_factor = 1 : i64, sc.parallel_access}
      %mul3A_381 = arith.constant 2 : i32
      %mul3A_382 = arith.muli %mul3A_381, %scan3A_356 : i32
      %mul3A_383 = arith.constant 96 : i32
      %mul3A_384 = arith.muli %mul3A_382, %mul3A_383 : i32
      %add3A_385 = arith.addi %mul3A_18, %mul3A_384 : i32
      %dma_start3A_386 = arith.constant 0 : i32
      %dma_start3A_387 = tpu.memref_slice %arg5[%add3A_385, %dma_start3A_386] : memref<172032x224xf32, #tpu.memory_space<hbm>> -> memref<96x224xf32, #tpu.memory_space<hbm>>
      %dma_start3A_388 = arith.constant 0 : i32
      %dma_start3A_389 = tpu.memref_slice %arg5[%add3A_385, %dma_start3A_388] : memref<172032x224xf32, #tpu.memory_space<hbm>> -> memref<96x224xf32, #tpu.memory_space<hbm>>
      tpu.enqueue_dma source(%arg8 : memref<96x224xf32, #tpu.memory_space<vmem>>) target(%dma_start3A_389 : memref<96x224xf32, #tpu.memory_space<hbm>>) target_semaphore(%arg14 : memref<!tpu.dma_semaphore, #tpu.memory_space<semaphore_mem>>)
      %lt3A = arith.constant 27 : i32
      %lt3A_390 = arith.cmpi slt, %scan3A_356, %lt3A : i32
      %convert_element_type3A_391 = arith.extui %lt3A_390 : i1 to i32
      %cond3A_392 = arith.constant 0 : i32
      %cond3A_393 = arith.cmpi ne, %convert_element_type3A_391, %cond3A_392 : i32
      scf.if %cond3A_393 {
        %mul3A_424 = arith.constant 2 : i32
        %mul3A_425 = arith.muli %mul3A_424, %scan3A_356 : i32
        %add3A_426 = arith.constant 2 : i32
        %add3A_427 = arith.addi %mul3A_425, %add3A_426 : i32
        %mul3A_428 = arith.constant 96 : i32
        %mul3A_429 = arith.muli %add3A_427, %mul3A_428 : i32
        %add3A_430 = arith.addi %mul3A_18, %mul3A_429 : i32
        %dma_start3A_431 = arith.constant 0 : i32
        %dma_start3A_432 = tpu.memref_slice %arg2[%add3A_430, %dma_start3A_431] : memref<172032x224xf32, #tpu.memory_space<hbm>> -> memref<96x224xf32, #tpu.memory_space<hbm>>
        %dma_start3A_433 = arith.constant 0 : i32
        %dma_start3A_434 = tpu.memref_slice %arg2[%add3A_430, %dma_start3A_433] : memref<172032x224xf32, #tpu.memory_space<hbm>> -> memref<96x224xf32, #tpu.memory_space<hbm>>
        tpu.enqueue_dma source(%dma_start3A_434 : memref<96x224xf32, #tpu.memory_space<hbm>>) target(%arg6 : memref<96x224xf32, #tpu.memory_space<vmem>>) target_semaphore(%arg12 : memref<!tpu.dma_semaphore, #tpu.memory_space<semaphore_mem>>)
      } else {
      }
      %mul3A_394 = arith.constant 2 : i32
      %mul3A_395 = arith.muli %mul3A_394, %scan3A_356 : i32
      %add3A_396 = arith.constant 1 : i32
      %add3A_397 = arith.addi %mul3A_395, %add3A_396 : i32
      %mul3A_398 = arith.constant 96 : i32
      %mul3A_399 = arith.muli %add3A_397, %mul3A_398 : i32
      %add3A_400 = arith.addi %mul3A_18, %mul3A_399 : i32
      %dma_wait3A_401 = arith.constant 0 : i32
      %dma_wait3A_402 = tpu.memref_slice %arg2[%add3A_400, %dma_wait3A_401] : memref<172032x224xf32, #tpu.memory_space<hbm>> -> memref<96x224xf32, #tpu.memory_space<hbm>>
      %dma_wait3A_403 = arith.constant 0 : i32
      %dma_wait3A_404 = tpu.memref_slice %arg2[%add3A_400, %dma_wait3A_403] : memref<172032x224xf32, #tpu.memory_space<hbm>> -> memref<96x224xf32, #tpu.memory_space<hbm>>
      tpu.wait_dma2 semaphore(%arg13 : memref<!tpu.dma_semaphore, #tpu.memory_space<semaphore_mem>>) src(%dma_wait3A_404 : memref<96x224xf32, #tpu.memory_space<hbm>>) dst(%arg7 : memref<96x224xf32, #tpu.memory_space<vmem>>)
      %gt3A_405 = arith.constant 0 : i32
      %gt3A_406 = arith.cmpi sgt, %scan3A_356, %gt3A_405 : i32
      %convert_element_type3A_407 = arith.extui %gt3A_406 : i1 to i32
      %cond3A_408 = arith.constant 0 : i32
      %cond3A_409 = arith.cmpi ne, %convert_element_type3A_407, %cond3A_408 : i32
      scf.if %cond3A_409 {
        %mul3A_424 = arith.constant 2 : i32
        %mul3A_425 = arith.muli %mul3A_424, %scan3A_356 : i32
        %sub3A_426 = arith.constant 1 : i32
        %sub3A_427 = arith.subi %mul3A_425, %sub3A_426 : i32
        %mul3A_428 = arith.constant 96 : i32
        %mul3A_429 = arith.muli %sub3A_427, %mul3A_428 : i32
        %add3A_430 = arith.addi %mul3A_18, %mul3A_429 : i32
        %dma_wait3A_431 = arith.constant 0 : i32
        %dma_wait3A_432 = tpu.memref_slice %arg5[%add3A_430, %dma_wait3A_431] : memref<172032x224xf32, #tpu.memory_space<hbm>> -> memref<96x224xf32, #tpu.memory_space<hbm>>
        %dma_wait3A_433 = arith.constant 0 : i32
        %dma_wait3A_434 = tpu.memref_slice %arg5[%add3A_430, %dma_wait3A_433] : memref<172032x224xf32, #tpu.memory_space<hbm>> -> memref<96x224xf32, #tpu.memory_space<hbm>>
        tpu.wait_dma2 semaphore(%arg15 : memref<!tpu.dma_semaphore, #tpu.memory_space<semaphore_mem>>) src(%arg9 : memref<96x224xf32, #tpu.memory_space<vmem>>) dst(%dma_wait3A_434 : memref<96x224xf32, #tpu.memory_space<hbm>>)
      } else {
      }
      %parallel_loop3A_410 = arith.constant 0 : i32
      %parallel_loop3A_411 = arith.constant 96 : i32
      %parallel_loop3A_412 = arith.constant 1 : i32
      scf.for %parallel_loop3A_424 = %parallel_loop3A_410 to %parallel_loop3A_411 step %parallel_loop3A_412  : i32 {
        %parallel_loop3A_425 = arith.index_cast %parallel_loop3A_424 : i32 to index
        %parallel_loop3A_426 = arith.constant 0 : index
        %parallel_loop3A_427 = tpu.vector_load %arg7[%parallel_loop3A_425, %parallel_loop3A_426] {strides = array<i32>} : memref<96x224xf32, #tpu.memory_space<vmem>>, vector<1x16xf32>,
        %parallel_loop3A_428 = vector.shape_cast %parallel_loop3A_427 : vector<1x16xf32> to vector<16xf32>
        %parallel_loop3A_429 = arith.constant 0.000000e+00 : f32
        %parallel_loop3A_430 = vector.broadcast %parallel_loop3A_429 : f32 to vector<16xf32>
        %parallel_loop3A_431 = arith.cmpf oge, %parallel_loop3A_428, %parallel_loop3A_430 : vector<16xf32>
        %parallel_loop3A_432 = arith.mulf %parallel_loop3A_428, %div3A_331 : vector<16xf32>
        %parallel_loop3A_433 = arith.addf %parallel_loop3A_432, %mul3A_334 : vector<16xf32>
        %parallel_loop3A_434 = arith.select %parallel_loop3A_431, %parallel_loop3A_433, %parallel_loop3A_428 : vector<16xi1>, vector<16xf32>
        %parallel_loop3A_435 = arith.index_cast %parallel_loop3A_424 : i32 to index
        %parallel_loop3A_436 = arith.constant 0 : index
        %parallel_loop3A_437 = tpu.vector_load %arg9[%parallel_loop3A_435, %parallel_loop3A_436] {strides = array<i32>} : memref<96x224xf32, #tpu.memory_space<vmem>>, vector<1x16xf32>,
        %parallel_loop3A_438 = vector.shape_cast %parallel_loop3A_437 : vector<1x16xf32> to vector<16xf32>
        %parallel_loop3A_439 = vector.shape_cast %parallel_loop3A_434 : vector<16xf32> to vector<1x16xf32>
        tpu.vector_store %arg9[%parallel_loop3A_435, %parallel_loop3A_436], %parallel_loop3A_439 {strides = array<i32>} : memref<96x224xf32, #tpu.memory_space<vmem>>, vector<1x16xf32>,
        %parallel_loop3A_440 = arith.index_cast %parallel_loop3A_424 : i32 to index
        %parallel_loop3A_441 = arith.constant 16 : index
        %parallel_loop3A_442 = tpu.vector_load %arg7[%parallel_loop3A_440, %parallel_loop3A_441] {strides = array<i32>} : memref<96x224xf32, #tpu.memory_space<vmem>>, vector<1x16xf32>,
        %parallel_loop3A_443 = vector.shape_cast %parallel_loop3A_442 : vector<1x16xf32> to vector<16xf32>
        %parallel_loop3A_444 = arith.constant 0.000000e+00 : f32
        %parallel_loop3A_445 = vector.broadcast %parallel_loop3A_444 : f32 to vector<16xf32>
        %parallel_loop3A_446 = arith.cmpf oge, %parallel_loop3A_443, %parallel_loop3A_445 : vector<16xf32>
        %parallel_loop3A_447 = arith.mulf %parallel_loop3A_443, %div3A_331 : vector<16xf32>
        %parallel_loop3A_448 = arith.addf %parallel_loop3A_447, %mul3A_334 : vector<16xf32>
        %parallel_loop3A_449 = arith.select %parallel_loop3A_446, %parallel_loop3A_448, %parallel_loop3A_443 : vector<16xi1>, vector<16xf32>
        %parallel_loop3A_450 = arith.index_cast %parallel_loop3A_424 : i32 to index
        %parallel_loop3A_451 = arith.constant 16 : index
        %parallel_loop3A_452 = tpu.vector_load %arg9[%parallel_loop3A_450, %parallel_loop3A_451] {strides = array<i32>} : memref<96x224xf32, #tpu.memory_space<vmem>>, vector<1x16xf32>,
        %parallel_loop3A_453 = vector.shape_cast %parallel_loop3A_452 : vector<1x16xf32> to vector<16xf32>
        %parallel_loop3A_454 = vector.shape_cast %parallel_loop3A_449 : vector<16xf32> to vector<1x16xf32>
        tpu.vector_store %arg9[%parallel_loop3A_450, %parallel_loop3A_451], %parallel_loop3A_454 {strides = array<i32>} : memref<96x224xf32, #tpu.memory_space<vmem>>, vector<1x16xf32>,
        %parallel_loop3A_455 = arith.index_cast %parallel_loop3A_424 : i32 to index
        %parallel_loop3A_456 = arith.constant 32 : index
        %parallel_loop3A_457 = tpu.vector_load %arg7[%parallel_loop3A_455, %parallel_loop3A_456] {strides = array<i32>} : memref<96x224xf32, #tpu.memory_space<vmem>>, vector<1x16xf32>,
        %parallel_loop3A_458 = vector.shape_cast %parallel_loop3A_457 : vector<1x16xf32> to vector<16xf32>
        %parallel_loop3A_459 = arith.constant 0.000000e+00 : f32
        %parallel_loop3A_460 = vector.broadcast %parallel_loop3A_459 : f32 to vector<16xf32>
        %parallel_loop3A_461 = arith.cmpf oge, %parallel_loop3A_458, %parallel_loop3A_460 : vector<16xf32>
        %parallel_loop3A_462 = arith.mulf %parallel_loop3A_458, %div3A_331 : vector<16xf32>
        %parallel_loop3A_463 = arith.addf %parallel_loop3A_462, %mul3A_334 : vector<16xf32>
        %parallel_loop3A_464 = arith.select %parallel_loop3A_461, %parallel_loop3A_463, %parallel_loop3A_458 : vector<16xi1>, vector<16xf32>
        %parallel_loop3A_465 = arith.index_cast %parallel_loop3A_424 : i32 to index
        %parallel_loop3A_466 = arith.constant 32 : index
        %parallel_loop3A_467 = tpu.vector_load %arg9[%parallel_loop3A_465, %parallel_loop3A_466] {strides = array<i32>} : memref<96x224xf32, #tpu.memory_space<vmem>>, vector<1x16xf32>,
        %parallel_loop3A_468 = vector.shape_cast %parallel_loop3A_467 : vector<1x16xf32> to vector<16xf32>
        %parallel_loop3A_469 = vector.shape_cast %parallel_loop3A_464 : vector<16xf32> to vector<1x16xf32>
        tpu.vector_store %arg9[%parallel_loop3A_465, %parallel_loop3A_466], %parallel_loop3A_469 {strides = array<i32>} : memref<96x224xf32, #tpu.memory_space<vmem>>, vector<1x16xf32>,
        %parallel_loop3A_470 = arith.index_cast %parallel_loop3A_424 : i32 to index
        %parallel_loop3A_471 = arith.constant 48 : index
        %parallel_loop3A_472 = tpu.vector_load %arg7[%parallel_loop3A_470, %parallel_loop3A_471] {strides = array<i32>} : memref<96x224xf32, #tpu.memory_space<vmem>>, vector<1x16xf32>,
        %parallel_loop3A_473 = vector.shape_cast %parallel_loop3A_472 : vector<1x16xf32> to vector<16xf32>
        %parallel_loop3A_474 = arith.constant 0.000000e+00 : f32
        %parallel_loop3A_475 = vector.broadcast %parallel_loop3A_474 : f32 to vector<16xf32>
        %parallel_loop3A_476 = arith.cmpf oge, %parallel_loop3A_473, %parallel_loop3A_475 : vector<16xf32>
        %parallel_loop3A_477 = arith.mulf %parallel_loop3A_473, %div3A_331 : vector<16xf32>
        %parallel_loop3A_478 = arith.addf %parallel_loop3A_477, %mul3A_334 : vector<16xf32>
        %parallel_loop3A_479 = arith.select %parallel_loop3A_476, %parallel_loop3A_478, %parallel_loop3A_473 : vector<16xi1>, vector<16xf32>
        %parallel_loop3A_480 = arith.index_cast %parallel_loop3A_424 : i32 to index
        %parallel_loop3A_481 = arith.constant 48 : index
        %parallel_loop3A_482 = tpu.vector_load %arg9[%parallel_loop3A_480, %parallel_loop3A_481] {strides = array<i32>} : memref<96x224xf32, #tpu.memory_space<vmem>>, vector<1x16xf32>,
        %parallel_loop3A_483 = vector.shape_cast %parallel_loop3A_482 : vector<1x16xf32> to vector<16xf32>
        %parallel_loop3A_484 = vector.shape_cast %parallel_loop3A_479 : vector<16xf32> to vector<1x16xf32>
        tpu.vector_store %arg9[%parallel_loop3A_480, %parallel_loop3A_481], %parallel_loop3A_484 {strides = array<i32>} : memref<96x224xf32, #tpu.memory_space<vmem>>, vector<1x16xf32>,
        %parallel_loop3A_485 = arith.index_cast %parallel_loop3A_424 : i32 to index
        %parallel_loop3A_486 = arith.constant 64 : index
        %parallel_loop3A_487 = tpu.vector_load %arg7[%parallel_loop3A_485, %parallel_loop3A_486] {strides = array<i32>} : memref<96x224xf32, #tpu.memory_space<vmem>>, vector<1x16xf32>,
        %parallel_loop3A_488 = vector.shape_cast %parallel_loop3A_487 : vector<1x16xf32> to vector<16xf32>
        %parallel_loop3A_489 = arith.constant 0.000000e+00 : f32
        %parallel_loop3A_490 = vector.broadcast %parallel_loop3A_489 : f32 to vector<16xf32>
        %parallel_loop3A_491 = arith.cmpf oge, %parallel_loop3A_488, %parallel_loop3A_490 : vector<16xf32>
        %parallel_loop3A_492 = arith.mulf %parallel_loop3A_488, %div3A_331 : vector<16xf32>
        %parallel_loop3A_493 = arith.addf %parallel_loop3A_492, %mul3A_334 : vector<16xf32>
        %parallel_loop3A_494 = arith.select %parallel_loop3A_491, %parallel_loop3A_493, %parallel_loop3A_488 : vector<16xi1>, vector<16xf32>
        %parallel_loop3A_495 = arith.index_cast %parallel_loop3A_424 : i32 to index
        %parallel_loop3A_496 = arith.constant 64 : index
        %parallel_loop3A_497 = tpu.vector_load %arg9[%parallel_loop3A_495, %parallel_loop3A_496] {strides = array<i32>} : memref<96x224xf32, #tpu.memory_space<vmem>>, vector<1x16xf32>,
        %parallel_loop3A_498 = vector.shape_cast %parallel_loop3A_497 : vector<1x16xf32> to vector<16xf32>
        %parallel_loop3A_499 = vector.shape_cast %parallel_loop3A_494 : vector<16xf32> to vector<1x16xf32>
        tpu.vector_store %arg9[%parallel_loop3A_495, %parallel_loop3A_496], %parallel_loop3A_499 {strides = array<i32>} : memref<96x224xf32, #tpu.memory_space<vmem>>, vector<1x16xf32>,
        %parallel_loop3A_500 = arith.index_cast %parallel_loop3A_424 : i32 to index
        %parallel_loop3A_501 = arith.constant 80 : index
        %parallel_loop3A_502 = tpu.vector_load %arg7[%parallel_loop3A_500, %parallel_loop3A_501] {strides = array<i32>} : memref<96x224xf32, #tpu.memory_space<vmem>>, vector<1x16xf32>,
        %parallel_loop3A_503 = vector.shape_cast %parallel_loop3A_502 : vector<1x16xf32> to vector<16xf32>
        %parallel_loop3A_504 = arith.constant 0.000000e+00 : f32
        %parallel_loop3A_505 = vector.broadcast %parallel_loop3A_504 : f32 to vector<16xf32>
        %parallel_loop3A_506 = arith.cmpf oge, %parallel_loop3A_503, %parallel_loop3A_505 : vector<16xf32>
        %parallel_loop3A_507 = arith.mulf %parallel_loop3A_503, %div3A_331 : vector<16xf32>
        %parallel_loop3A_508 = arith.addf %parallel_loop3A_507, %mul3A_334 : vector<16xf32>
        %parallel_loop3A_509 = arith.select %parallel_loop3A_506, %parallel_loop3A_508, %parallel_loop3A_503 : vector<16xi1>, vector<16xf32>
        %parallel_loop3A_510 = arith.index_cast %parallel_loop3A_424 : i32 to index
        %parallel_loop3A_511 = arith.constant 80 : index
        %parallel_loop3A_512 = tpu.vector_load %arg9[%parallel_loop3A_510, %parallel_loop3A_511] {strides = array<i32>} : memref<96x224xf32, #tpu.memory_space<vmem>>, vector<1x16xf32>,
        %parallel_loop3A_513 = vector.shape_cast %parallel_loop3A_512 : vector<1x16xf32> to vector<16xf32>
        %parallel_loop3A_514 = vector.shape_cast %parallel_loop3A_509 : vector<16xf32> to vector<1x16xf32>
        tpu.vector_store %arg9[%parallel_loop3A_510, %parallel_loop3A_511], %parallel_loop3A_514 {strides = array<i32>} : memref<96x224xf32, #tpu.memory_space<vmem>>, vector<1x16xf32>,
        %parallel_loop3A_515 = arith.index_cast %parallel_loop3A_424 : i32 to index
        %parallel_loop3A_516 = arith.constant 96 : index
        %parallel_loop3A_517 = tpu.vector_load %arg7[%parallel_loop3A_515, %parallel_loop3A_516] {strides = array<i32>} : memref<96x224xf32, #tpu.memory_space<vmem>>, vector<1x16xf32>,
        %parallel_loop3A_518 = vector.shape_cast %parallel_loop3A_517 : vector<1x16xf32> to vector<16xf32>
        %parallel_loop3A_519 = arith.constant 0.000000e+00 : f32
        %parallel_loop3A_520 = vector.broadcast %parallel_loop3A_519 : f32 to vector<16xf32>
        %parallel_loop3A_521 = arith.cmpf oge, %parallel_loop3A_518, %parallel_loop3A_520 : vector<16xf32>
        %parallel_loop3A_522 = arith.mulf %parallel_loop3A_518, %div3A_331 : vector<16xf32>
        %parallel_loop3A_523 = arith.addf %parallel_loop3A_522, %mul3A_334 : vector<16xf32>
        %parallel_loop3A_524 = arith.select %parallel_loop3A_521, %parallel_loop3A_523, %parallel_loop3A_518 : vector<16xi1>, vector<16xf32>
        %parallel_loop3A_525 = arith.index_cast %parallel_loop3A_424 : i32 to index
        %parallel_loop3A_526 = arith.constant 96 : index
        %parallel_loop3A_527 = tpu.vector_load %arg9[%parallel_loop3A_525, %parallel_loop3A_526] {strides = array<i32>} : memref<96x224xf32, #tpu.memory_space<vmem>>, vector<1x16xf32>,
        %parallel_loop3A_528 = vector.shape_cast %parallel_loop3A_527 : vector<1x16xf32> to vector<16xf32>
        %parallel_loop3A_529 = vector.shape_cast %parallel_loop3A_524 : vector<16xf32> to vector<1x16xf32>
        tpu.vector_store %arg9[%parallel_loop3A_525, %parallel_loop3A_526], %parallel_loop3A_529 {strides = array<i32>} : memref<96x224xf32, #tpu.memory_space<vmem>>, vector<1x16xf32>,
        %parallel_loop3A_530 = arith.index_cast %parallel_loop3A_424 : i32 to index
        %parallel_loop3A_531 = arith.constant 112 : index
        %parallel_loop3A_532 = tpu.vector_load %arg7[%parallel_loop3A_530, %parallel_loop3A_531] {strides = array<i32>} : memref<96x224xf32, #tpu.memory_space<vmem>>, vector<1x16xf32>,
        %parallel_loop3A_533 = vector.shape_cast %parallel_loop3A_532 : vector<1x16xf32> to vector<16xf32>
        %parallel_loop3A_534 = arith.constant 0.000000e+00 : f32
        %parallel_loop3A_535 = vector.broadcast %parallel_loop3A_534 : f32 to vector<16xf32>
        %parallel_loop3A_536 = arith.cmpf oge, %parallel_loop3A_533, %parallel_loop3A_535 : vector<16xf32>
        %parallel_loop3A_537 = arith.mulf %parallel_loop3A_533, %div3A_331 : vector<16xf32>
        %parallel_loop3A_538 = arith.addf %parallel_loop3A_537, %mul3A_334 : vector<16xf32>
        %parallel_loop3A_539 = arith.select %parallel_loop3A_536, %parallel_loop3A_538, %parallel_loop3A_533 : vector<16xi1>, vector<16xf32>
        %parallel_loop3A_540 = arith.index_cast %parallel_loop3A_424 : i32 to index
        %parallel_loop3A_541 = arith.constant 112 : index
        %parallel_loop3A_542 = tpu.vector_load %arg9[%parallel_loop3A_540, %parallel_loop3A_541] {strides = array<i32>} : memref<96x224xf32, #tpu.memory_space<vmem>>, vector<1x16xf32>,
        %parallel_loop3A_543 = vector.shape_cast %parallel_loop3A_542 : vector<1x16xf32> to vector<16xf32>
        %parallel_loop3A_544 = vector.shape_cast %parallel_loop3A_539 : vector<16xf32> to vector<1x16xf32>
        tpu.vector_store %arg9[%parallel_loop3A_540, %parallel_loop3A_541], %parallel_loop3A_544 {strides = array<i32>} : memref<96x224xf32, #tpu.memory_space<vmem>>, vector<1x16xf32>,
        %parallel_loop3A_545 = arith.index_cast %parallel_loop3A_424 : i32 to index
        %parallel_loop3A_546 = arith.constant 128 : index
        %parallel_loop3A_547 = tpu.vector_load %arg7[%parallel_loop3A_545, %parallel_loop3A_546] {strides = array<i32>} : memref<96x224xf32, #tpu.memory_space<vmem>>, vector<1x16xf32>,
        %parallel_loop3A_548 = vector.shape_cast %parallel_loop3A_547 : vector<1x16xf32> to vector<16xf32>
        %parallel_loop3A_549 = arith.constant 0.000000e+00 : f32
        %parallel_loop3A_550 = vector.broadcast %parallel_loop3A_549 : f32 to vector<16xf32>
        %parallel_loop3A_551 = arith.cmpf oge, %parallel_loop3A_548, %parallel_loop3A_550 : vector<16xf32>
        %parallel_loop3A_552 = arith.mulf %parallel_loop3A_548, %div3A_331 : vector<16xf32>
        %parallel_loop3A_553 = arith.addf %parallel_loop3A_552, %mul3A_334 : vector<16xf32>
        %parallel_loop3A_554 = arith.select %parallel_loop3A_551, %parallel_loop3A_553, %parallel_loop3A_548 : vector<16xi1>, vector<16xf32>
        %parallel_loop3A_555 = arith.index_cast %parallel_loop3A_424 : i32 to index
        %parallel_loop3A_556 = arith.constant 128 : index
        %parallel_loop3A_557 = tpu.vector_load %arg9[%parallel_loop3A_555, %parallel_loop3A_556] {strides = array<i32>} : memref<96x224xf32, #tpu.memory_space<vmem>>, vector<1x16xf32>,
        %parallel_loop3A_558 = vector.shape_cast %parallel_loop3A_557 : vector<1x16xf32> to vector<16xf32>
        %parallel_loop3A_559 = vector.shape_cast %parallel_loop3A_554 : vector<16xf32> to vector<1x16xf32>
        tpu.vector_store %arg9[%parallel_loop3A_555, %parallel_loop3A_556], %parallel_loop3A_559 {strides = array<i32>} : memref<96x224xf32, #tpu.memory_space<vmem>>, vector<1x16xf32>,
        %parallel_loop3A_560 = arith.index_cast %parallel_loop3A_424 : i32 to index
        %parallel_loop3A_561 = arith.constant 144 : index
        %parallel_loop3A_562 = tpu.vector_load %arg7[%parallel_loop3A_560, %parallel_loop3A_561] {strides = array<i32>} : memref<96x224xf32, #tpu.memory_space<vmem>>, vector<1x16xf32>,
        %parallel_loop3A_563 = vector.shape_cast %parallel_loop3A_562 : vector<1x16xf32> to vector<16xf32>
        %parallel_loop3A_564 = arith.constant 0.000000e+00 : f32
        %parallel_loop3A_565 = vector.broadcast %parallel_loop3A_564 : f32 to vector<16xf32>
        %parallel_loop3A_566 = arith.cmpf oge, %parallel_loop3A_563, %parallel_loop3A_565 : vector<16xf32>
        %parallel_loop3A_567 = arith.mulf %parallel_loop3A_563, %div3A_331 : vector<16xf32>
        %parallel_loop3A_568 = arith.addf %parallel_loop3A_567, %mul3A_334 : vector<16xf32>
        %parallel_loop3A_569 = arith.select %parallel_loop3A_566, %parallel_loop3A_568, %parallel_loop3A_563 : vector<16xi1>, vector<16xf32>
        %parallel_loop3A_570 = arith.index_cast %parallel_loop3A_424 : i32 to index
        %parallel_loop3A_571 = arith.constant 144 : index
        %parallel_loop3A_572 = tpu.vector_load %arg9[%parallel_loop3A_570, %parallel_loop3A_571] {strides = array<i32>} : memref<96x224xf32, #tpu.memory_space<vmem>>, vector<1x16xf32>,
        %parallel_loop3A_573 = vector.shape_cast %parallel_loop3A_572 : vector<1x16xf32> to vector<16xf32>
        %parallel_loop3A_574 = vector.shape_cast %parallel_loop3A_569 : vector<16xf32> to vector<1x16xf32>
        tpu.vector_store %arg9[%parallel_loop3A_570, %parallel_loop3A_571], %parallel_loop3A_574 {strides = array<i32>} : memref<96x224xf32, #tpu.memory_space<vmem>>, vector<1x16xf32>,
        %parallel_loop3A_575 = arith.index_cast %parallel_loop3A_424 : i32 to index
        %parallel_loop3A_576 = arith.constant 160 : index
        %parallel_loop3A_577 = tpu.vector_load %arg7[%parallel_loop3A_575, %parallel_loop3A_576] {strides = array<i32>} : memref<96x224xf32, #tpu.memory_space<vmem>>, vector<1x16xf32>,
        %parallel_loop3A_578 = vector.shape_cast %parallel_loop3A_577 : vector<1x16xf32> to vector<16xf32>
        %parallel_loop3A_579 = arith.constant 0.000000e+00 : f32
        %parallel_loop3A_580 = vector.broadcast %parallel_loop3A_579 : f32 to vector<16xf32>
        %parallel_loop3A_581 = arith.cmpf oge, %parallel_loop3A_578, %parallel_loop3A_580 : vector<16xf32>
        %parallel_loop3A_582 = arith.mulf %parallel_loop3A_578, %div3A_331 : vector<16xf32>
        %parallel_loop3A_583 = arith.addf %parallel_loop3A_582, %mul3A_334 : vector<16xf32>
        %parallel_loop3A_584 = arith.select %parallel_loop3A_581, %parallel_loop3A_583, %parallel_loop3A_578 : vector<16xi1>, vector<16xf32>
        %parallel_loop3A_585 = arith.index_cast %parallel_loop3A_424 : i32 to index
        %parallel_loop3A_586 = arith.constant 160 : index
        %parallel_loop3A_587 = tpu.vector_load %arg9[%parallel_loop3A_585, %parallel_loop3A_586] {strides = array<i32>} : memref<96x224xf32, #tpu.memory_space<vmem>>, vector<1x16xf32>,
        %parallel_loop3A_588 = vector.shape_cast %parallel_loop3A_587 : vector<1x16xf32> to vector<16xf32>
        %parallel_loop3A_589 = vector.shape_cast %parallel_loop3A_584 : vector<16xf32> to vector<1x16xf32>
        tpu.vector_store %arg9[%parallel_loop3A_585, %parallel_loop3A_586], %parallel_loop3A_589 {strides = array<i32>} : memref<96x224xf32, #tpu.memory_space<vmem>>, vector<1x16xf32>,
        %parallel_loop3A_590 = arith.index_cast %parallel_loop3A_424 : i32 to index
        %parallel_loop3A_591 = arith.constant 176 : index
        %parallel_loop3A_592 = tpu.vector_load %arg7[%parallel_loop3A_590, %parallel_loop3A_591] {strides = array<i32>} : memref<96x224xf32, #tpu.memory_space<vmem>>, vector<1x16xf32>,
        %parallel_loop3A_593 = vector.shape_cast %parallel_loop3A_592 : vector<1x16xf32> to vector<16xf32>
        %parallel_loop3A_594 = arith.constant 0.000000e+00 : f32
        %parallel_loop3A_595 = vector.broadcast %parallel_loop3A_594 : f32 to vector<16xf32>
        %parallel_loop3A_596 = arith.cmpf oge, %parallel_loop3A_593, %parallel_loop3A_595 : vector<16xf32>
        %parallel_loop3A_597 = arith.mulf %parallel_loop3A_593, %div3A_331 : vector<16xf32>
        %parallel_loop3A_598 = arith.addf %parallel_loop3A_597, %mul3A_334 : vector<16xf32>
        %parallel_loop3A_599 = arith.select %parallel_loop3A_596, %parallel_loop3A_598, %parallel_loop3A_593 : vector<16xi1>, vector<16xf32>
        %parallel_loop3A_600 = arith.index_cast %parallel_loop3A_424 : i32 to index
        %parallel_loop3A_601 = arith.constant 176 : index
        %parallel_loop3A_602 = tpu.vector_load %arg9[%parallel_loop3A_600, %parallel_loop3A_601] {strides = array<i32>} : memref<96x224xf32, #tpu.memory_space<vmem>>, vector<1x16xf32>,
        %parallel_loop3A_603 = vector.shape_cast %parallel_loop3A_602 : vector<1x16xf32> to vector<16xf32>
        %parallel_loop3A_604 = vector.shape_cast %parallel_loop3A_599 : vector<16xf32> to vector<1x16xf32>
        tpu.vector_store %arg9[%parallel_loop3A_600, %parallel_loop3A_601], %parallel_loop3A_604 {strides = array<i32>} : memref<96x224xf32, #tpu.memory_space<vmem>>, vector<1x16xf32>,
        %parallel_loop3A_605 = arith.index_cast %parallel_loop3A_424 : i32 to index
        %parallel_loop3A_606 = arith.constant 192 : index
        %parallel_loop3A_607 = tpu.vector_load %arg7[%parallel_loop3A_605, %parallel_loop3A_606] {strides = array<i32>} : memref<96x224xf32, #tpu.memory_space<vmem>>, vector<1x16xf32>,
        %parallel_loop3A_608 = vector.shape_cast %parallel_loop3A_607 : vector<1x16xf32> to vector<16xf32>
        %parallel_loop3A_609 = arith.constant 0.000000e+00 : f32
        %parallel_loop3A_610 = vector.broadcast %parallel_loop3A_609 : f32 to vector<16xf32>
        %parallel_loop3A_611 = arith.cmpf oge, %parallel_loop3A_608, %parallel_loop3A_610 : vector<16xf32>
        %parallel_loop3A_612 = arith.mulf %parallel_loop3A_608, %div3A_331 : vector<16xf32>
        %parallel_loop3A_613 = arith.addf %parallel_loop3A_612, %mul3A_334 : vector<16xf32>
        %parallel_loop3A_614 = arith.select %parallel_loop3A_611, %parallel_loop3A_613, %parallel_loop3A_608 : vector<16xi1>, vector<16xf32>
        %parallel_loop3A_615 = arith.index_cast %parallel_loop3A_424 : i32 to index
        %parallel_loop3A_616 = arith.constant 192 : index
        %parallel_loop3A_617 = tpu.vector_load %arg9[%parallel_loop3A_615, %parallel_loop3A_616] {strides = array<i32>} : memref<96x224xf32, #tpu.memory_space<vmem>>, vector<1x16xf32>,
        %parallel_loop3A_618 = vector.shape_cast %parallel_loop3A_617 : vector<1x16xf32> to vector<16xf32>
        %parallel_loop3A_619 = vector.shape_cast %parallel_loop3A_614 : vector<16xf32> to vector<1x16xf32>
        tpu.vector_store %arg9[%parallel_loop3A_615, %parallel_loop3A_616], %parallel_loop3A_619 {strides = array<i32>} : memref<96x224xf32, #tpu.memory_space<vmem>>, vector<1x16xf32>,
        %parallel_loop3A_620 = arith.index_cast %parallel_loop3A_424 : i32 to index
        %parallel_loop3A_621 = arith.constant 208 : index
        %parallel_loop3A_622 = tpu.vector_load %arg7[%parallel_loop3A_620, %parallel_loop3A_621] {strides = array<i32>} : memref<96x224xf32, #tpu.memory_space<vmem>>, vector<1x16xf32>,
        %parallel_loop3A_623 = vector.shape_cast %parallel_loop3A_622 : vector<1x16xf32> to vector<16xf32>
        %parallel_loop3A_624 = arith.constant 0.000000e+00 : f32
        %parallel_loop3A_625 = vector.broadcast %parallel_loop3A_624 : f32 to vector<16xf32>
        %parallel_loop3A_626 = arith.cmpf oge, %parallel_loop3A_623, %parallel_loop3A_625 : vector<16xf32>
        %parallel_loop3A_627 = arith.mulf %parallel_loop3A_623, %div3A_331 : vector<16xf32>
        %parallel_loop3A_628 = arith.addf %parallel_loop3A_627, %mul3A_334 : vector<16xf32>
        %parallel_loop3A_629 = arith.select %parallel_loop3A_626, %parallel_loop3A_628, %parallel_loop3A_623 : vector<16xi1>, vector<16xf32>
        %parallel_loop3A_630 = arith.index_cast %parallel_loop3A_424 : i32 to index
        %parallel_loop3A_631 = arith.constant 208 : index
        %parallel_loop3A_632 = tpu.vector_load %arg9[%parallel_loop3A_630, %parallel_loop3A_631] {strides = array<i32>} : memref<96x224xf32, #tpu.memory_space<vmem>>, vector<1x16xf32>,
        %parallel_loop3A_633 = vector.shape_cast %parallel_loop3A_632 : vector<1x16xf32> to vector<16xf32>
        %parallel_loop3A_634 = vector.shape_cast %parallel_loop3A_629 : vector<16xf32> to vector<1x16xf32>
        tpu.vector_store %arg9[%parallel_loop3A_630, %parallel_loop3A_631], %parallel_loop3A_634 {strides = array<i32>} : memref<96x224xf32, #tpu.memory_space<vmem>>, vector<1x16xf32>,
      } {sc.loop_unroll_factor = 1 : i64, sc.parallel_access}
      %mul3A_413 = arith.constant 2 : i32
      %mul3A_414 = arith.muli %mul3A_413, %scan3A_356 : i32
      %add3A_415 = arith.constant 1 : i32
      %add3A_416 = arith.addi %mul3A_414, %add3A_415 : i32
      %mul3A_417 = arith.constant 96 : i32
      %mul3A_418 = arith.muli %add3A_416, %mul3A_417 : i32
      %add3A_419 = arith.addi %mul3A_18, %mul3A_418 : i32
      %dma_start3A_420 = arith.constant 0 : i32
      %dma_start3A_421 = tpu.memref_slice %arg5[%add3A_419, %dma_start3A_420] : memref<172032x224xf32, #tpu.memory_space<hbm>> -> memref<96x224xf32, #tpu.memory_space<hbm>>
      %dma_start3A_422 = arith.constant 0 : i32
      %dma_start3A_423 = tpu.memref_slice %arg5[%add3A_419, %dma_start3A_422] : memref<172032x224xf32, #tpu.memory_space<hbm>> -> memref<96x224xf32, #tpu.memory_space<hbm>>
      tpu.enqueue_dma source(%arg9 : memref<96x224xf32, #tpu.memory_space<vmem>>) target(%dma_start3A_423 : memref<96x224xf32, #tpu.memory_space<hbm>>) target_semaphore(%arg15 : memref<!tpu.dma_semaphore, #tpu.memory_space<semaphore_mem>>)
    }
    %scan3A_344 = arith.constant 28 : i32
    %add3A_345 = arith.constant 5184 : i32
    %add3A_346 = arith.addi %mul3A_18, %add3A_345 : i32
    %dma_wait3A = arith.constant 0 : i32
    %dma_wait3A_347 = tpu.memref_slice %arg5[%add3A_346, %dma_wait3A] : memref<172032x224xf32, #tpu.memory_space<hbm>> -> memref<96x224xf32, #tpu.memory_space<hbm>>
    %dma_wait3A_348 = arith.constant 0 : i32
    %dma_wait3A_349 = tpu.memref_slice %arg5[%add3A_346, %dma_wait3A_348] : memref<172032x224xf32, #tpu.memory_space<hbm>> -> memref<96x224xf32, #tpu.memory_space<hbm>>
    tpu.wait_dma2 semaphore(%arg14 : memref<!tpu.dma_semaphore, #tpu.memory_space<semaphore_mem>>) src(%arg8 : memref<96x224xf32, #tpu.memory_space<vmem>>) dst(%dma_wait3A_349 : memref<96x224xf32, #tpu.memory_space<hbm>>)
    %add3A_350 = arith.constant 5280 : i32
    %add3A_351 = arith.addi %mul3A_18, %add3A_350 : i32
    %dma_wait3A_352 = arith.constant 0 : i32
    %dma_wait3A_353 = tpu.memref_slice %arg5[%add3A_351, %dma_wait3A_352] : memref<172032x224xf32, #tpu.memory_space<hbm>> -> memref<96x224xf32, #tpu.memory_space<hbm>>
    %dma_wait3A_354 = arith.constant 0 : i32
    %dma_wait3A_355 = tpu.memref_slice %arg5[%add3A_351, %dma_wait3A_354] : memref<172032x224xf32, #tpu.memory_space<hbm>> -> memref<96x224xf32, #tpu.memory_space<hbm>>
    tpu.wait_dma2 semaphore(%arg15 : memref<!tpu.dma_semaphore, #tpu.memory_space<semaphore_mem>>) src(%arg9 : memref<96x224xf32, #tpu.memory_space<vmem>>) dst(%dma_wait3A_355 : memref<96x224xf32, #tpu.memory_space<hbm>>)
    return
  }
}

module attributes {stable_mosaic.version = 14 : i64} {
  func.func @_tc_stats_body(%arg0: i32, %arg1: i32, %arg2: memref<896x224xf32, #tpu.memory_space<vmem>>, %arg3: memref<8x16xf32, #tpu.memory_space<smem>>) attributes {dimension_semantics = [#tpu.dimension_semantics<arbitrary>, #tpu.dimension_semantics<arbitrary>], iteration_bounds = array<i64: 8, 8>, scalar_prefetch = 0 : i64, scratch_operands = 0 : i64, tpu.core_type = #tpu.core_type<tc>, window_params = [{transform_indices = @transform_0, window_bounds = array<i64: 896, 224>}, {transform_indices = @transform_1, window_bounds = array<i64: 8, 16>}]} {
    %get3A = arith.constant 0 : index
    %get3A_0 = arith.constant 0 : index
    %get3A_1 = vector.load %arg2[%get3A, %get3A_0] : memref<896x224xf32, #tpu.memory_space<vmem>>, vector<896x224xf32>
    %ge3A = arith.constant 0.000000e+00 : f32
    %ge3A_2 = vector.broadcast %ge3A : f32 to vector<896x224xf32>
    %ge3A_3 = arith.cmpf oge, %get3A_1, %ge3A_2 : vector<896x224xf32>
    %convert_element_type3A = arith.extui %ge3A_3 : vector<896x224xi1> to vector<896x224xi32>
    %convert_element_type3A_4 = arith.sitofp %convert_element_type3A : vector<896x224xi32> to vector<896x224xf32>
    %max3A = arith.constant 0.000000e+00 : f32
    %max3A_5 = vector.broadcast %max3A : f32 to vector<896x224xf32>
    %max3A_6 = arith.maximumf %get3A_1, %max3A_5 : vector<896x224xf32>
    %reduce_sum3A = vector.shape_cast %convert_element_type3A_4 : vector<896x224xf32> to vector<1x896x224xf32>
    %reduce_sum3A_7 = arith.constant dense<0.000000e+00> : vector<1xf32>
    %reduce_sum3A_8 = vector.multi_reduction <add>, %reduce_sum3A, %reduce_sum3A_7 [1, 2] : vector<1x896x224xf32> to vector<1xf32>
    %reduce_sum3A_9 = vector.shape_cast %reduce_sum3A_8 : vector<1xf32> to vector<1x1x1xf32>
    %reduce_sum3A_10 = vector.extract %reduce_sum3A_9[0, 0, 0] : f32 from vector<1x1x1xf32>
    %reduce_sum3A_11 = vector.shape_cast %max3A_6 : vector<896x224xf32> to vector<1x896x224xf32>
    %reduce_sum3A_12 = arith.constant dense<0.000000e+00> : vector<1xf32>
    %reduce_sum3A_13 = vector.multi_reduction <add>, %reduce_sum3A_11, %reduce_sum3A_12 [1, 2] : vector<1x896x224xf32> to vector<1xf32>
    %reduce_sum3A_14 = vector.shape_cast %reduce_sum3A_13 : vector<1xf32> to vector<1x1x1xf32>
    %reduce_sum3A_15 = vector.extract %reduce_sum3A_14[0, 0, 0] : f32 from vector<1x1x1xf32>
    %mul3A = arith.mulf %max3A_6, %max3A_6 : vector<896x224xf32>
    %reduce_sum3A_16 = vector.shape_cast %mul3A : vector<896x224xf32> to vector<1x896x224xf32>
    %reduce_sum3A_17 = arith.constant dense<0.000000e+00> : vector<1xf32>
    %reduce_sum3A_18 = vector.multi_reduction <add>, %reduce_sum3A_16, %reduce_sum3A_17 [1, 2] : vector<1x896x224xf32> to vector<1xf32>
    %reduce_sum3A_19 = vector.shape_cast %reduce_sum3A_18 : vector<1xf32> to vector<1x1x1xf32>
    %reduce_sum3A_20 = vector.extract %reduce_sum3A_19[0, 0, 0] : f32 from vector<1x1x1xf32>
    %eq3A = arith.constant 0 : i32
    %eq3A_21 = arith.cmpi eq, %arg1, %eq3A : i32
    %convert_element_type3A_22 = arith.extui %eq3A_21 : i1 to i32
    %cond3A = arith.constant 0 : i32
    %cond3A_23 = arith.cmpi ne, %convert_element_type3A_22, %cond3A : i32
    scf.if %cond3A_23 {
      %swap3A_43 = arith.constant 0.000000e+00 : f32
      %swap3A_44 = arith.index_cast %arg0 : i32 to index
      %swap3A_45 = arith.constant 0 : index
      %swap3A_46 = memref.load %arg3[%swap3A_44, %swap3A_45] : memref<8x16xf32, #tpu.memory_space<smem>>
      memref.store %swap3A_43, %arg3[%swap3A_44, %swap3A_45] : memref<8x16xf32, #tpu.memory_space<smem>>
      %swap3A_47 = arith.constant 0.000000e+00 : f32
      %swap3A_48 = arith.index_cast %arg0 : i32 to index
      %swap3A_49 = arith.constant 1 : index
      %swap3A_50 = memref.load %arg3[%swap3A_48, %swap3A_49] : memref<8x16xf32, #tpu.memory_space<smem>>
      memref.store %swap3A_47, %arg3[%swap3A_48, %swap3A_49] : memref<8x16xf32, #tpu.memory_space<smem>>
      %swap3A_51 = arith.constant 0.000000e+00 : f32
      %swap3A_52 = arith.index_cast %arg0 : i32 to index
      %swap3A_53 = arith.constant 2 : index
      %swap3A_54 = memref.load %arg3[%swap3A_52, %swap3A_53] : memref<8x16xf32, #tpu.memory_space<smem>>
      memref.store %swap3A_51, %arg3[%swap3A_52, %swap3A_53] : memref<8x16xf32, #tpu.memory_space<smem>>
      %swap3A_55 = arith.constant 0.000000e+00 : f32
      %swap3A_56 = arith.index_cast %arg0 : i32 to index
      %swap3A_57 = arith.constant 3 : index
      %swap3A_58 = memref.load %arg3[%swap3A_56, %swap3A_57] : memref<8x16xf32, #tpu.memory_space<smem>>
      memref.store %swap3A_55, %arg3[%swap3A_56, %swap3A_57] : memref<8x16xf32, #tpu.memory_space<smem>>
      %swap3A_59 = arith.constant 0.000000e+00 : f32
      %swap3A_60 = arith.index_cast %arg0 : i32 to index
      %swap3A_61 = arith.constant 4 : index
      %swap3A_62 = memref.load %arg3[%swap3A_60, %swap3A_61] : memref<8x16xf32, #tpu.memory_space<smem>>
      memref.store %swap3A_59, %arg3[%swap3A_60, %swap3A_61] : memref<8x16xf32, #tpu.memory_space<smem>>
      %swap3A_63 = arith.constant 0.000000e+00 : f32
      %swap3A_64 = arith.index_cast %arg0 : i32 to index
      %swap3A_65 = arith.constant 5 : index
      %swap3A_66 = memref.load %arg3[%swap3A_64, %swap3A_65] : memref<8x16xf32, #tpu.memory_space<smem>>
      memref.store %swap3A_63, %arg3[%swap3A_64, %swap3A_65] : memref<8x16xf32, #tpu.memory_space<smem>>
      %swap3A_67 = arith.constant 0.000000e+00 : f32
      %swap3A_68 = arith.index_cast %arg0 : i32 to index
      %swap3A_69 = arith.constant 6 : index
      %swap3A_70 = memref.load %arg3[%swap3A_68, %swap3A_69] : memref<8x16xf32, #tpu.memory_space<smem>>
      memref.store %swap3A_67, %arg3[%swap3A_68, %swap3A_69] : memref<8x16xf32, #tpu.memory_space<smem>>
      %swap3A_71 = arith.constant 0.000000e+00 : f32
      %swap3A_72 = arith.index_cast %arg0 : i32 to index
      %swap3A_73 = arith.constant 7 : index
      %swap3A_74 = memref.load %arg3[%swap3A_72, %swap3A_73] : memref<8x16xf32, #tpu.memory_space<smem>>
      memref.store %swap3A_71, %arg3[%swap3A_72, %swap3A_73] : memref<8x16xf32, #tpu.memory_space<smem>>
      %swap3A_75 = arith.constant 0.000000e+00 : f32
      %swap3A_76 = arith.index_cast %arg0 : i32 to index
      %swap3A_77 = arith.constant 8 : index
      %swap3A_78 = memref.load %arg3[%swap3A_76, %swap3A_77] : memref<8x16xf32, #tpu.memory_space<smem>>
      memref.store %swap3A_75, %arg3[%swap3A_76, %swap3A_77] : memref<8x16xf32, #tpu.memory_space<smem>>
      %swap3A_79 = arith.constant 0.000000e+00 : f32
      %swap3A_80 = arith.index_cast %arg0 : i32 to index
      %swap3A_81 = arith.constant 9 : index
      %swap3A_82 = memref.load %arg3[%swap3A_80, %swap3A_81] : memref<8x16xf32, #tpu.memory_space<smem>>
      memref.store %swap3A_79, %arg3[%swap3A_80, %swap3A_81] : memref<8x16xf32, #tpu.memory_space<smem>>
      %swap3A_83 = arith.constant 0.000000e+00 : f32
      %swap3A_84 = arith.index_cast %arg0 : i32 to index
      %swap3A_85 = arith.constant 10 : index
      %swap3A_86 = memref.load %arg3[%swap3A_84, %swap3A_85] : memref<8x16xf32, #tpu.memory_space<smem>>
      memref.store %swap3A_83, %arg3[%swap3A_84, %swap3A_85] : memref<8x16xf32, #tpu.memory_space<smem>>
      %swap3A_87 = arith.constant 0.000000e+00 : f32
      %swap3A_88 = arith.index_cast %arg0 : i32 to index
      %swap3A_89 = arith.constant 11 : index
      %swap3A_90 = memref.load %arg3[%swap3A_88, %swap3A_89] : memref<8x16xf32, #tpu.memory_space<smem>>
      memref.store %swap3A_87, %arg3[%swap3A_88, %swap3A_89] : memref<8x16xf32, #tpu.memory_space<smem>>
      %swap3A_91 = arith.constant 0.000000e+00 : f32
      %swap3A_92 = arith.index_cast %arg0 : i32 to index
      %swap3A_93 = arith.constant 12 : index
      %swap3A_94 = memref.load %arg3[%swap3A_92, %swap3A_93] : memref<8x16xf32, #tpu.memory_space<smem>>
      memref.store %swap3A_91, %arg3[%swap3A_92, %swap3A_93] : memref<8x16xf32, #tpu.memory_space<smem>>
      %swap3A_95 = arith.constant 0.000000e+00 : f32
      %swap3A_96 = arith.index_cast %arg0 : i32 to index
      %swap3A_97 = arith.constant 13 : index
      %swap3A_98 = memref.load %arg3[%swap3A_96, %swap3A_97] : memref<8x16xf32, #tpu.memory_space<smem>>
      memref.store %swap3A_95, %arg3[%swap3A_96, %swap3A_97] : memref<8x16xf32, #tpu.memory_space<smem>>
      %swap3A_99 = arith.constant 0.000000e+00 : f32
      %swap3A_100 = arith.index_cast %arg0 : i32 to index
      %swap3A_101 = arith.constant 14 : index
      %swap3A_102 = memref.load %arg3[%swap3A_100, %swap3A_101] : memref<8x16xf32, #tpu.memory_space<smem>>
      memref.store %swap3A_99, %arg3[%swap3A_100, %swap3A_101] : memref<8x16xf32, #tpu.memory_space<smem>>
      %swap3A_103 = arith.constant 0.000000e+00 : f32
      %swap3A_104 = arith.index_cast %arg0 : i32 to index
      %swap3A_105 = arith.constant 15 : index
      %swap3A_106 = memref.load %arg3[%swap3A_104, %swap3A_105] : memref<8x16xf32, #tpu.memory_space<smem>>
      memref.store %swap3A_103, %arg3[%swap3A_104, %swap3A_105] : memref<8x16xf32, #tpu.memory_space<smem>>
    } else {
    }
    %get3A_24 = arith.index_cast %arg0 : i32 to index
    %get3A_25 = arith.constant 0 : index
    %get3A_26 = memref.load %arg3[%get3A_24, %get3A_25] : memref<8x16xf32, #tpu.memory_space<smem>>
    %add3A = arith.addf %get3A_26, %reduce_sum3A_10 : f32
    %swap3A = arith.index_cast %arg0 : i32 to index
    %swap3A_27 = arith.constant 0 : index
    %swap3A_28 = memref.load %arg3[%swap3A, %swap3A_27] : memref<8x16xf32, #tpu.memory_space<smem>>
    memref.store %add3A, %arg3[%swap3A, %swap3A_27] : memref<8x16xf32, #tpu.memory_space<smem>>
    %get3A_29 = arith.index_cast %arg0 : i32 to index
    %get3A_30 = arith.constant 1 : index
    %get3A_31 = memref.load %arg3[%get3A_29, %get3A_30] : memref<8x16xf32, #tpu.memory_space<smem>>
    %add3A_32 = arith.addf %get3A_31, %reduce_sum3A_15 : f32
    %swap3A_33 = arith.index_cast %arg0 : i32 to index
    %swap3A_34 = arith.constant 1 : index
    %swap3A_35 = memref.load %arg3[%swap3A_33, %swap3A_34] : memref<8x16xf32, #tpu.memory_space<smem>>
    memref.store %add3A_32, %arg3[%swap3A_33, %swap3A_34] : memref<8x16xf32, #tpu.memory_space<smem>>
    %get3A_36 = arith.index_cast %arg0 : i32 to index
    %get3A_37 = arith.constant 2 : index
    %get3A_38 = memref.load %arg3[%get3A_36, %get3A_37] : memref<8x16xf32, #tpu.memory_space<smem>>
    %add3A_39 = arith.addf %get3A_38, %reduce_sum3A_20 : f32
    %swap3A_40 = arith.index_cast %arg0 : i32 to index
    %swap3A_41 = arith.constant 2 : index
    %swap3A_42 = memref.load %arg3[%swap3A_40, %swap3A_41] : memref<8x16xf32, #tpu.memory_space<smem>>
    memref.store %add3A_39, %arg3[%swap3A_40, %swap3A_41] : memref<8x16xf32, #tpu.memory_space<smem>>
    return
  }
  func.func @transform_0(%arg0: i32, %arg1: i32) -> (i32, i32) {
    %mul3A = arith.constant 24 : i32
    %mul3A_0 = arith.muli %arg0, %mul3A : i32
    %add3A = arith.constant 16 : i32
    %add3A_1 = arith.addi %mul3A_0, %add3A : i32
    %add3A_2 = arith.addi %add3A_1, %arg1 : i32
    %c0_i32 = arith.constant 0 : i32
    %c0_i32_3 = arith.constant 0 : i32
    return %add3A_2, %c0_i32 : i32, i32
  }
  func.func @transform_1(%arg0: i32, %arg1: i32) -> (i32, i32) {
    %c0_i32 = arith.constant 0 : i32
    %c0_i32_0 = arith.constant 0 : i32
    %c0_i32_1 = arith.constant 0 : i32
    return %c0_i32, %c0_i32_0 : i32, i32
  }
}

</mosaic_0001>

<sc_bundles>
// kernel: kernel.5.cloned.1.call-start
scs
__scs_entry_jumppad:
0x0: {  	(pc) =	sbr.rel $0x88, $3  }
0x1: {  	(tag) =	ssettag $0x0;
	lr =	simm.s32 $0x1  }
0x2: {  	[smem:$0x3FA0] =	sst lr;
	_ =	strace $0xD0000000  }
0x3: {  	_ = 	snop  }
0x4: {  	_ = 	snop  }
0x5: {  	_ = 	snop  }
0x6: {  	_ = 	snop  }
0x7: {  	_ = 	snop  }
__scs_overlays_trampoline_lowered:
0x8: {  	[smem:$0x3FAF] =	sst s0  }
0x9: {  	[smem:$0x3FB0] =	sst s1  }
0xa: {  	[smem:$0x3FB1] =	sst s2  }
0xb: {  	[smem:$0x3FB2] =	sst s3  }
0xc: {  	[smem:$0x3FB3] =	sst s4  }
0xd: {  	[smem:$0x3FB4] =	sst s5  }
0xe: {  	[smem:$0x3FB5] =	sst s6  }
0xf: {  	[smem:$0x3FB6] =	sst s7  }
0x10: {  	[smem:$0x3FB7] =	sst s8  }
0x11: {  	[smem:$0x3FB8] =	sst s9;
	s0 =	simm.s32 @!p0 $0x0  }
0x12: {  	s1 =	sld [smem:$0x3F9E];
	s0 =	simm.s32 @p0 $0x1  }
0x13: {  	[smem:$0x3FB9] =	sst s0;
	s0 =	simm.s32 @!p1 $0x0  }
0x14: {  	s2 =	sld [smem:$0x3F9D];
	s0 =	simm.s32 @p1 $0x1  }
0x15: {  	[smem:$0x3FBA] =	sst s0;
	s0 =	simm.s32 @!p2 $0x0  }
0x16: {  	s3 =	sld [smem:$0x3FDB];
	s0 =	simm.s32 @p2 $0x1  }
0x17: {  	s4 =	simm.s32 $0x1BF5;
	[smem:$0x3FBC] =	sst s0  }
0x18: {  	s0 =	sld [smem:$0x3F9F];
	_ =	swait.ge [sflag:s4], $0x0  }
0x19: {  	s7 =	sld [smem:$0x3FA0]  }
0x1a: {  	s8 =	sadd.s32 $0xFFFFE003, lr  }
0x1b: {  	s9 =	sadd.s32 $0xFFFFFEF7, lr;
	s5 =	simm.s32 $0xFFFFFFFF;
	p2 =	slt.u32 s8, $0xFFFFF086  }
0x1c: {  	p1 =	slt.u32 s9, $0xF7A;
	s5 =	simm.s32 @!p2 $0x0  }
0x1d: {  	s5 =	simm.s32 @p1 $0x1;
	p0 =	seq.s32 s7, s2  }
0x1e: {  	s7 =	smul.u32 @!p0 $0xF7A, s2;
	p2 =	seq.s32 @!p0 s5, $0x0  }
0x1f: {  	s9 =	smul.u32 $0xF7A, s1;
	s8 =	simm.s32 @!p0 $0x1BF5;
	p2 =	por !p2, p0  }
0x20: {  	[sflag:s8] =	ssyncset.s32 @!p0 $0xFFFFF086;
	s6 =	sadd.s32 @!p0 s3, s7;
	s7 =	simm.s32 @!p0 $0x108  }
0x21: {  	s3 =	sadd.s32 s3, s9;
	s6 =	sadd.s32 @!p0 $0x88, s6;
	s7 =	simm.s32 @p2 $0x1082  }
0x22: {  	[simem:s7], [sflag:s8] =	dma.local @!p0 [hbm:s6], $0xF7A  }
0x23: {  	s9 =	sor.u32 $0xD0000000, s2;
	s6 =	simm.s32 $0x108;
	_ =	swait.ge @!p0 [sflag:s8], $0x0  }
0x24: {  	s3 =	sadd.s32 $0x88, s3;
	s6 =	simm.s32 @!p1 $0x1082;
	[sflag:s4] =	ssyncset.s32 $0xFFFFF086  }
0x25: {  	[simem:s6], [sflag:s4] =	dma.local [hbm:s3], $0xF7A  }
0x26: {  	[smem:$0x3FA0] =	sst s1;
	(tag) =	ssettag s2;
	_ =	strace s9  }
0x27: {  	s1 =	sld [smem:$0x3FB0]  }
0x28: {  	s2 =	sld [smem:$0x3FB1]  }
0x29: {  	s4 =	sld [smem:$0x3FB3]  }
0x2a: {  	p0 =	seq.s32 s5, $0x0;
	s5 =	sld [smem:$0x3FB4]  }
0x2b: {  	s6 =	sld [smem:$0x3FB5]  }
0x2c: {  	s7 =	sld [smem:$0x3FB6]  }
0x2d: {  	s3 =	simm.s32 $0x108;
	s8 =	sld [smem:$0x3FB7]  }
0x2e: {  	s3 =	simm.s32 @!p0 $0x1082;
	s9 =	sld [smem:$0x3FB8]  }
0x2f: {  	lr =	sadd.s32 s0, s3;
	s0 =	sld [smem:$0x3FAF]  }
0x30: {  	s3 =	sld [smem:$0x3FB2]  }
0x31: {  	[smem:$0x3FBB] =	sst s10  }
0x32: {  	s10 =	sld [smem:$0x3FB9];
	_ =	sdelay $0x3  }
0x33: {  	p0 =	seq.s32 s10, $0x1;
	s10 =	sld [smem:$0x3FBB];
	_ =	sdelay $0x3  }
0x34: {  	[smem:$0x3FBB] =	sst s10  }
0x35: {  	s10 =	sld [smem:$0x3FBA];
	_ =	sdelay $0x3  }
0x36: {  	p1 =	seq.s32 s10, $0x1;
	s10 =	sld [smem:$0x3FBB];
	_ =	sdelay $0x3  }
0x37: {  	[smem:$0x3FBB] =	sst s10  }
0x38: {  	s10 =	sld [smem:$0x3FBC]  }
0x39: {  	_ = 	snop;
	(pc) =	sbr.ind lr, $3  }
0x3a: {  	_ = 	snop  }
0x3b: {  	_ = 	snop  }
0x3c: {  	p2 =	seq.s32 s10, $0x1;
	s10 =	sld [smem:$0x3FBB]  }
0x3d: {  	_ =	shalt  }
0x3e: {  	_ =	shalt  }
0x3f: {  	_ =	shalt  }
0x40: {  	_ =	shalt  }
0x41: {  	_ =	shalt  }
0x42: {  	_ =	shalt  }
0x43: {  	_ =	shalt  }
0x44: {  	_ =	shalt  }
0x45: {  	_ =	shalt  }
0x46: {  	_ =	shalt  }
0x47: {  	_ =	shalt  }
0x48: {  	_ =	shalt  }
0x49: {  	_ =	shalt  }
0x4a: {  	_ =	shalt  }
0x4b: {  	_ =	shalt  }
0x4c: {  	_ =	shalt  }
0x4d: {  	_ =	shalt  }
0x4e: {  	_ =	shalt  }
0x4f: {  	_ =	shalt  }
0x50: {  	_ =	shalt  }
0x51: {  	_ =	shalt  }
0x52: {  	_ =	shalt  }
0x53: {  	_ =	shalt  }
0x54: {  	_ =	shalt  }
0x55: {  	_ =	shalt  }
0x56: {  	_ =	shalt  }
0x57: {  	_ =	shalt  }
0x58: {  	_ =	shalt  }
0x59: {  	_ =	shalt  }
0x5a: {  	_ =	shalt  }
0x5b: {  	_ =	shalt  }
0x5c: {  	_ =	shalt  }
0x5d: {  	_ =	shalt  }
0x5e: {  	_ =	shalt  }
0x5f: {  	_ =	shalt  }
0x60: {  	_ =	shalt  }
0x61: {  	_ =	shalt  }
0x62: {  	_ =	shalt  }
0x63: {  	_ =	shalt  }
0x64: {  	_ =	shalt  }
0x65: {  	_ =	shalt  }
0x66: {  	_ =	shalt  }
0x67: {  	_ =	shalt  }
0x68: {  	_ =	shalt  }
0x69: {  	_ =	shalt  }
0x6a: {  	_ =	shalt  }
0x6b: {  	_ =	shalt  }
0x6c: {  	_ =	shalt  }
0x6d: {  	_ =	shalt  }
0x6e: {  	_ =	shalt  }
0x6f: {  	_ =	shalt  }
0x70: {  	_ =	shalt  }
0x71: {  	_ =	shalt  }
0x72: {  	_ =	shalt  }
0x73: {  	_ =	shalt  }
0x74: {  	_ =	shalt  }
0x75: {  	_ =	shalt  }
0x76: {  	_ =	shalt  }
0x77: {  	_ =	shalt  }
0x78: {  	_ =	shalt  }
0x79: {  	_ =	shalt  }
0x7a: {  	_ =	shalt  }
0x7b: {  	_ =	shalt  }
0x7c: {  	_ =	shalt  }
0x7d: {  	_ =	shalt  }
0x7e: {  	_ =	shalt  }
0x7f: {  	_ =	shalt  }
0x80: {  	_ =	shalt  }
0x81: {  	_ =	shalt  }
0x82: {  	_ =	shalt  }
0x83: {  	_ =	shalt  }
0x84: {  	_ =	shalt  }
0x85: {  	_ =	shalt  }
0x86: {  	_ =	shalt  }
0x87: {  	_ =	shalt  }
.Lfunc_end0:
.L_simem_size_0:
called_computation_lowered:
.L_overlay_start_0:
0x88: {  	s2 =	sld [smem:$0x3FD9]  }
0x89: {  	s3 =	sld [smem:$0x3FFE];
	_ =	sdelay $0x1  }
0x8a: {  	s1 =	srdreg.scid  }
0x8b: {  	s0 =	sand.u32 $0x1, s1  }
0x8c: {  	s17 =	sshll.u32 s0, $0xA;
	s2 =	sadd.s32 s3, s2  }
0x8d: {  	s2 =	sadd.s32 s2, s17  }
0x8e: {  	[smem:$0x3FC7] =	sst s2  }
0x8f: {  	_ = 	snop  }
0x90: {  	s2 =	sld [smem:$0x3FC9];
	(tm) =	ssettm $0x1  }
0x91: {  	s18 =	sld [smem:$0x3FFB];
	_ =	sdelay $0x3  }
0x92: {  	_ =	strace s18  }
0x93: {  	s3 =	sld [smem:$0x3FFC];
	_ =	sdelay $0x3  }
0x94: {  	_ =	strace s3  }
0x95: {  	s3 =	sld [smem:$0x3FFD];
	_ =	sdelay $0x3  }
0x96: {  	_ =	strace s3  }
0x97: {  	_ =	strace $0x8FFFFFFF  }
0x98: {  	s19 =	sld [smem:$0x3FDB];
	_ =	sdelay $0x1  }
0x99: {  	s4 =	simm.s32 $_scs_section_size  }
0x9a: {  	s5 =	simm.s32 $_size__tile_overlayer_lowered;
	s6 =	simm.s32 $_tile_overlayer_lowered  }
0x9b: {  	s22 =	simm.s32 $0x1BFF;
	s21 =	sshll.u32 s6, $0x1;
	s3 =	sadd.s32 s4, s19  }
0x9c: {  	s7 =	simm.s32 $0x0;
	s20 =	sshll.u32 s5, $0x1;
	s5 =	sadd.s32 s21, s3  }
0x9d: {  	[timem:s7], [sflag:s22] =	dma.local [hbm:s5], s20  }
0x9e: {  	_ =	swait.ge [sflag:s22], s20  }
0x9f: {  	s4 =	ssub.s32 $0x0, s20;
	[sflag:s22] =	ssyncset.done $0x0  }
0xa0: {  	[sflag:s22] =	ssyncadd.s32 s4;
	_ =	sdelay $0x1  }
0xa1: {  	s23 =	simm.s32 $0x1B8B  }
0xa2: {  	_ =	swait.ge [sflag:s23], $0x1  }
0xa3: {  	[sflag:s23] =	ssyncset.done $0x0  }
0xa4: {  	s25 =	simm.s32 $0x1B8E;
	s24 =	sld [smem:$0x3FFE];
	[sflag:s23] =	ssyncadd.s32 $0xFFFFFFFF  }
0xa5: {  	s26 =	simm.s32 $execute0_lowered;
	[smem:$0x3FD2] =	sst s25  }
0xa6: {  	s5 =	sshll.u32 s26, $0x1;
	_ =	strace $0x80000046;
	[dreg:$0x1] =	wrdreg $0xFFFFFFFF  }
0xa7: {  	s28 =	simm.s32 $_size_execute0_lowered;
	s3 =	sadd.s32 s3, s5;
	[dreg:$0x0] =	wrdreg $0x0  }
0xa8: {  	s5 =	sshll.u32 s28, $0x1;
	[dreg:$0x2] =	wrdreg s3  }
0xa9: {  	[dreg:$0x3] =	wrdreg s5  }
0xaa: {  	[dreg:$0x4] =	wrdreg $0xC0  }
0xab: {  	_ =	task [dreg:s7], $0x5FFFF  }
0xac: {  	[dreg:$0x1] =	wrdreg $0xFFFFFFFF  }
0xad: {  	[dreg:$0x0] =	wrdreg $0x60  }
0xae: {  	[dreg:$0x2] =	wrdreg s2  }
0xaf: {  	[dreg:$0x3] =	wrdreg s24  }
0xb0: {  	[dreg:$0x4] =	wrdreg $0x9  }
0xb1: {  	_ =	task.clear_ibuf [dreg:s7], $0x5FFFF;
	_ =	strace $0x90000046  }
0xb2: {  	s29 =	simm.s32 $0x9;
	_ =	strace $0x80000048  }
0xb3: {  	_ =	swait.ge [sflag:s29], $0x1  }
0xb4: {  	[sflag:s29] =	ssyncadd.s32 $0xFFFFFFFF  }
0xb5: {  	_ =	strace $0x90000048  }
0xb6: {  	_ =	sfence  }
0xb7: {  	s30 =	sld [smem:$0x0];
	_ =	sdelay $0x2  }
0xb8: {  	s31 =	sshll.u32 s1, $0xD;
	s1 =	sshrl.u32 s1, $0x2  }
0xb9: {  	s3 =	sand.u32 $0x4000, s31;
	s1 =	sadd.s32 s1, s30  }
0xba: {  	s0 =	sor.u32 s3, s0;
	s1 =	sshll.u32 s1, $0x11  }
0xbb: {  	s0 =	sor.u32 s1, s0  }
0xbc: {  	s0 =	sadd.s32 $0x8F2B, s0  }
0xbd: {  	[sflag:s0] =	ssyncadd.remote.s32 $0x1  }
0xbe: {  	_ =	sfence.sel $0xFFFF  }
0xbf: {  	[dreg:$0x0] =	wrdreg $0xFFFFFFFF;
	(pc) =	sbr.abs _section_cstart, $3  }
0xc0: {  	[dreg:$0x1] =	wrdreg $0xFFFFFFFF  }
0xc1: {  	_ =	task.clear_ibuf [dreg:s7], $0x2FFFF;
	_ =	strace $0x9FFFFFFF  }
0xc2: {  	(tm) =	ssettm $0x7FFFFFFF  }
0xc3: {  	_ =	shalt  }
tec
execute0_lowered:
.L_overlay_start_1:
0x0: {  	(tag) =	ssettag $0x1  }
0x1: {  	s2 =	rddreg [dreg:$0x0]  }
0x2: {  	s1 =	srdreg.scid;
	s0 =	stileid.u32  }
0x3: {  	s4 =	rddreg [dreg:$0x1];
	s10 =	simm.s32 $0x1;
	s11 =	simm.s32 $0x2  }
0x4: {  	s12 =	simm.s32 $0x1C000;
	s13 =	simm.s32 $0x3;
	s14 =	simm.s32 $0x0  }
0x5: {  	s5 =	sand.u32 $0x1, s1;
	s3 =	sshll.u32 s0, $0x1;
	s1 =	rddreg [dreg:$0x2]  }
0x6: {  	s7 =	sshrl.u32 s0, $0x1;
	s6 =	sor.u32 s5, s3;
	s3 =	simm.s32 $0x0  }
0x7: {  	s7 =	smul.u32 $0x5400, s7;
	s5 =	ssub.s32 $0x2, s5;
	s8 =	sand.u32 $0x3, s6  }
0x8: {  	[smem:$0x7FF] =	sst s3;
	s30 =	sshrl.u32 s5, $0x1;
	s8 =	smul.u32 $0xE00, s8  }
0x9: {  	s6 =	sshll.u32 s6, $0x6;
	_ =	strace $0x80000047;
	s9 =	ssub.s32 s5, s30  }
0xa: {  	s29 =	sadd.s32 s6, s4;
	s7 =	sadd.s32 s7, s8;
	s8 =	smax.u32 s9, $0x1  }
0xb: {  	s9 =	simm.s32 $0xE000;
	s31 =	sshll.u32 s7, $0x5;
	s5 =	sor.u32 $0xE0, s7  }
0xc: {  	s6 =	sor.u32 $0x1C0, s7;
	s7 =	sadd.s32 $0xA00, s29;
	s4 =	sadd.s32 s2, s31  }
.LBB2_1:
0xd: {  	[tilespmem:s3], [sflag:$0x1] =	stream.linear.gather [hbm4b:s4+s3], $0xE000, $0x38;
	[tilespmem:$0x1C200] =	vst v63  }
0xe: {  	v5 =	vimm.s32 $0x0;
	v2 =	vimm.f32 $0.0e+00;
	v4 =	vimm.f32 $0.0e+00;
	s15 =	simm.s32 $0x0  }
.LBB2_2:
0xf: {  	s16 =	smul.u32 $0x1C0, s15;
	_ =	sdelay $0x1  }
0x10: {  	s17 =	sadd.s32 s16, s5  }
0x11: {  	s17 =	sshll.u32 s17, $0x5  }
0x12: {  	s18 =	simm.s32 $0x0;
	s17 =	sadd.s32 s2, s17  }
0x13: {  	[tilespmem:s9], [sflag:$0x2] =	stream.linear.gather [hbm4b:s17+s18], $0xE000, $0x38;
	[tilespmem:$0x1C200] =	vst v63  }
0x14: {  	_ =	swait.ge [sflag:s10], $0xE000  }
0x15: {  	s30 =	sand.u32 $0xF800, s18;
	s18 =	sand.u32 $0x380, s18;
	[sflag:s10] =	ssyncset.done $0x0  }
0x16: {  	s17 =	sor.u32 s18, s30;
	[sflag:s10] =	ssyncadd.s32 $0xFFFF2000  }
0x17: {  	v10 =	vld [tilespmem:s17+$0x0]  }
0x18: {  	v6 =	vld [tilespmem:s17+$0x440]  }
0x19: {  	v8 =	vld [tilespmem:s17+$0x430]  }
0x1a: {  	v14 =	vld [tilespmem:s17+$0x10]  }
0x1b: {  	v15 =	vld [tilespmem:s17+$0x20]  }
0x1c: {  	v17 =	vld [tilespmem:s17+$0x30]  }
0x1d: {  	v7 =	vmax.f32 v10, $0.0e+00  }
0x1e: {  	v19 =	vld [tilespmem:s17+$0x40];
	v9 =	vmul.f32 v7, v7  }
0x1f: {  	v11 =	vmax.f32 v14, $0.0e+00;
	v3 =	vshrl.u32 v8, $0x1F;
	v1 =	vshrl.u32 v6, $0x1F  }
0x20: {  	v21 =	vld [tilespmem:s17+$0x50];
	v7 =	vadd.f32 v7, v4;
	v13 =	vmul.f32 v11, v11;
	v9 =	vadd.f32 v9, v2  }
0x21: {  	v20 =	vmax.f32 v15, $0.0e+00;
	v22 =	vmax.f32 v17, $0.0e+00;
	v6 =	vmax.f32 v6, $0.0e+00  }
0x22: {  	v12 =	vld [tilespmem:s17+$0x420];
	v11 =	vadd.f32 v11, v7;
	v9 =	vadd.f32 v13, v9;
	v13 =	vmul.f32 v20, v20  }
0x23: {  	v24 =	vmax.f32 v19, $0.0e+00;
	v8 =	vmax.f32 v8, $0.0e+00;
	v19 =	vshrl.u32 v19, $0x1F  }
0x24: {  	v18 =	vld [tilespmem:s17+$0x60];
	v23 =	vmul.f32 v22, v22;
	v20 =	vadd.f32 v20, v11;
	v13 =	vadd.f32 v13, v9  }
0x25: {  	v16 =	vld [tilespmem:s17+$0x400];
	v25 =	vmax.f32 v21, $0.0e+00;
	v15 =	vshrl.u32 v15, $0x1F;
	v10 =	vshrl.u32 v10, $0x1F  }
0x26: {  	v56 =	vmul.f32 v24, v24;
	v20 =	vadd.f32 v22, v20;
	v55 =	vadd.f32 v23, v13;
	v13 =	vld [tilespmem:s17+$0x70]  }
0x27: {  	v4 =	vshrl.u32 v12, $0x1F;
	v57 =	vmul.f32 v25, v25;
	v5 =	vadd.s32 v5, v10  }
0x28: {  	v10 =	vshrl.u32 v14, $0x1F;
	v20 =	vadd.f32 v24, v20;
	v22 =	vadd.f32 v56, v55  }
0x29: {  	v5 =	vadd.s32 v10, v5;
	v11 =	vshrl.u32 v18, $0x1F;
	v18 =	vmax.f32 v18, $0.0e+00  }
0x2a: {  	v59 =	vmul.f32 v18, v18;
	v9 =	vld [tilespmem:s17+$0x410];
	v20 =	vadd.f32 v25, v20;
	v22 =	vadd.f32 v57, v22  }
0x2b: {  	v7 =	vshrl.u32 v16, $0x1F;
	v16 =	vmax.f32 v16, $0.0e+00;
	v60 =	vmax.f32 v13, $0.0e+00  }
0x2c: {  	v0 =	vld [tilespmem:s17+$0x450];
	v18 =	vadd.f32 v18, v20;
	v61 =	vadd.f32 v59, v22;
	v62 =	vmul.f32 v60, v60  }
0x2d: {  	v5 =	vadd.s32 v15, v5;
	v15 =	vshrl.u32 v17, $0x1F;
	v14 =	vmul.f32 v16, v16  }
0x2e: {  	v5 =	vadd.s32 v15, v5;
	v10 =	vadd.f32 v60, v18;
	v18 =	vadd.f32 v62, v61  }
0x2f: {  	s31 =	simm.s32 $0x100;
	s18 =	simm.s32 $0x80;
	v17 =	vshrl.u32 v21, $0x1F;
	v15 =	vadd.s32 v19, v5;
	v58 =	vmax.f32 v9, $0.0e+00  }
0x30: {  	s19 =	sand.u32 $0x380, s18;
	s17 =	sand.u32 $0xF800, s31;
	v63 =	vmul.f32 v58, v58;
	v10 =	vadd.f32 v16, v10;
	v16 =	vadd.f32 v14, v18  }
0x31: {  	v12 =	vmax.f32 v12, $0.0e+00;
	v2 =	vmax.f32 v0, $0.0e+00;
	v17 =	vadd.s32 v17, v15;
	s17 =	sor.u32 s19, s17  }
0x32: {  	s19 =	simm.s32 $0x200;
	v5 =	vld [tilespmem:s17+$0x0];
	v14 =	vmul.f32 v12, v12;
	v15 =	vadd.f32 v58, v10;
	v16 =	vadd.f32 v63, v16  }
.LBB2_3:
0x33: {  	p0 =	sne.s32 s19, $0xDF00;
	v10 =	vld [tilespmem:s17+$0x450];
	v11 =	vadd.s32 v11, v17;
	v13 =	vshrl.u32 v13, $0x1F;
	v17 =	vmul.f32 v8, v8  }
0x34: {  	v18 =	vld [tilespmem:s17+$0x440];
	v11 =	vadd.s32 v13, v11;
	v12 =	vadd.f32 v12, v15;
	v13 =	vadd.f32 v14, v16  }
0x35: {  	v9 =	vshrl.u32 v9, $0x1F;
	v14 =	vld [tilespmem:s17+$0x430];
	v7 =	vadd.s32 v7, v11;
	v11 =	vmul.f32 v6, v6  }
0x36: {  	v15 =	vld [tilespmem:s17+$0x10];
	v7 =	vadd.s32 v9, v7;
	v8 =	vadd.f32 v8, v12;
	v9 =	vadd.f32 v17, v13  }
0x37: {  	v12 =	vmax.f32 v5, $0.0e+00;
	v16 =	vld [tilespmem:s17+$0x420];
	v4 =	vadd.s32 v4, v7;
	v7 =	vmul.f32 v2, v2  }
0x38: {  	v17 =	vld [tilespmem:s17+$0x20];
	v3 =	vadd.s32 v3, v4;
	v4 =	vadd.f32 v6, v8;
	v6 =	vadd.f32 v11, v9  }
0x39: {  	v8 =	vmul.f32 v12, v12;
	v19 =	vld [tilespmem:s17+$0x400];
	v1 =	vadd.s32 v1, v3;
	v3 =	vshrl.u32 v0, $0x1F;
	v0 =	vmovc v10  }
0x3a: {  	v10 =	vld [tilespmem:s17+$0x30];
	v20 =	vadd.s32 v3, v1;
	v2 =	vadd.f32 v2, v4;
	v4 =	vadd.f32 v7, v6  }
0x3b: {  	v3 =	vshrl.u32 v14, $0x1F;
	v1 =	vshrl.u32 v18, $0x1F;
	v6 =	vmax.f32 v15, $0.0e+00;
	v21 =	vld [tilespmem:s17+$0x60]  }
0x3c: {  	v7 =	vadd.f32 v12, v2;
	v8 =	vadd.f32 v8, v4;
	v9 =	vmul.f32 v6, v6;
	v12 =	vld [tilespmem:s17+$0x40]  }
0x3d: {  	v4 =	vshrl.u32 v16, $0x1F;
	v2 =	vmax.f32 v0, $0.0e+00;
	v11 =	vmax.f32 v17, $0.0e+00  }
0x3e: {  	v13 =	vadd.f32 v6, v7;
	v8 =	vadd.f32 v9, v8;
	v9 =	vmul.f32 v11, v11;
	v22 =	vld [tilespmem:s17+$0x50]  }
0x3f: {  	v7 =	vshrl.u32 v19, $0x1F;
	v6 =	vmax.f32 v18, $0.0e+00;
	v23 =	vmax.f32 v10, $0.0e+00  }
0x40: {  	v13 =	vadd.f32 v11, v13;
	v18 =	vadd.f32 v9, v8;
	v24 =	vmul.f32 v23, v23;
	v9 =	vld [tilespmem:s17+$0x410]  }
0x41: {  	v11 =	vshrl.u32 v21, $0x1F;
	v8 =	vmax.f32 v14, $0.0e+00;
	v25 =	vmax.f32 v12, $0.0e+00  }
0x42: {  	v14 =	vadd.f32 v23, v13;
	v18 =	vadd.f32 v24, v18;
	v23 =	vmul.f32 v25, v25;
	v13 =	vld [tilespmem:s17+$0x70]  }
0x43: {  	v24 =	vshrl.u32 v12, $0x1F;
	v12 =	vmax.f32 v16, $0.0e+00;
	v26 =	vmax.f32 v22, $0.0e+00  }
0x44: {  	v14 =	vadd.f32 v25, v14;
	v16 =	vadd.f32 v23, v18;
	v18 =	vmul.f32 v26, v26  }
0x45: {  	v17 =	vshrl.u32 v17, $0x1F;
	v21 =	vmax.f32 v21, $0.0e+00;
	v23 =	vmax.f32 v9, $0.0e+00  }
0x46: {  	v14 =	vadd.f32 v26, v14;
	v16 =	vadd.f32 v18, v16;
	v18 =	vmul.f32 v21, v21  }
0x47: {  	v5 =	vshrl.u32 v5, $0x1F;
	v19 =	vmax.f32 v19, $0.0e+00;
	v25 =	vmax.f32 v13, $0.0e+00  }
0x48: {  	v14 =	vadd.f32 v21, v14;
	v16 =	vadd.f32 v18, v16;
	v18 =	vmul.f32 v25, v25  }
0x49: {  	v5 =	vadd.s32 v20, v5;
	v15 =	vshrl.u32 v15, $0x1F;
	v20 =	vmul.f32 v19, v19  }
.Ltmp0:
0x4a: {  	v5 =	vadd.s32 v15, v5;
	v14 =	vadd.f32 v25, v14;
	v15 =	vadd.f32 v18, v16;
	(pc) =	sbr.rel @p0 .LBB2_3-.Ltmp0, $4  }
0x4b: {  	s18 =	sadd.s32 $0x80, s18;
	v5 =	vadd.s32 v17, v5;
	v10 =	vshrl.u32 v10, $0x1F;
	v16 =	vmul.f32 v23, v23  }
0x4c: {  	s20 =	sand.u32 $0x380, s18;
	v5 =	vadd.s32 v10, v5;
	s17 =	sand.u32 $0xF800, s19;
	v10 =	vadd.f32 v19, v14;
	v18 =	vadd.f32 v20, v15  }
0x4d: {  	s17 =	sor.u32 s20, s17;
	v17 =	vshrl.u32 v22, $0x1F;
	v15 =	vadd.s32 v24, v5;
	v14 =	vmul.f32 v12, v12  }
0x4e: {  	s19 =	sadd.s32 $0x100, s19;
	v17 =	vadd.s32 v17, v15;
	v5 =	vld [tilespmem:s17+$0x0];
	v15 =	vadd.f32 v23, v10;
	v16 =	vadd.f32 v16, v18  }
0x4f: {  	v11 =	vadd.s32 v11, v17;
	v13 =	vshrl.u32 v13, $0x1F  }
0x50: {  	v17 =	vmul.f32 v8, v8;
	v11 =	vadd.s32 v13, v11;
	v12 =	vadd.f32 v12, v15  }
0x51: {  	v9 =	vshrl.u32 v9, $0x1F;
	v22 =	vld [tilespmem:s17+$0x410];
	v13 =	vadd.f32 v14, v16;
	v7 =	vadd.s32 v7, v11  }
0x52: {  	v47 =	vld [tilespmem:s17+$0x70];
	v7 =	vadd.s32 v9, v7;
	v8 =	vadd.f32 v8, v12  }
0x53: {  	v15 =	vld [tilespmem:s17+$0x10];
	v11 =	vmul.f32 v6, v6;
	v9 =	vadd.f32 v17, v13;
	v4 =	vadd.s32 v4, v7  }
0x54: {  	v0 =	vshrl.u32 v0, $0x1F;
	v14 =	vld [tilespmem:s17+$0x430];
	v3 =	vadd.s32 v3, v4;
	v4 =	vadd.f32 v6, v8  }
0x55: {  	v16 =	vld [tilespmem:s17+$0x20];
	v12 =	vmax.f32 v5, $0.0e+00;
	v7 =	vmul.f32 v2, v2;
	v6 =	vadd.f32 v11, v9  }
0x56: {  	v5 =	vshrl.u32 v5, $0x1F;
	v8 =	vmul.f32 v12, v12;
	v2 =	vadd.f32 v2, v4  }
0x57: {  	v48 =	vmax.f32 v22, $0.0e+00;
	v1 =	vadd.s32 v1, v3;
	v3 =	vld [tilespmem:s17+$0x30];
	v4 =	vadd.f32 v7, v6  }
0x58: {  	v13 =	vld [tilespmem:s17+$0x420];
	v0 =	vadd.s32 v0, v1;
	v1 =	vmax.f32 v15, $0.0e+00;
	v2 =	vadd.f32 v12, v2  }
0x59: {  	v49 =	vmax.f32 v47, $0.0e+00;
	v7 =	vmul.f32 v1, v1;
	v4 =	vadd.f32 v8, v4;
	v8 =	vld [tilespmem:s17+$0x40]  }
0x5a: {  	v11 =	vshrl.u32 v14, $0x1F;
	v17 =	vmax.f32 v16, $0.0e+00;
	v1 =	vadd.f32 v1, v2  }
0x5b: {  	v14 =	vmax.f32 v14, $0.0e+00;
	v2 =	vadd.f32 v7, v4;
	v4 =	vmul.f32 v17, v17;
	v7 =	vld [tilespmem:s17+$0x50]  }
0x5c: {  	v18 =	vld [tilespmem:s17+$0x440];
	v16 =	vshrl.u32 v16, $0x1F;
	v21 =	vmax.f32 v3, $0.0e+00;
	v1 =	vadd.f32 v17, v1  }
0x5d: {  	v6 =	vld [tilespmem:s17+$0x60];
	v19 =	vshrl.u32 v13, $0x1F;
	v2 =	vadd.f32 v4, v2;
	v4 =	vmul.f32 v21, v21  }
0x5e: {  	v13 =	vmax.f32 v13, $0.0e+00;
	v23 =	vmax.f32 v8, $0.0e+00;
	v1 =	vadd.f32 v21, v1  }
0x5f: {  	v0 =	vadd.s32 v0, v5;
	v2 =	vadd.f32 v4, v2;
	v4 =	vmul.f32 v23, v23  }
0x60: {  	v5 =	vshrl.u32 v15, $0x1F;
	v25 =	vmax.f32 v7, $0.0e+00;
	v1 =	vadd.f32 v23, v1  }
0x61: {  	v9 =	vld [tilespmem:s17+$0x400];
	v12 =	vshrl.u32 v18, $0x1F;
	v2 =	vadd.f32 v4, v2;
	v4 =	vmul.f32 v25, v25  }
0x62: {  	v24 =	vshrl.u32 v6, $0x1F;
	v6 =	vmax.f32 v6, $0.0e+00;
	v1 =	vadd.f32 v25, v1  }
0x63: {  	v0 =	vadd.s32 v5, v0;
	v2 =	vadd.f32 v4, v2;
	v4 =	vmul.f32 v6, v6  }
0x64: {  	p0 =	seq.s32 s15, $0x7;
	v0 =	vadd.s32 v16, v0;
	v3 =	vshrl.u32 v3, $0x1F;
	v1 =	vadd.f32 v6, v1  }
0x65: {  	s16 =	sadd.s32 @!p0 s16, s6;
	v0 =	vadd.s32 v3, v0;
	v2 =	vadd.f32 v4, v2;
	v4 =	vmul.f32 v49, v49  }
0x66: {  	s16 =	sshll.u32 @!p0 s16, $0x5;
	v17 =	vshrl.u32 v9, $0x1F;
	v9 =	vmax.f32 v9, $0.0e+00;
	v1 =	vadd.f32 v49, v1  }
0x67: {  	v10 =	vld [tilespmem:s17+$0x450];
	s16 =	sadd.s32 @!p0 s2, s16;
	s17 =	simm.s32 @!p0 $0x0;
	v8 =	vshrl.u32 v8, $0x1F;
	v6 =	vmul.f32 v9, v9;
	v2 =	vadd.f32 v4, v2  }
0x68: {  	[tilespmem:s17], [sflag:$0x1] =	stream.linear.gather @!p0 [hbm4b:s16+s17], $0xE000, $0x38;
	v0 =	vadd.s32 v8, v0;
	v3 =	vshrl.u32 v7, $0x1F;
	v1 =	vadd.f32 v9, v1;
	[tilespmem:$0x1C200] =	vst v63  }
0x69: {  	s29 =	simm.s32 $0x0;
	_ =	swait.ge [sflag:s11], $0xE000;
	v0 =	vadd.s32 v3, v0;
	v4 =	vmul.f32 v48, v48;
	v2 =	vadd.f32 v6, v2  }
0x6a: {  	s30 =	sand.u32 $0xF800, s29;
	s16 =	sand.u32 $0x380, s29;
	[sflag:s11] =	ssyncset.done $0x0;
	v3 =	vshrl.u32 v47, $0x1F;
	v0 =	vadd.s32 v24, v0;
	v1 =	vadd.f32 v48, v1  }
0x6b: {  	v5 =	vmul.f32 v13, v13;
	s16 =	sor.u32 s16, s30;
	[sflag:s11] =	ssyncadd.s32 $0xFFFF2000;
	v3 =	vadd.s32 v3, v0;
	v2 =	vadd.f32 v4, v2  }
0x6c: {  	v15 =	vld [tilespmem:s16+$0xE000];
	v7 =	vmax.f32 v18, $0.0e+00;
	v3 =	vadd.s32 v17, v3;
	v1 =	vadd.f32 v13, v1  }
0x6d: {  	v18 =	vld [tilespmem:s16+$0xE030];
	v4 =	vmul.f32 v14, v14;
	v2 =	vadd.f32 v5, v2;
	v5 =	vshrl.u32 v22, $0x1F  }
0x6e: {  	v20 =	vmax.f32 v10, $0.0e+00;
	v50 =	vld [tilespmem:s16+$0xE040];
	v3 =	vadd.s32 v5, v3;
	v1 =	vadd.f32 v14, v1  }
0x6f: {  	v8 =	vmul.f32 v7, v7;
	v13 =	vld [tilespmem:s16+$0xE010];
	v2 =	vadd.f32 v4, v2;
	v3 =	vadd.s32 v19, v3  }
0x70: {  	v51 =	vld [tilespmem:s16+$0xE050];
	v4 =	vmul.f32 v20, v20;
	v3 =	vadd.s32 v11, v3;
	v1 =	vadd.f32 v7, v1  }
0x71: {  	v14 =	vld [tilespmem:s16+$0xE020];
	v2 =	vadd.f32 v8, v2;
	v3 =	vadd.s32 v12, v3;
	v7 =	vshrl.u32 v10, $0x1F  }
0x72: {  	v16 =	vadd.s32 v7, v3;
	v7 =	vmax.f32 v15, $0.0e+00  }
0x73: {  	v8 =	vadd.f32 v20, v1;
	v2 =	vadd.f32 v4, v2;
	v4 =	vmul.f32 v7, v7  }
0x74: {  	v52 =	vmax.f32 v18, $0.0e+00;
	v55 =	vmax.f32 v50, $0.0e+00;
	v6 =	vld [tilespmem:s16+$0xE440];
	v9 =	vmax.f32 v13, $0.0e+00  }
0x75: {  	v5 =	vld [tilespmem:s16+$0xE430];
	v10 =	vmul.f32 v9, v9;
	v7 =	vadd.f32 v7, v8;
	v8 =	vadd.f32 v4, v2  }
0x76: {  	v58 =	vmax.f32 v51, $0.0e+00;
	v54 =	vmul.f32 v52, v52;
	v12 =	vmax.f32 v14, $0.0e+00  }
0x77: {  	v9 =	vadd.f32 v9, v7;
	v8 =	vadd.f32 v10, v8;
	v10 =	vmul.f32 v12, v12  }
0x78: {  	v57 =	vmul.f32 v55, v55;
	v59 =	vmul.f32 v58, v58;
	v19 =	vld [tilespmem:s16+$0xE060];
	v15 =	vshrl.u32 v15, $0x1F  }
0x79: {  	v11 =	vld [tilespmem:s16+$0xE420];
	v13 =	vshrl.u32 v13, $0x1F;
	v12 =	vadd.f32 v12, v9;
	v53 =	vadd.f32 v10, v8  }
0x7a: {  	v0 =	vld [tilespmem:s16+$0xE450];
	v3 =	vshrl.u32 v5, $0x1F;
	v1 =	vshrl.u32 v6, $0x1F;
	v6 =	vmax.f32 v6, $0.0e+00  }
0x7b: {  	v8 =	vmax.f32 v5, $0.0e+00;
	v5 =	vadd.f32 v52, v12;
	v56 =	vadd.f32 v54, v53;
	v12 =	vld [tilespmem:s16+$0xE070]  }
0x7c: {  	v20 =	vshrl.u32 v50, $0x1F;
	v15 =	vadd.s32 v16, v15;
	v14 =	vshrl.u32 v14, $0x1F  }
0x7d: {  	v17 =	vld [tilespmem:s16+$0xE400];
	v13 =	vadd.s32 v13, v15;
	v5 =	vadd.f32 v55, v5;
	v22 =	vadd.f32 v57, v56  }
0x7e: {  	v4 =	vshrl.u32 v11, $0x1F;
	v10 =	vshrl.u32 v19, $0x1F;
	v19 =	vmax.f32 v19, $0.0e+00  }
0x7f: {  	v9 =	vld [tilespmem:s16+$0xE410];
	v61 =	vmul.f32 v19, v19;
	v5 =	vadd.f32 v58, v5;
	v22 =	vadd.f32 v59, v22  }
0x80: {  	v2 =	vmax.f32 v0, $0.0e+00;
	v13 =	vadd.s32 v14, v13;
	v62 =	vmax.f32 v12, $0.0e+00  }
0x81: {  	v5 =	vadd.f32 v19, v5;
	v19 =	vadd.f32 v61, v22;
	v63 =	vmul.f32 v62, v62  }
0x82: {  	v14 =	vshrl.u32 v18, $0x1F;
	v7 =	vshrl.u32 v17, $0x1F;
	v17 =	vmax.f32 v17, $0.0e+00  }
0x83: {  	v16 =	vmul.f32 v17, v17;
	v5 =	vadd.f32 v62, v5;
	v15 =	vadd.f32 v63, v19  }
0x84: {  	s31 =	simm.s32 $0x100;
	s17 =	simm.s32 $0x80;
	v11 =	vmax.f32 v11, $0.0e+00;
	v13 =	vadd.s32 v14, v13;
	v60 =	vmax.f32 v9, $0.0e+00  }
0x85: {  	s18 =	sand.u32 $0x380, s17;
	s16 =	sand.u32 $0xF800, s31;
	v18 =	vmul.f32 v60, v60;
	v14 =	vadd.f32 v17, v5;
	v15 =	vadd.f32 v16, v15  }
0x86: {  	s16 =	sor.u32 s18, s16;
	v16 =	vadd.s32 v20, v13;
	v17 =	vshrl.u32 v51, $0x1F;
	v13 =	vmul.f32 v11, v11  }
0x87: {  	s18 =	simm.s32 $0x200;
	v5 =	vld [tilespmem:s16+$0xE000];
	v16 =	vadd.s32 v17, v16;
	v14 =	vadd.f32 v60, v14;
	v15 =	vadd.f32 v18, v15  }
.LBB2_5:
0x88: {  	p0 =	sne.s32 s18, $0xDF00;
	v17 =	vld [tilespmem:s16+$0xE450];
	v10 =	vadd.s32 v10, v16;
	v12 =	vshrl.u32 v12, $0x1F;
	v16 =	vmul.f32 v8, v8  }
0x89: {  	v18 =	vld [tilespmem:s16+$0xE440];
	v10 =	vadd.s32 v12, v10;
	v11 =	vadd.f32 v11, v14;
	v12 =	vadd.f32 v13, v15  }
0x8a: {  	v9 =	vshrl.u32 v9, $0x1F;
	v13 =	vld [tilespmem:s16+$0xE430];
	v7 =	vadd.s32 v7, v10;
	v10 =	vmul.f32 v6, v6  }
0x8b: {  	v14 =	vld [tilespmem:s16+$0xE010];
	v7 =	vadd.s32 v9, v7;
	v8 =	vadd.f32 v8, v11;
	v9 =	vadd.f32 v16, v12  }
0x8c: {  	v11 =	vmax.f32 v5, $0.0e+00;
	v15 =	vld [tilespmem:s16+$0xE420];
	v4 =	vadd.s32 v4, v7;
	v7 =	vmul.f32 v2, v2  }
0x8d: {  	v16 =	vld [tilespmem:s16+$0xE020];
	v3 =	vadd.s32 v3, v4;
	v4 =	vadd.f32 v6, v8;
	v6 =	vadd.f32 v10, v9  }
0x8e: {  	v8 =	vmul.f32 v11, v11;
	v19 =	vld [tilespmem:s16+$0xE400];
	v1 =	vadd.s32 v1, v3;
	v3 =	vshrl.u32 v0, $0x1F;
	v0 =	vmovc v17  }
0x8f: {  	v17 =	vld [tilespmem:s16+$0xE030];
	v20 =	vadd.s32 v3, v1;
	v2 =	vadd.f32 v2, v4;
	v4 =	vadd.f32 v7, v6  }
0x90: {  	v3 =	vshrl.u32 v13, $0x1F;
	v1 =	vshrl.u32 v18, $0x1F;
	v6 =	vmax.f32 v14, $0.0e+00;
	v21 =	vld [tilespmem:s16+$0xE060]  }
0x91: {  	v7 =	vadd.f32 v11, v2;
	v8 =	vadd.f32 v8, v4;
	v9 =	vmul.f32 v6, v6;
	v11 =	vld [tilespmem:s16+$0xE040]  }
0x92: {  	v4 =	vshrl.u32 v15, $0x1F;
	v2 =	vmax.f32 v0, $0.0e+00;
	v10 =	vmax.f32 v16, $0.0e+00  }
0x93: {  	v12 =	vadd.f32 v6, v7;
	v8 =	vadd.f32 v9, v8;
	v9 =	vmul.f32 v10, v10;
	v22 =	vld [tilespmem:s16+$0xE050]  }
0x94: {  	v7 =	vshrl.u32 v19, $0x1F;
	v6 =	vmax.f32 v18, $0.0e+00;
	v23 =	vmax.f32 v17, $0.0e+00  }
0x95: {  	v12 =	vadd.f32 v10, v12;
	v18 =	vadd.f32 v9, v8;
	v24 =	vmul.f32 v23, v23;
	v9 =	vld [tilespmem:s16+$0xE410]  }
0x96: {  	v10 =	vshrl.u32 v21, $0x1F;
	v8 =	vmax.f32 v13, $0.0e+00;
	v25 =	vmax.f32 v11, $0.0e+00  }
0x97: {  	v13 =	vadd.f32 v23, v12;
	v18 =	vadd.f32 v24, v18;
	v23 =	vmul.f32 v25, v25;
	v12 =	vld [tilespmem:s16+$0xE070]  }
0x98: {  	v24 =	vshrl.u32 v11, $0x1F;
	v11 =	vmax.f32 v15, $0.0e+00;
	v26 =	vmax.f32 v22, $0.0e+00  }
0x99: {  	v13 =	vadd.f32 v25, v13;
	v15 =	vadd.f32 v23, v18;
	v18 =	vmul.f32 v26, v26  }
0x9a: {  	v16 =	vshrl.u32 v16, $0x1F;
	v21 =	vmax.f32 v21, $0.0e+00;
	v23 =	vmax.f32 v9, $0.0e+00  }
0x9b: {  	v13 =	vadd.f32 v26, v13;
	v15 =	vadd.f32 v18, v15;
	v18 =	vmul.f32 v21, v21  }
0x9c: {  	v5 =	vshrl.u32 v5, $0x1F;
	v19 =	vmax.f32 v19, $0.0e+00;
	v25 =	vmax.f32 v12, $0.0e+00  }
0x9d: {  	v13 =	vadd.f32 v21, v13;
	v15 =	vadd.f32 v18, v15;
	v18 =	vmul.f32 v25, v25  }
0x9e: {  	v5 =	vadd.s32 v20, v5;
	v14 =	vshrl.u32 v14, $0x1F;
	v20 =	vmul.f32 v19, v19  }
.Ltmp1:
0x9f: {  	v5 =	vadd.s32 v14, v5;
	v13 =	vadd.f32 v25, v13;
	v14 =	vadd.f32 v18, v15;
	(pc) =	sbr.rel @p0 .LBB2_5-.Ltmp1, $4  }
0xa0: {  	s17 =	sadd.s32 $0x80, s17;
	v5 =	vadd.s32 v16, v5;
	v15 =	vshrl.u32 v17, $0x1F;
	v17 =	vmul.f32 v23, v23  }
0xa1: {  	s19 =	sand.u32 $0x380, s17;
	s16 =	sand.u32 $0xF800, s18;
	v5 =	vadd.s32 v15, v5;
	v15 =	vadd.f32 v19, v13;
	v18 =	vadd.f32 v20, v14  }
0xa2: {  	s16 =	sor.u32 s19, s16;
	v16 =	vshrl.u32 v22, $0x1F;
	v14 =	vadd.s32 v24, v5;
	v13 =	vmul.f32 v11, v11  }
0xa3: {  	s18 =	sadd.s32 $0x100, s18;
	v16 =	vadd.s32 v16, v14;
	v5 =	vld [tilespmem:s16+$0xE000];
	v14 =	vadd.f32 v23, v15;
	v15 =	vadd.f32 v17, v18  }
0xa4: {  	v10 =	vadd.s32 v10, v16;
	v12 =	vshrl.u32 v12, $0x1F;
	v43 =	vmul.f32 v8, v8  }
0xa5: {  	v10 =	vadd.s32 v12, v10;
	v11 =	vadd.f32 v11, v14;
	v44 =	vadd.f32 v13, v15  }
0xa6: {  	v9 =	vshrl.u32 v9, $0x1F;
	v46 =	vmul.f32 v6, v6;
	v47 =	vld [tilespmem:s16+$0xE010];
	v7 =	vadd.s32 v7, v10  }
0xa7: {  	v52 =	vld [tilespmem:s16+$0xE020];
	v7 =	vadd.s32 v9, v7;
	v48 =	vadd.f32 v8, v11;
	v49 =	vadd.f32 v43, v44  }
0xa8: {  	v54 =	vld [tilespmem:s16+$0xE400];
	v50 =	vmax.f32 v5, $0.0e+00;
	v4 =	vadd.s32 v4, v7;
	v7 =	vmul.f32 v2, v2  }
0xa9: {  	v56 =	vld [tilespmem:s16+$0xE040];
	v3 =	vadd.s32 v3, v4;
	v4 =	vadd.f32 v6, v48;
	v6 =	vadd.f32 v46, v49  }
0xaa: {  	v0 =	vshrl.u32 v0, $0x1F;
	v53 =	vmul.f32 v50, v50  }
0xab: {  	v1 =	vadd.s32 v1, v3;
	v3 =	vld [tilespmem:s16+$0xE030];
	v2 =	vadd.f32 v2, v4;
	v4 =	vadd.f32 v7, v6  }
0xac: {  	v5 =	vshrl.u32 v5, $0x1F;
	v0 =	vadd.s32 v0, v1;
	v1 =	vmax.f32 v47, $0.0e+00  }
0xad: {  	v55 =	vmul.f32 v1, v1;
	v2 =	vadd.f32 v50, v2;
	v4 =	vadd.f32 v53, v4  }
0xae: {  	v57 =	vmax.f32 v52, $0.0e+00;
	v21 =	vshrl.u32 v54, $0x1F;
	v23 =	vmax.f32 v56, $0.0e+00  }
0xaf: {  	v59 =	vld [tilespmem:s16+$0xE050];
	v1 =	vadd.f32 v1, v2;
	v2 =	vadd.f32 v55, v4;
	v4 =	vmul.f32 v57, v57  }
0xb0: {  	v0 =	vadd.s32 v0, v5;
	v5 =	vshrl.u32 v47, $0x1F;
	v20 =	vmax.f32 v3, $0.0e+00  }
0xb1: {  	v6 =	vld [tilespmem:s16+$0xE060];
	v1 =	vadd.f32 v57, v1;
	v2 =	vadd.f32 v4, v2;
	v4 =	vmul.f32 v20, v20  }
0xb2: {  	v10 =	vshrl.u32 v56, $0x1F;
	v15 =	vshrl.u32 v52, $0x1F;
	v0 =	vadd.s32 v5, v0  }
0xb3: {  	v61 =	vld [tilespmem:s16+$0xE070];
	v1 =	vadd.f32 v20, v1;
	v2 =	vadd.f32 v4, v2;
	v4 =	vmul.f32 v23, v23  }
0xb4: {  	v25 =	vmax.f32 v59, $0.0e+00;
	v0 =	vadd.s32 v15, v0;
	v3 =	vshrl.u32 v3, $0x1F  }
0xb5: {  	v51 =	vld [tilespmem:s16+$0xE420];
	v1 =	vadd.f32 v23, v1;
	v2 =	vadd.f32 v4, v2;
	v4 =	vmul.f32 v25, v25  }
0xb6: {  	v24 =	vshrl.u32 v6, $0x1F;
	v6 =	vmax.f32 v6, $0.0e+00;
	v0 =	vadd.s32 v3, v0  }
0xb7: {  	v60 =	vld [tilespmem:s16+$0xE410];
	v1 =	vadd.f32 v25, v1;
	v2 =	vadd.f32 v4, v2;
	v4 =	vmul.f32 v6, v6  }
0xb8: {  	v63 =	vmax.f32 v61, $0.0e+00;
	v3 =	vshrl.u32 v59, $0x1F;
	v0 =	vadd.s32 v10, v0  }
0xb9: {  	v1 =	vadd.f32 v6, v1;
	v2 =	vadd.f32 v4, v2;
	v4 =	vmul.f32 v63, v63  }
0xba: {  	v12 =	vmax.f32 v51, $0.0e+00;
	v9 =	vmax.f32 v54, $0.0e+00;
	v0 =	vadd.s32 v3, v0  }
0xbb: {  	v45 =	vld [tilespmem:s16+$0xE430];
	v6 =	vmul.f32 v9, v9;
	v1 =	vadd.f32 v63, v1;
	v2 =	vadd.f32 v4, v2  }
0xbc: {  	v62 =	vmax.f32 v60, $0.0e+00;
	v3 =	vshrl.u32 v61, $0x1F;
	v0 =	vadd.s32 v24, v0  }
0xbd: {  	v18 =	vld [tilespmem:s16+$0xE440];
	v4 =	vmul.f32 v62, v62;
	v1 =	vadd.f32 v9, v1;
	v2 =	vadd.f32 v6, v2  }
0xbe: {  	v5 =	vmul.f32 v12, v12;
	v0 =	vadd.s32 v3, v0;
	v3 =	vshrl.u32 v60, $0x1F  }
0xbf: {  	v17 =	vld [tilespmem:s16+$0xE450];
	v0 =	vadd.s32 v21, v0;
	v1 =	vadd.f32 v62, v1;
	v2 =	vadd.f32 v4, v2  }
0xc0: {  	v58 =	vshrl.u32 v51, $0x1F;
	v13 =	vmax.f32 v45, $0.0e+00;
	v0 =	vadd.s32 v3, v0  }
0xc1: {  	s15 =	sadd.s32 $0x1, s15;
	v4 =	vmul.f32 v13, v13;
	v1 =	vadd.f32 v12, v1;
	v2 =	vadd.f32 v5, v2  }
0xc2: {  	p0 =	sne.s32 s15, $0x8;
	v22 =	vmax.f32 v18, $0.0e+00;
	v7 =	vshrl.u32 v45, $0x1F;
	v0 =	vadd.s32 v58, v0  }
.Ltmp2:
0xc3: {  	v5 =	vmul.f32 v22, v22;
	v1 =	vadd.f32 v13, v1;
	v2 =	vadd.f32 v4, v2;
	(pc) =	sbr.rel @p0 .LBB2_2-.Ltmp2, $4  }
0xc4: {  	v19 =	vmax.f32 v17, $0.0e+00;
	v3 =	vshrl.u32 v18, $0x1F;
	v0 =	vadd.s32 v7, v0  }
0xc5: {  	v6 =	vmul.f32 v19, v19;
	v1 =	vadd.f32 v22, v1;
	v2 =	vadd.f32 v5, v2  }
0xc6: {  	v0 =	vadd.s32 v3, v0;
	v3 =	vshrl.u32 v17, $0x1F  }
0xc7: {  	v5 =	vadd.s32 v3, v0;
	v4 =	vadd.f32 v19, v1;
	v2 =	vadd.f32 v6, v2  }
0xc8: {  	_ = 	snop  }
0xc9: {  	v0 =	vcvt.s32.f32 v5;
	s14 =	sadd.s32 $0x1, s14;
	[tilespmem:$0x1C080] =	vst v4  }
0xca: {  	[tilespmem:$0x1C100] =	vst v2;
	p0 =	sne.s32 s14, s8  }
.Ltmp3:
0xcb: {  	[tilespmem:$0x1C000] =	vst v0;
	(pc) =	sbr.rel @p0 .LBB2_1-.Ltmp3, $4  }
0xcc: {  	[hbm4b:s7+s3] =	stream.linear.scatter [tilespmem:s12], [sflag:$0x3], $0x180, $0x38;
	[tilespmem:$0x1C200] =	vst v63  }
0xcd: {  	_ =	swait.ge [sflag:s13], $0x180  }
0xce: {  	[sflag:s13] =	ssyncset.done $0x0  }
0xcf: {  	[sflag:s13] =	ssyncadd.s32 $0xFFFFFE80  }
0xd0: {  	_ =	sfence.sel $0x180000  }
0xd1: {  	[bflag:$0x0] =	sbarrier.arrive $0xFFFF  }
0xd2: {  	p0 =	sne.s32 s0, $0x0;
	_ =	strace $0x90000047  }
0xd3: {  	s0 =	sadd.s32 @!p0 $0x100000, s1;
	[bflag:$0x2] =	sbarrier.arrive $0xFFFF  }
0xd4: {  	[sflag:s0] =	ssyncadd.tile.s32 @!p0 $0x1;
	_ =	shalt  }
.Lfunc_end2:
_tile_overlayer_lowered:
.L_overlay_start_2:
0xd5: {  	(tag) =	ssettag $0x2  }
0xd6: {  	s0 =	rddreg [dreg:$0x0];
	s2 =	stileid.u32  }
0xd7: {  	s1 =	rddreg [dreg:$0x1];
	p0 =	sne.s32 s2, $0x0  }
0xd8: {  	s3 =	rddreg [dreg:$0x2];
	[bflag:$0x3] =	sbarrier.arrive $0xFFFF;
	s2 =	simm.s32 @!p0 $0x1C03  }
0xd9: {  	[timem:s3], [sflag:s2] =	dma.local @!p0 [hbm:s0], s1  }
0xda: {  	s0 =	simm.s32 @!p0 $0x3  }
0xdb: {  	_ =	swait.ge @!p0 [sflag:s0], s1  }
0xdc: {  	s1 =	ssub.s32 @!p0 $0x0, s1;
	[sflag:s0] =	ssyncset.done @!p0 $0x0  }
0xdd: {  	[sflag:s0] =	ssyncadd.s32 @!p0 s1  }
0xde: {  	[bflag:$0x3] =	sbarrier.arrive $0xFFFF  }
0xdf: {  	_ =	shalt  }

// kernel: kernel.8.cloned.1.call-start
scs
__scs_entry_jumppad:
0x0: {  	(pc) =	sbr.rel $0x88, $3  }
0x1: {  	(tag) =	ssettag $0x0;
	lr =	simm.s32 $0x1  }
0x2: {  	[smem:$0x3FA0] =	sst lr;
	_ =	strace $0xD0000000  }
0x3: {  	_ = 	snop  }
0x4: {  	_ = 	snop  }
0x5: {  	_ = 	snop  }
0x6: {  	_ = 	snop  }
0x7: {  	_ = 	snop  }
__scs_overlays_trampoline_lowered:
0x8: {  	[smem:$0x3FAF] =	sst s0  }
0x9: {  	[smem:$0x3FB0] =	sst s1  }
0xa: {  	[smem:$0x3FB1] =	sst s2  }
0xb: {  	[smem:$0x3FB2] =	sst s3  }
0xc: {  	[smem:$0x3FB3] =	sst s4  }
0xd: {  	[smem:$0x3FB4] =	sst s5  }
0xe: {  	[smem:$0x3FB5] =	sst s6  }
0xf: {  	[smem:$0x3FB6] =	sst s7  }
0x10: {  	[smem:$0x3FB7] =	sst s8  }
0x11: {  	[smem:$0x3FB8] =	sst s9;
	s0 =	simm.s32 @!p0 $0x0  }
0x12: {  	s1 =	sld [smem:$0x3F9E];
	s0 =	simm.s32 @p0 $0x1  }
0x13: {  	[smem:$0x3FB9] =	sst s0;
	s0 =	simm.s32 @!p1 $0x0  }
0x14: {  	s2 =	sld [smem:$0x3F9D];
	s0 =	simm.s32 @p1 $0x1  }
0x15: {  	[smem:$0x3FBA] =	sst s0;
	s0 =	simm.s32 @!p2 $0x0  }
0x16: {  	s3 =	sld [smem:$0x3FDB];
	s0 =	simm.s32 @p2 $0x1  }
0x17: {  	s4 =	simm.s32 $0x1BF5;
	[smem:$0x3FBC] =	sst s0  }
0x18: {  	s0 =	sld [smem:$0x3F9F];
	_ =	swait.ge [sflag:s4], $0x0  }
0x19: {  	s7 =	sld [smem:$0x3FA0]  }
0x1a: {  	s8 =	sadd.s32 $0xFFFFE003, lr  }
0x1b: {  	s9 =	sadd.s32 $0xFFFFFEF7, lr;
	s5 =	simm.s32 $0xFFFFFFFF;
	p2 =	slt.u32 s8, $0xFFFFF086  }
0x1c: {  	p1 =	slt.u32 s9, $0xF7A;
	s5 =	simm.s32 @!p2 $0x0  }
0x1d: {  	s5 =	simm.s32 @p1 $0x1;
	p0 =	seq.s32 s7, s2  }
0x1e: {  	s7 =	smul.u32 @!p0 $0xF7A, s2;
	p2 =	seq.s32 @!p0 s5, $0x0  }
0x1f: {  	s9 =	smul.u32 $0xF7A, s1;
	s8 =	simm.s32 @!p0 $0x1BF5;
	p2 =	por !p2, p0  }
0x20: {  	[sflag:s8] =	ssyncset.s32 @!p0 $0xFFFFF086;
	s6 =	sadd.s32 @!p0 s3, s7;
	s7 =	simm.s32 @!p0 $0x108  }
0x21: {  	s3 =	sadd.s32 s3, s9;
	s6 =	sadd.s32 @!p0 $0x88, s6;
	s7 =	simm.s32 @p2 $0x1082  }
0x22: {  	[simem:s7], [sflag:s8] =	dma.local @!p0 [hbm:s6], $0xF7A  }
0x23: {  	s9 =	sor.u32 $0xD0000000, s2;
	s6 =	simm.s32 $0x108;
	_ =	swait.ge @!p0 [sflag:s8], $0x0  }
0x24: {  	s3 =	sadd.s32 $0x88, s3;
	s6 =	simm.s32 @!p1 $0x1082;
	[sflag:s4] =	ssyncset.s32 $0xFFFFF086  }
0x25: {  	[simem:s6], [sflag:s4] =	dma.local [hbm:s3], $0xF7A  }
0x26: {  	[smem:$0x3FA0] =	sst s1;
	(tag) =	ssettag s2;
	_ =	strace s9  }
0x27: {  	s1 =	sld [smem:$0x3FB0]  }
0x28: {  	s2 =	sld [smem:$0x3FB1]  }
0x29: {  	s4 =	sld [smem:$0x3FB3]  }
0x2a: {  	p0 =	seq.s32 s5, $0x0;
	s5 =	sld [smem:$0x3FB4]  }
0x2b: {  	s6 =	sld [smem:$0x3FB5]  }
0x2c: {  	s7 =	sld [smem:$0x3FB6]  }
0x2d: {  	s3 =	simm.s32 $0x108;
	s8 =	sld [smem:$0x3FB7]  }
0x2e: {  	s3 =	simm.s32 @!p0 $0x1082;
	s9 =	sld [smem:$0x3FB8]  }
0x2f: {  	lr =	sadd.s32 s0, s3;
	s0 =	sld [smem:$0x3FAF]  }
0x30: {  	s3 =	sld [smem:$0x3FB2]  }
0x31: {  	[smem:$0x3FBB] =	sst s10  }
0x32: {  	s10 =	sld [smem:$0x3FB9];
	_ =	sdelay $0x3  }
0x33: {  	p0 =	seq.s32 s10, $0x1;
	s10 =	sld [smem:$0x3FBB];
	_ =	sdelay $0x3  }
0x34: {  	[smem:$0x3FBB] =	sst s10  }
0x35: {  	s10 =	sld [smem:$0x3FBA];
	_ =	sdelay $0x3  }
0x36: {  	p1 =	seq.s32 s10, $0x1;
	s10 =	sld [smem:$0x3FBB];
	_ =	sdelay $0x3  }
0x37: {  	[smem:$0x3FBB] =	sst s10  }
0x38: {  	s10 =	sld [smem:$0x3FBC]  }
0x39: {  	_ = 	snop;
	(pc) =	sbr.ind lr, $3  }
0x3a: {  	_ = 	snop  }
0x3b: {  	_ = 	snop  }
0x3c: {  	p2 =	seq.s32 s10, $0x1;
	s10 =	sld [smem:$0x3FBB]  }
0x3d: {  	_ =	shalt  }
0x3e: {  	_ =	shalt  }
0x3f: {  	_ =	shalt  }
0x40: {  	_ =	shalt  }
0x41: {  	_ =	shalt  }
0x42: {  	_ =	shalt  }
0x43: {  	_ =	shalt  }
0x44: {  	_ =	shalt  }
0x45: {  	_ =	shalt  }
0x46: {  	_ =	shalt  }
0x47: {  	_ =	shalt  }
0x48: {  	_ =	shalt  }
0x49: {  	_ =	shalt  }
0x4a: {  	_ =	shalt  }
0x4b: {  	_ =	shalt  }
0x4c: {  	_ =	shalt  }
0x4d: {  	_ =	shalt  }
0x4e: {  	_ =	shalt  }
0x4f: {  	_ =	shalt  }
0x50: {  	_ =	shalt  }
0x51: {  	_ =	shalt  }
0x52: {  	_ =	shalt  }
0x53: {  	_ =	shalt  }
0x54: {  	_ =	shalt  }
0x55: {  	_ =	shalt  }
0x56: {  	_ =	shalt  }
0x57: {  	_ =	shalt  }
0x58: {  	_ =	shalt  }
0x59: {  	_ =	shalt  }
0x5a: {  	_ =	shalt  }
0x5b: {  	_ =	shalt  }
0x5c: {  	_ =	shalt  }
0x5d: {  	_ =	shalt  }
0x5e: {  	_ =	shalt  }
0x5f: {  	_ =	shalt  }
0x60: {  	_ =	shalt  }
0x61: {  	_ =	shalt  }
0x62: {  	_ =	shalt  }
0x63: {  	_ =	shalt  }
0x64: {  	_ =	shalt  }
0x65: {  	_ =	shalt  }
0x66: {  	_ =	shalt  }
0x67: {  	_ =	shalt  }
0x68: {  	_ =	shalt  }
0x69: {  	_ =	shalt  }
0x6a: {  	_ =	shalt  }
0x6b: {  	_ =	shalt  }
0x6c: {  	_ =	shalt  }
0x6d: {  	_ =	shalt  }
0x6e: {  	_ =	shalt  }
0x6f: {  	_ =	shalt  }
0x70: {  	_ =	shalt  }
0x71: {  	_ =	shalt  }
0x72: {  	_ =	shalt  }
0x73: {  	_ =	shalt  }
0x74: {  	_ =	shalt  }
0x75: {  	_ =	shalt  }
0x76: {  	_ =	shalt  }
0x77: {  	_ =	shalt  }
0x78: {  	_ =	shalt  }
0x79: {  	_ =	shalt  }
0x7a: {  	_ =	shalt  }
0x7b: {  	_ =	shalt  }
0x7c: {  	_ =	shalt  }
0x7d: {  	_ =	shalt  }
0x7e: {  	_ =	shalt  }
0x7f: {  	_ =	shalt  }
0x80: {  	_ =	shalt  }
0x81: {  	_ =	shalt  }
0x82: {  	_ =	shalt  }
0x83: {  	_ =	shalt  }
0x84: {  	_ =	shalt  }
0x85: {  	_ =	shalt  }
0x86: {  	_ =	shalt  }
0x87: {  	_ =	shalt  }
.Lfunc_end0:
.L_simem_size_0:
called_computation.1_lowered:
.L_overlay_start_0:
0x88: {  	s2 =	sld [smem:$0x3FD9]  }
0x89: {  	s3 =	sld [smem:$0x3FFE];
	_ =	sdelay $0x1  }
0x8a: {  	s1 =	srdreg.scid  }
0x8b: {  	s0 =	sand.u32 $0x1, s1  }
0x8c: {  	s17 =	sshll.u32 s0, $0xA;
	s2 =	sadd.s32 s3, s2  }
0x8d: {  	s2 =	sadd.s32 s2, s17  }
0x8e: {  	[smem:$0x3FC7] =	sst s2  }
0x8f: {  	_ = 	snop  }
0x90: {  	s2 =	sld [smem:$0x3FC9]  }
0x91: {  	s18 =	sld [smem:$0x3FD0];
	(tm) =	ssettm $0x1  }
0x92: {  	s4 =	sld [smem:$0x3FFB];
	_ =	sdelay $0x3  }
0x93: {  	_ =	strace s4  }
0x94: {  	s4 =	sld [smem:$0x3FFC];
	_ =	sdelay $0x3  }
0x95: {  	_ =	strace s4  }
0x96: {  	s4 =	sld [smem:$0x3FFD];
	_ =	sdelay $0x3  }
0x97: {  	_ =	strace s4  }
0x98: {  	_ =	strace $0x8FFFFFFF  }
0x99: {  	s19 =	sld [smem:$0x3FDB];
	_ =	sdelay $0x1  }
0x9a: {  	s5 =	simm.s32 $_scs_section_size  }
0x9b: {  	s6 =	simm.s32 $_size__tile_overlayer_lowered;
	s7 =	simm.s32 $_tile_overlayer_lowered  }
0x9c: {  	s22 =	simm.s32 $0x1BFF;
	s21 =	sshll.u32 s7, $0x1;
	s4 =	sadd.s32 s5, s19  }
0x9d: {  	s8 =	simm.s32 $0x0;
	s20 =	sshll.u32 s6, $0x1;
	s6 =	sadd.s32 s21, s4  }
0x9e: {  	[timem:s8], [sflag:s22] =	dma.local [hbm:s6], s20  }
0x9f: {  	_ =	swait.ge [sflag:s22], s20  }
0xa0: {  	s5 =	ssub.s32 $0x0, s20;
	[sflag:s22] =	ssyncset.done $0x0  }
0xa1: {  	[sflag:s22] =	ssyncadd.s32 s5;
	_ =	sdelay $0x1  }
0xa2: {  	s23 =	simm.s32 $0x1B8B  }
0xa3: {  	_ =	swait.ge [sflag:s23], $0x1  }
0xa4: {  	[sflag:s23] =	ssyncset.done $0x0  }
0xa5: {  	s25 =	simm.s32 $0x1B8E;
	s24 =	sld [smem:$0x3FFE];
	[sflag:s23] =	ssyncadd.s32 $0xFFFFFFFF  }
0xa6: {  	s26 =	simm.s32 $execute0_lowered;
	[smem:$0x3FD2] =	sst s25  }
0xa7: {  	s6 =	sshll.u32 s26, $0x1;
	_ =	strace $0x80000049;
	[dreg:$0x1] =	wrdreg $0xFFFFFFFF  }
0xa8: {  	s28 =	simm.s32 $_size_execute0_lowered;
	s4 =	sadd.s32 s4, s6;
	[dreg:$0x0] =	wrdreg $0x0  }
0xa9: {  	s6 =	sshll.u32 s28, $0x1;
	[dreg:$0x2] =	wrdreg s4  }
0xaa: {  	[dreg:$0x3] =	wrdreg s6  }
0xab: {  	[dreg:$0x4] =	wrdreg $0xC0  }
0xac: {  	_ =	task [dreg:s8], $0x5FFFF  }
0xad: {  	[dreg:$0x1] =	wrdreg $0xFFFFFFFF  }
0xae: {  	[dreg:$0x0] =	wrdreg $0x60  }
0xaf: {  	[dreg:$0x2] =	wrdreg s2  }
0xb0: {  	[dreg:$0x3] =	wrdreg s24  }
0xb1: {  	[dreg:$0x4] =	wrdreg s18  }
0xb2: {  	[dreg:$0x5] =	wrdreg $0x9  }
0xb3: {  	_ =	task.clear_ibuf [dreg:s8], $0x6FFFF;
	_ =	strace $0x90000049  }
0xb4: {  	s29 =	simm.s32 $0x9;
	_ =	strace $0x8000004B  }
0xb5: {  	_ =	swait.ge [sflag:s29], $0x1  }
0xb6: {  	[sflag:s29] =	ssyncadd.s32 $0xFFFFFFFF  }
0xb7: {  	_ =	strace $0x9000004B  }
0xb8: {  	_ =	sfence  }
0xb9: {  	s30 =	sld [smem:$0x0];
	_ =	sdelay $0x2  }
0xba: {  	s31 =	sshll.u32 s1, $0xD;
	s1 =	sshrl.u32 s1, $0x2  }
0xbb: {  	s3 =	sand.u32 $0x4000, s31;
	s1 =	sadd.s32 s1, s30  }
0xbc: {  	s0 =	sor.u32 s3, s0;
	s1 =	sshll.u32 s1, $0x11  }
0xbd: {  	s0 =	sor.u32 s1, s0  }
0xbe: {  	s0 =	sadd.s32 $0x8F2B, s0  }
0xbf: {  	[sflag:s0] =	ssyncadd.remote.s32 $0x1  }
0xc0: {  	_ =	sfence.sel $0xFFFF  }
0xc1: {  	[dreg:$0x0] =	wrdreg $0xFFFFFFFF;
	(pc) =	sbr.abs _section_cstart, $3  }
0xc2: {  	[dreg:$0x1] =	wrdreg $0xFFFFFFFF  }
0xc3: {  	_ =	task.clear_ibuf [dreg:s8], $0x2FFFF;
	_ =	strace $0x9FFFFFFF  }
0xc4: {  	(tm) =	ssettm $0x7FFFFFFF  }
0xc5: {  	_ =	shalt  }
tec
execute0_lowered:
.L_overlay_start_1:
0x0: {  	(tag) =	ssettag $0x1  }
0x1: {  	s1 =	rddreg [dreg:$0x0]  }
0x2: {  	s0 =	rddreg [dreg:$0x1]  }
0x3: {  	s3 =	rddreg [dreg:$0x2]  }
0x4: {  	s4 =	simm.s32 $0x0;
	s2 =	srdreg.scid;
	s9 =	stileid.u32  }
0x5: {  	s16 =	simm.s32 $0x6000;
	s17 =	simm.s32 $0x1;
	s18 =	simm.s32 $0xC000  }
0x6: {  	s19 =	simm.s32 $0x2;
	[smem:$0x7FF] =	sst s4;
	s2 =	sand.u32 $0x1, s2  }
0x7: {  	s6 =	sshll.u32 s9, $0x1;
	s5 =	sadd.s32 $0xA00, s0;
	s0 =	sadd.s32 $0x1200, s0  }
0x8: {  	s9 =	sshrl.u32 s9, $0x1;
	_ =	strace $0x8000004A;
	s8 =	sor.u32 s2, s6  }
0x9: {  	[dreg:$0x4] =	wrdreg s0;
	s25 =	ssub.s32 $0x2, s2;
	s7 =	smul.u32 $0x1500, s8  }
0xa: {  	s26 =	sshll.u32 s9, $0xB;
	s28 =	sshll.u32 s9, $0x9;
	s10 =	smul.u32 $0x2A000, s8  }
0xb: {  	s2 =	sshrl.u32 s25, $0x1;
	[dreg:$0x5] =	wrdreg s26;
	s31 =	sshrl.u32 s28, $0x2  }
0xc: {  	s0 =	ssub.s32 s25, s2;
	[dreg:$0x8] =	wrdreg s31;
	s29 =	sadd.s32 s1, s10  }
0xd: {  	s20 =	simm.s32 $0x4;
	s0 =	smax.u32 s0, $0x1;
	[dreg:$0x6] =	wrdreg s29  }
0xe: {  	s21 =	simm.s32 $0x12000;
	s30 =	sor.u32 $0xC0, s7;
	[dreg:$0x7] =	wrdreg s0  }
0xf: {  	s2 =	simm.s32 $0x0;
	s10 =	sor.u32 $0x60, s7;
	[dreg:$0x9] =	wrdreg s30  }
.LBB2_1:
0x10: {  	[dreg:$0xa] =	wrdreg s2;
	s0 =	simm.s32 $0x18000  }
0x11: {  	s2 =	simm.s32 $0x40;
	s14 =	sadd.s32 $0x0, s5;
	s24 =	simm.s32 $0x18200  }
.LBB2_2:
0x12: {  	[tilespmem:s0], [sflag:$0x5] =	stream.linear.gather [hbm4b:s14+s4], $0x180, $0x38;
	[tilespmem:$0x1C400] =	vst v63  }
0x13: {  	s14 =	smov.u32 s2;
	s0 =	smov.u32 s24;
	p0 =	sne.s32 s2, $0x7C0  }
.Ltmp0:
0x14: {  	s2 =	sadd.s32 $0x40, s2;
	(pc) =	sbr.rel @p0 .LBB2_2-.Ltmp0, $2  }
0x15: {  	_ =	sdelay $0x2  }
0x16: {  	s24 =	sadd.s32 $0x200, s24;
	s14 =	sadd.s32 s14, s5  }
0x17: {  	[tilespmem:s0], [sflag:$0x5] =	stream.linear.gather [hbm4b:s14+s4], $0x180, $0x38;
	[tilespmem:$0x1C400] =	vst v63  }
0x18: {  	s2 =	simm.s32 $0x5  }
0x19: {  	_ =	swait.ge [sflag:s2], $0x3000  }
0x1a: {  	s24 =	simm.s32 $0x0;
	[sflag:s2] =	ssyncset.done $0x0  }
0x1b: {  	s6 =	simm.s32 $0x1C000;
	s30 =	rddreg [dreg:$0x4];
	[sflag:s2] =	ssyncadd.s32 $0xFFFFD000  }
0x1c: {  	[tilespmem:s6], [sflag:$0x5] =	stream.linear.gather [hbm4b:s30+s24], $0x400, $0x38;
	[tilespmem:$0x1C400] =	vst v63  }
0x1d: {  	_ =	swait.ge [sflag:s2], $0x400  }
0x1e: {  	[sflag:s2] =	ssyncset.done $0x0  }
0x1f: {  	s31 =	rddreg [dreg:$0x5];
	[sflag:s2] =	ssyncadd.s32 $0xFFFFFC00  }
0x20: {  	v0 =	vld [tilespmem:s31+$0x18000]  }
0x21: {  	v1 =	vld [tilespmem:s31+$0x18080]  }
0x22: {  	v2 =	vld [tilespmem:s31+$0x18100]  }
0x23: {  	v3 =	vld [tilespmem:s31+$0x18200]  }
0x24: {  	v4 =	vld [tilespmem:s31+$0x18280]  }
0x25: {  	v5 =	vld [tilespmem:s31+$0x18300]  }
0x26: {  	v6 =	vld [tilespmem:s31+$0x18400]  }
0x27: {  	v7 =	vld [tilespmem:s31+$0x18480]  }
0x28: {  	v8 =	vld [tilespmem:s31+$0x18500];
	v0 =	vadd.f32 $0.0e+00, v0  }
0x29: {  	v9 =	vld [tilespmem:s31+$0x18600];
	v1 =	vadd.f32 $0.0e+00, v1  }
0x2a: {  	v2 =	vadd.f32 $0.0e+00, v2;
	v0 =	vadd.f32 v3, v0;
	v3 =	vld [tilespmem:s31+$0x18680]  }
0x2b: {  	v62 =	vld [tilespmem:s31+$0x18700];
	v1 =	vadd.f32 v4, v1  }
0x2c: {  	v2 =	vadd.f32 v5, v2;
	v0 =	vadd.f32 v6, v0  }
0x2d: {  	v1 =	vadd.f32 v7, v1  }
0x2e: {  	v2 =	vadd.f32 v8, v2;
	v0 =	vadd.f32 v9, v0  }
0x2f: {  	v1 =	vadd.f32 v3, v1  }
0x30: {  	v2 =	vadd.f32 v62, v2;
	(v2sf) =	vpush v0, $0x0  }
0x31: {  	(v2sf) =	vpush v1, $0x0  }
0x32: {  	(v2sf) =	vpush v2, $0x0  }
0x33: {  	(v2sf) =	vpush v0, $0x1  }
0x34: {  	(v2sf) =	vpush v1, $0x1  }
0x35: {  	(v2sf) =	vpush v2, $0x1  }
0x36: {  	(v2sf) =	vpush v0, $0x2  }
0x37: {  	(v2sf) =	vpush v1, $0x2  }
0x38: {  	(v2sf) =	vpush v2, $0x2  }
0x39: {  	(v2sf) =	vpush v0, $0x3  }
0x3a: {  	(v2sf) =	vpush v1, $0x3  }
0x3b: {  	(v2sf) =	vpush v2, $0x3  }
0x3c: {  	(v2sf) =	vpush v0, $0x4  }
0x3d: {  	(v2sf) =	vpush v1, $0x4  }
0x3e: {  	(v2sf) =	vpush v2, $0x4  }
0x3f: {  	s2 =	spop (v2sf);
	(v2sf) =	vpush v0, $0x5  }
0x40: {  	s14 =	spop (v2sf);
	(v2sf) =	vpush v1, $0x5  }
0x41: {  	s6 =	spop (v2sf);
	(v2sf) =	vpush v2, $0x5  }
0x42: {  	s25 =	spop (v2sf);
	(v2sf) =	vpush v0, $0x6  }
0x43: {  	s26 =	spop (v2sf);
	(v2sf) =	vpush v1, $0x6  }
0x44: {  	s28 =	spop (v2sf);
	(v2sf) =	vpush v2, $0x6  }
0x45: {  	s29 =	spop (v2sf);
	(v2sf) =	vpush v0, $0x7  }
0x46: {  	s30 =	spop (v2sf);
	(v2sf) =	vpush v1, $0x7  }
0x47: {  	s31 =	spop (v2sf);
	(v2sf) =	vpush v2, $0x7  }
0x48: {  	s11 =	spop (v2sf);
	(v2sf) =	vpush v0, $0x8  }
0x49: {  	s9 =	spop (v2sf);
	(v2sf) =	vpush v1, $0x8  }
0x4a: {  	s12 =	spop (v2sf);
	(v2sf) =	vpush v2, $0x8  }
0x4b: {  	s15 =	spop (v2sf);
	(v2sf) =	vpush v0, $0x9  }
0x4c: {  	s22 =	spop (v2sf);
	(v2sf) =	vpush v1, $0x9  }
0x4d: {  	s13 =	spop (v2sf);
	(v2sf) =	vpush v2, $0x9  }
0x4e: {  	s23 =	spop (v2sf);
	(v2sf) =	vpush v0, $0xA  }
0x4f: {  	s0 =	sadd.f32 s25, s2;
	s8 =	spop (v2sf);
	(v2sf) =	vpush v1, $0xA  }
0x50: {  	s2 =	sadd.f32 s26, s14;
	s25 =	spop (v2sf);
	(v2sf) =	vpush v2, $0xA  }
0x51: {  	s14 =	sadd.f32 s28, s6;
	s26 =	spop (v2sf);
	(v2sf) =	vpush v0, $0xB  }
0x52: {  	s0 =	sadd.f32 s0, s29;
	s28 =	spop (v2sf);
	(v2sf) =	vpush v1, $0xB  }
0x53: {  	s2 =	sadd.f32 s2, s30;
	s29 =	spop (v2sf);
	(v2sf) =	vpush v2, $0xB  }
0x54: {  	s0 =	sadd.f32 s0, s11;
	s30 =	spop (v2sf);
	(v2sf) =	vpush v0, $0xC  }
0x55: {  	s14 =	sadd.f32 s14, s31;
	s6 =	spop (v2sf);
	(v2sf) =	vpush v1, $0xC  }
0x56: {  	s0 =	sadd.f32 s0, s15;
	s31 =	spop (v2sf);
	(v2sf) =	vpush v2, $0xC  }
0x57: {  	s2 =	sadd.f32 s2, s9;
	s11 =	spop (v2sf);
	(v2sf) =	vpush v0, $0xD  }
0x58: {  	s0 =	sadd.f32 s0, s23;
	s9 =	spop (v2sf);
	(v2sf) =	vpush v1, $0xD  }
0x59: {  	s12 =	sadd.f32 s14, s12;
	s23 =	spop (v2sf);
	(v2sf) =	vpush v2, $0xD  }
0x5a: {  	s0 =	sadd.f32 s0, s26;
	s14 =	spop (v2sf);
	(v2sf) =	vpush v0, $0xE  }
0x5b: {  	s2 =	sadd.f32 s2, s22;
	s26 =	spop (v2sf);
	(v2sf) =	vpush v1, $0xE  }
0x5c: {  	s0 =	sadd.f32 s0, s30;
	s22 =	spop (v2sf);
	(v2sf) =	vpush v2, $0xE  }
0x5d: {  	s12 =	sadd.f32 s12, s13;
	s30 =	spop (v2sf);
	(v2sf) =	vpush v0, $0xF  }
0x5e: {  	s0 =	sadd.f32 s0, s11;
	s13 =	spop (v2sf)  }
0x5f: {  	s2 =	sadd.f32 s2, s8;
	s15 =	spop (v2sf)  }
0x60: {  	s0 =	sadd.f32 s0, s14;
	s11 =	spop (v2sf)  }
0x61: {  	s12 =	sadd.f32 s12, s25;
	s14 =	spop (v2sf)  }
0x62: {  	s0 =	sadd.f32 s0, s30;
	s25 =	spop (v2sf)  }
0x63: {  	s2 =	sadd.f32 s2, s28;
	s30 =	spop (v2sf)  }
0x64: {  	s0 =	sadd.f32 s0, s11;
	s28 =	spop (v2sf)  }
0x65: {  	s12 =	sadd.f32 s12, s29;
	s8 =	spop (v2sf)  }
0x66: {  	s0 =	sadd.f32 s0, s30;
	s11 =	spop (v2sf)  }
0x67: {  	s2 =	sadd.f32 s2, s6;
	s30 =	spop (v2sf)  }
0x68: {  	s0 =	sadd.f32 s0, s11;
	s6 =	spop (v2sf)  }
0x69: {  	s12 =	sadd.f32 s12, s31;
	s11 =	spop (v2sf)  }
0x6a: {  	s31 =	spop (v2sf);
	s0 =	sadd.f32 s0, s11  }
0x6b: {  	(v2sf) =	vpush v1, $0xF;
	s11 =	rddreg [dreg:$0x8];
	s29 =	spop (v2sf)  }
0x6c: {  	s2 =	sadd.f32 s2, s9;
	v0 =	vld [tilespmem:s11+$0x1C000];
	s9 =	spop (v2sf)  }
0x6d: {  	s0 =	sadd.f32 s0, s9  }
0x6e: {  	s2 =	sadd.f32 s2, s26  }
0x6f: {  	s0 =	ssub.f32 $3.211264000e+06, s0  }
0x70: {  	(v2sf) =	vpush v2, $0xF  }
0x71: {  	s2 =	sadd.f32 s2, s13;
	v1 =	vadd.f32 s0, v0  }
0x72: {  	s23 =	sadd.f32 s12, s23  }
0x73: {  	s2 =	sadd.f32 s2, s14;
	v1 =	vbroadcast v1, $0x0  }
0x74: {  	s26 =	sadd.f32 s23, s22  }
0x75: {  	s2 =	sadd.f32 s2, s28;
	(erf) = vrcp.f32 v1  }
0x76: {  	s0 =	sadd.f32 s26, s15  }
0x77: {  	s2 =	sadd.f32 s2, s30  }
0x78: {  	s0 =	sadd.f32 s0, s25  }
0x79: {  	s2 =	sadd.f32 s2, s31  }
0x7a: {  	s28 =	spop (v2sf);
	v2 =	vbroadcast v0, $0x1;
	s0 =	sadd.f32 s0, s8;
	v1 =	vadd.f32 $-1.000000000e+00, v1  }
0x7b: {  	s2 =	sadd.f32 s2, s28  }
0x7c: {  	s0 =	sadd.f32 s0, s6;
	(erf) = vrcp.f32 v1  }
0x7d: {  	v1 =	vadd.f32 s2, v2  }
0x7e: {  	s0 =	sadd.f32 s0, s29;
	v2 =	vpop (erf)  }
0x7f: {  	s30 =	spop (v2sf);
	v2 =	vmul.f32 v2, v1  }
0x80: {  	v0 =	vbroadcast v0, $0x2;
	s0 =	sadd.f32 s0, s30  }
0x81: {  	v1 =	vmul.f32 v2, v1  }
0x82: {  	v0 =	vadd.f32 s0, v0;
	_ =	sdelay $0x1  }
0x83: {  	v0 =	vsub.f32 v0, v1  }
0x84: {  	v1 =	vpop (erf)  }
0x85: {  	v0 =	vmul.f32 v0, v1;
	_ =	sdelay $0x1  }
0x86: {  	v0 =	vmax.f32 v0, $9.999999680e-21  }
0x87: {  	v1 =	vshra.s32 v0, $0x1;
	v3 =	vmul.f32 $5.000000000e-01, v0  }
0x88: {  	v1 =	vsub.s32 $0x5F3759DF, v1  }
0x89: {  	v63 =	vmul.f32 v1, v3;
	_ =	sdelay $0x1  }
0x8a: {  	v4 =	vmul.f32 v1, v63;
	_ =	sdelay $0x1  }
0x8b: {  	v4 =	vsub.f32 $1.500000000e+00, v4;
	_ =	sdelay $0x1  }
0x8c: {  	v1 =	vmul.f32 v1, v4;
	_ =	sdelay $0x1  }
0x8d: {  	v4 =	vmul.f32 v1, v3;
	_ =	sdelay $0x1  }
0x8e: {  	v4 =	vmul.f32 v4, v1;
	_ =	sdelay $0x1  }
0x8f: {  	v4 =	vsub.f32 $1.500000000e+00, v4;
	_ =	sdelay $0x1  }
0x90: {  	v1 =	vmul.f32 v4, v1;
	_ =	sdelay $0x1  }
0x91: {  	v3 =	vmul.f32 v1, v3;
	_ =	sdelay $0x1  }
0x92: {  	v3 =	vmul.f32 v3, v1;
	_ =	sdelay $0x1  }
0x93: {  	v3 =	vsub.f32 $1.500000000e+00, v3;
	_ =	sdelay $0x1  }
0x94: {  	v1 =	vmul.f32 v3, v1;
	_ =	sdelay $0x1  }
0x95: {  	v0 =	vmul.f32 v1, v0;
	_ =	sdelay $0x1  }
0x96: {  	v0 =	vadd.f32 $9.999999740e-06, v0;
	_ =	sdelay $0x1  }
0x97: {  	(erf) = vrcp.f32 v0;
	_ =	sdelay $0x7  }
0x98: {  	v1 =	vsub.f32 $0.0e+00, v2  }
0x99: {  	s31 =	rddreg [dreg:$0x6];
	v0 =	vpop (erf)  }
0x9a: {  	[tilespmem:s24], [sflag:$0x1] =	stream.linear.gather [hbm4b:s31+s24], $0x6000, $0x38;
	v1 =	vmul.f32 v0, v1;
	[tilespmem:$0x1C400] =	vst v63  }
0x9b: {  	s25 =	simm.s32 $0x0;
	s8 =	rddreg [dreg:$0x9]  }
.LBB2_4:
0x9c: {  	s28 =	smul.u32 $0xC0, s25;
	_ =	sdelay $0x1  }
0x9d: {  	s0 =	sadd.s32 s28, s10  }
0x9e: {  	s26 =	sshll.u32 s0, $0x5  }
0x9f: {  	s0 =	sadd.s32 s1, s26  }
0xa0: {  	[tilespmem:s16], [sflag:$0x2] =	stream.linear.gather [hbm4b:s0+s4], $0x6000, $0x38;
	[tilespmem:$0x1C400] =	vst v63  }
0xa1: {  	_ =	swait.ge [sflag:s17], $0x6000  }
0xa2: {  	p0 =	seq.s32 s25, $0x0;
	[sflag:s17] =	ssyncset.done $0x0  }
0xa3: {  	s0 =	simm.s32 @!p0 $0x3;
	[sflag:s17] =	ssyncadd.s32 $0xFFFFA000  }
0xa4: {  	_ =	swait.ge @!p0 [sflag:s0], $0x6000  }
0xa5: {  	s2 =	sand.u32 $0x7800, s24;
	s6 =	sand.u32 $0x380, s24;
	[sflag:s0] =	ssyncset.done @!p0 $0x0  }
0xa6: {  	s30 =	sor.u32 s6, s2;
	[sflag:s0] =	ssyncadd.s32 @!p0 $0xFFFFA000  }
0xa7: {  	v11 =	vld [tilespmem:s30+$0x450]  }
0xa8: {  	v4 =	vld [tilespmem:s30+$0x0]  }
0xa9: {  	v2 =	vld [tilespmem:s30+$0x20]  }
0xaa: {  	v5 =	vld [tilespmem:s30+$0x10]  }
0xab: {  	v6 =	vld [tilespmem:s30+$0x40]  }
0xac: {  	v3 =	vld [tilespmem:s30+$0x30]  }
0xad: {  	v8 =	vld [tilespmem:s30+$0x60];
	v10 =	vmul.f32 v4, v0  }
0xae: {  	v16 =	vmul.f32 v2, v0  }
0xaf: {  	v9 =	vmul.f32 v11, v0;
	v12 =	vmul.f32 v5, v0;
	v14 =	vadd.f32 v10, v1;
	v10 =	vld [tilespmem:s30+$0x400]  }
0xb0: {  	v7 =	vld [tilespmem:s30+$0x50];
	v17 =	vadd.f32 v16, v1;
	v16 =	vmul.f32 v6, v0  }
0xb1: {  	vm2 =	vge.f32 v11, $0.0e+00;
	v13 =	vadd.f32 v9, v1;
	v15 =	vadd.f32 v12, v1  }
0xb2: {  	v9 =	vld [tilespmem:s30+$0x70];
	v12 =	vmul.f32 v3, v0;
	v19 =	vadd.f32 v16, v1;
	v16 =	vmul.f32 v8, v0  }
0xb3: {  	vm0 =	vge.f32 v4, $0.0e+00;
	v13 =	vsel vm2, v13, v11;
	v11 =	vld [tilespmem:s30+$0x410]  }
0xb4: {  	v18 =	vadd.f32 v12, v1;
	v12 =	vld [tilespmem:s30+$0x420];
	v21 =	vadd.f32 v16, v1;
	v16 =	vmul.f32 v10, v0  }
0xb5: {  	vm1 =	vge.f32 v5, $0.0e+00;
	vm3 =	vge.f32 v3, $0.0e+00;
	v20 =	vmul.f32 v7, v0;
	[tilespmem:s30+$0xC450] =	vst v13;
	v13 =	vld [tilespmem:s30+$0x430]  }
0xb6: {  	vm4 =	vge.f32 v6, $0.0e+00;
	vm5 =	vge.f32 v7, $0.0e+00;
	v23 =	vadd.f32 v16, v1;
	v16 =	vld [tilespmem:s30+$0x440]  }
0xb7: {  	vm6 =	vge.f32 v8, $0.0e+00;
	v20 =	vadd.f32 v20, v1;
	v22 =	vmul.f32 v9, v0  }
0xb8: {  	s23 =	simm.s32 $0x100;
	vm2 =	vge.f32 v2, $0.0e+00;
	vm7 =	vge.f32 v9, $0.0e+00;
	v24 =	vmul.f32 v11, v0  }
0xb9: {  	s31 =	simm.s32 $0x80;
	s2 =	sand.u32 $0x7800, s23;
	vm8 =	vge.f32 v10, $0.0e+00;
	v22 =	vadd.f32 v22, v1;
	v25 =	vmul.f32 v12, v0  }
0xba: {  	s14 =	sand.u32 $0x380, s31;
	s29 =	sadd.s32 s7, s28;
	s0 =	simm.s32 $0x200;
	vm9 =	vge.f32 v11, $0.0e+00;
	v26 =	vmul.f32 v13, v0;
	v24 =	vadd.f32 v24, v1  }
.LBB2_5:
0xbb: {  	p1 =	sne.s32 s0, $0x5F00;
	s2 =	sor.u32 s14, s2;
	vm10 =	vge.f32 v12, $0.0e+00;
	v25 =	vadd.f32 v25, v1;
	v27 =	vmul.f32 v16, v0  }
0xbc: {  	vm11 =	vge.f32 v13, $0.0e+00;
	vm12 =	vge.f32 v16, $0.0e+00;
	v28 =	vld [tilespmem:s2+$0x450];
	v26 =	vadd.f32 v26, v1  }
0xbd: {  	v14 =	vsel vm0, v14, v4;
	v15 =	vsel vm1, v15, v5;
	v4 =	vld [tilespmem:s2+$0x0];
	v27 =	vadd.f32 v27, v1  }
0xbe: {  	v5 =	vld [tilespmem:s2+$0x10];
	[tilespmem:s30+$0xC000] =	vst v14;
	v14 =	vsel vm2, v17, v2;
	v17 =	vsel vm3, v18, v3;
	v18 =	vsel vm4, v19, v6  }
0xbf: {  	v19 =	vsel vm6, v21, v8;
	v2 =	vld [tilespmem:s2+$0x20];
	[tilespmem:s30+$0xC010] =	vst v15;
	v15 =	vsel vm5, v20, v7;
	v20 =	vsel vm7, v22, v9  }
0xc0: {  	v21 =	vsel vm8, v23, v10;
	v23 =	vsel vm10, v25, v12;
	v22 =	vsel vm9, v24, v11;
	v3 =	vld [tilespmem:s2+$0x30];
	[tilespmem:s30+$0xC020] =	vst v14  }
0xc1: {  	v24 =	vsel vm11, v26, v13;
	v25 =	vsel vm12, v27, v16;
	v6 =	vld [tilespmem:s2+$0x40];
	v9 =	vmul.f32 v28, v0;
	[tilespmem:s30+$0xC030] =	vst v17  }
0xc2: {  	vm0 =	vge.f32 v4, $0.0e+00;
	v10 =	vmul.f32 v4, v0;
	v7 =	vld [tilespmem:s2+$0x50];
	[tilespmem:s30+$0xC040] =	vst v18  }
0xc3: {  	vm1 =	vge.f32 v5, $0.0e+00;
	v11 =	vmul.f32 v5, v0;
	v8 =	vld [tilespmem:s2+$0x60];
	v12 =	vadd.f32 v9, v1;
	[tilespmem:s30+$0xC050] =	vst v15  }
0xc4: {  	vm2 =	vge.f32 v28, $0.0e+00;
	v14 =	vadd.f32 v10, v1;
	v13 =	vmul.f32 v2, v0;
	v9 =	vld [tilespmem:s2+$0x70];
	[tilespmem:s30+$0xC060] =	vst v19  }
0xc5: {  	v15 =	vadd.f32 v11, v1;
	v16 =	vmul.f32 v3, v0;
	v10 =	vld [tilespmem:s2+$0x400];
	v12 =	vsel vm2, v12, v28;
	[tilespmem:s30+$0xC070] =	vst v20  }
0xc6: {  	vm2 =	vge.f32 v2, $0.0e+00;
	v17 =	vadd.f32 v13, v1;
	v13 =	vmul.f32 v6, v0;
	v11 =	vld [tilespmem:s2+$0x410];
	[tilespmem:s2+$0xC450] =	vst v12  }
0xc7: {  	vm3 =	vge.f32 v3, $0.0e+00;
	v18 =	vadd.f32 v16, v1;
	v16 =	vmul.f32 v7, v0;
	v12 =	vld [tilespmem:s2+$0x420];
	[tilespmem:s30+$0xC400] =	vst v21  }
0xc8: {  	vm4 =	vge.f32 v6, $0.0e+00;
	v19 =	vadd.f32 v13, v1;
	v21 =	vmul.f32 v8, v0;
	v13 =	vld [tilespmem:s2+$0x430];
	[tilespmem:s30+$0xC410] =	vst v22  }
.Ltmp1:
0xc9: {  	vm5 =	vge.f32 v7, $0.0e+00;
	v20 =	vadd.f32 v16, v1;
	v22 =	vmul.f32 v9, v0;
	v16 =	vld [tilespmem:s2+$0x440];
	[tilespmem:s30+$0xC420] =	vst v23;
	(pc) =	sbr.rel @p1 .LBB2_5-.Ltmp1, $4  }
0xca: {  	vm6 =	vge.f32 v8, $0.0e+00;
	v21 =	vadd.f32 v21, v1;
	v23 =	vmul.f32 v10, v0;
	[tilespmem:s30+$0xC430] =	vst v24  }
0xcb: {  	vm7 =	vge.f32 v9, $0.0e+00;
	v22 =	vadd.f32 v22, v1;
	v24 =	vmul.f32 v11, v0;
	[tilespmem:s30+$0xC440] =	vst v25;
	s30 =	smov.u32 s2  }
0xcc: {  	s31 =	sadd.s32 $0x80, s31;
	vm8 =	vge.f32 v10, $0.0e+00;
	v23 =	vadd.f32 v23, v1;
	v25 =	vmul.f32 v12, v0  }
0xcd: {  	s14 =	sand.u32 $0x380, s31;
	s2 =	sand.u32 $0x7800, s0;
	s0 =	sadd.s32 $0x100, s0;
	vm9 =	vge.f32 v11, $0.0e+00;
	v24 =	vadd.f32 v24, v1;
	v26 =	vmul.f32 v13, v0  }
0xce: {  	s31 =	sor.u32 s14, s2  }
0xcf: {  	v4 =	vsel vm0, v14, v4;
	v27 =	vld [tilespmem:s31+$0x450]  }
0xd0: {  	vm13 =	vge.f32 v12, $0.0e+00;
	v60 =	vadd.f32 v25, v1;
	v5 =	vsel vm1, v15, v5;
	[tilespmem:s30+$0xC000] =	vst v4;
	v62 =	vld [tilespmem:s31+$0x0]  }
0xd1: {  	v61 =	vmul.f32 v16, v0;
	vm14 =	vge.f32 v13, $0.0e+00;
	v2 =	vsel vm2, v17, v2;
	[tilespmem:s30+$0xC010] =	vst v5;
	v25 =	vld [tilespmem:s31+$0x10]  }
0xd2: {  	vm15 =	vge.f32 v16, $0.0e+00;
	v3 =	vsel vm3, v18, v3;
	v30 =	vsel vm6, v21, v8;
	[tilespmem:s30+$0xC020] =	vst v2;
	v28 =	vld [tilespmem:s31+$0x20]  }
0xd3: {  	v31 =	vsel vm7, v22, v9;
	v33 =	vsel vm8, v23, v10;
	v63 =	vadd.f32 v26, v1;
	[tilespmem:s30+$0xC030] =	vst v3;
	v32 =	vld [tilespmem:s31+$0x30]  }
0xd4: {  	v26 =	vsel vm4, v19, v6;
	v3 =	vsel vm5, v20, v7;
	v35 =	vld [tilespmem:s31+$0x40];
	[tilespmem:s30+$0xC060] =	vst v30;
	v2 =	vadd.f32 v61, v1  }
0xd5: {  	v34 =	vsel vm9, v24, v11;
	v37 =	vld [tilespmem:s31+$0x50];
	[tilespmem:s30+$0xC050] =	vst v3;
	v3 =	vsel vm13, v60, v12;
	v5 =	vsel vm14, v63, v13  }
0xd6: {  	[tilespmem:s30+$0xC070] =	vst v31;
	v40 =	vld [tilespmem:s31+$0x60];
	v2 =	vsel vm15, v2, v16;
	v29 =	vmul.f32 v27, v0;
	vm10 =	vge.f32 v27, $0.0e+00  }
0xd7: {  	v42 =	vld [tilespmem:s31+$0x70];
	[tilespmem:s30+$0xC400] =	vst v33;
	v36 =	vmul.f32 v62, v0;
	vm11 =	vge.f32 v62, $0.0e+00;
	v39 =	vmul.f32 v25, v0  }
0xd8: {  	[tilespmem:s30+$0xC040] =	vst v26;
	vm12 =	vge.f32 v25, $0.0e+00;
	v41 =	vmul.f32 v28, v0;
	v43 =	vmul.f32 v32, v0  }
0xd9: {  	v46 =	vld [tilespmem:s31+$0x400];
	[tilespmem:s30+$0xC410] =	vst v34;
	vm13 =	vge.f32 v28, $0.0e+00;
	v45 =	vmul.f32 v35, v0;
	vm14 =	vge.f32 v32, $0.0e+00  }
0xda: {  	v49 =	vld [tilespmem:s31+$0x420];
	[tilespmem:s30+$0xC420] =	vst v3;
	v47 =	vmul.f32 v37, v0;
	vm15 =	vge.f32 v35, $0.0e+00;
	v18 =	vadd.f32 v29, v1  }
0xdb: {  	[tilespmem:s30+$0xC430] =	vst v5;
	v48 =	vmul.f32 v40, v0;
	vm8 =	vge.f32 v37, $0.0e+00;
	v7 =	vadd.f32 v36, v1  }
0xdc: {  	v3 =	vld [tilespmem:s31+$0x410];
	[tilespmem:s30+$0xC440] =	vst v2;
	v51 =	vmul.f32 v42, v0;
	v44 =	vadd.f32 v39, v1;
	v38 =	vsel vm10, v18, v27  }
0xdd: {  	vm9 =	vge.f32 v40, $0.0e+00;
	v13 =	vadd.f32 v41, v1;
	v2 =	vsel vm11, v7, v62;
	[tilespmem:s31+$0xC450] =	vst v38  }
0xde: {  	v53 =	vmul.f32 v46, v0;
	v8 =	vadd.f32 v45, v1;
	v4 =	vsel vm12, v44, v25;
	[tilespmem:s31+$0xC000] =	vst v2  }
0xdf: {  	v52 =	vld [tilespmem:s31+$0x440];
	v58 =	vmul.f32 v49, v0;
	v50 =	vadd.f32 v47, v1;
	v6 =	vsel vm13, v13, v28;
	[tilespmem:s31+$0xC010] =	vst v4  }
0xe0: {  	v5 =	vadd.f32 v48, v1;
	v54 =	vadd.f32 v51, v1;
	v8 =	vsel vm15, v8, v35;
	v2 =	vld [tilespmem:s31+$0x430];
	[tilespmem:s31+$0xC020] =	vst v6  }
0xe1: {  	v55 =	vmul.f32 v3, v0;
	v56 =	vadd.f32 v53, v1;
	v57 =	vsel vm8, v50, v37;
	[tilespmem:s31+$0xC040] =	vst v8  }
0xe2: {  	v61 =	vadd.f32 v58, v1;
	vm10 =	vge.f32 v42, $0.0e+00;
	v5 =	vsel vm9, v5, v40;
	[tilespmem:s31+$0xC050] =	vst v57  }
0xe3: {  	v18 =	vadd.f32 v43, v1;
	vm13 =	vge.f32 v49, $0.0e+00;
	v6 =	vsel vm10, v54, v42;
	[tilespmem:s31+$0xC060] =	vst v5  }
0xe4: {  	v59 =	vadd.f32 v55, v1;
	v62 =	vmul.f32 v52, v0;
	v5 =	vsel vm13, v61, v49;
	[tilespmem:s31+$0xC070] =	vst v6  }
0xe5: {  	vm12 =	vge.f32 v3, $0.0e+00;
	v9 =	vsel vm14, v18, v32;
	[tilespmem:s31+$0xC420] =	vst v5;
	v60 =	vmul.f32 v2, v0  }
0xe6: {  	p1 =	sne.s32 s25, $0x1B;
	vm11 =	vge.f32 v46, $0.0e+00;
	v3 =	vsel vm12, v59, v3;
	v8 =	vadd.f32 v62, v1;
	[tilespmem:s31+$0xC030] =	vst v9  }
.Ltmp2:
0xe7: {  	vm15 =	vge.f32 v52, $0.0e+00;
	v9 =	vsel vm11, v56, v46;
	[tilespmem:s31+$0xC410] =	vst v3;
	v63 =	vadd.f32 v60, v1;
	(pc) =	sbr.rel @p1 .LBB2_8-.Ltmp2, $4  }
0xe8: {  	[tilespmem:s31+$0xC400] =	vst v9;
	v3 =	vsel vm15, v8, v52;
	vm14 =	vge.f32 v2, $0.0e+00  }
0xe9: {  	s0 =	sshll.u32 s29, $0x5;
	[tilespmem:s31+$0xC440] =	vst v3;
	v2 =	vsel vm14, v63, v2  }
0xea: {  	s0 =	sadd.s32 s3, s0;
	[tilespmem:s31+$0xC430] =	vst v2  }
0xeb: {  	[hbm4b:s0+s4] =	stream.linear.scatter [tilespmem:s18], [sflag:$0x3], $0x6000, $0x38;
	[tilespmem:$0x1C400] =	vst v63  }
.Ltmp3:
0xec: {  	(pc) =	sbr.rel .LBB2_9-.Ltmp3, $4  }
0xed: {  	_ = 	snop  }
0xee: {  	_ =	swait.ge [sflag:s19], $0x6000  }
0xef: {  	[sflag:s19] =	ssyncset.done $0x0  }
0xf0: {  	[sflag:s19] =	ssyncadd.s32 $0xFFFFA000  }
.LBB2_8:
0xf1: {  	s0 =	sadd.s32 s28, s8  }
0xf2: {  	s0 =	sshll.u32 s0, $0x5  }
.Ltmp4:
0xf3: {  	s0 =	sadd.s32 s1, s0;
	(pc) =	sbr.rel @p0 .LBB2_10-.Ltmp4, $4  }
0xf4: {  	[tilespmem:s4], [sflag:$0x1] =	stream.linear.gather [hbm4b:s0+s4], $0x6000, $0x38;
	[tilespmem:$0x1C400] =	vst v63  }
0xf5: {  	_ =	swait.ge [sflag:s19], $0x6000  }
0xf6: {  	[sflag:s19] =	ssyncset.done $0x0  }
0xf7: {  	[sflag:s19] =	ssyncadd.s32 $0xFFFFA000  }
.LBB2_9:
0xf8: {  	_ =	swait.ge [sflag:s20], $0x6000  }
0xf9: {  	[sflag:s20] =	ssyncset.done $0x0  }
0xfa: {  	[sflag:s20] =	ssyncadd.s32 $0xFFFFA000  }
.LBB2_10:
0xfb: {  	s0 =	simm.s32 $0x0  }
0xfc: {  	s2 =	sand.u32 $0x7800, s0;
	s0 =	sand.u32 $0x380, s0  }
0xfd: {  	s28 =	sor.u32 s0, s2  }
0xfe: {  	v11 =	vld [tilespmem:s28+$0x6450]  }
0xff: {  	v4 =	vld [tilespmem:s28+$0x6000]  }
0x100: {  	v2 =	vld [tilespmem:s28+$0x6020]  }
0x101: {  	v5 =	vld [tilespmem:s28+$0x6010]  }
0x102: {  	v6 =	vld [tilespmem:s28+$0x6040]  }
0x103: {  	v3 =	vld [tilespmem:s28+$0x6030]  }
0x104: {  	v8 =	vld [tilespmem:s28+$0x6060];
	v10 =	vmul.f32 v4, v0  }
0x105: {  	v16 =	vmul.f32 v2, v0  }
0x106: {  	v9 =	vmul.f32 v11, v0;
	v12 =	vmul.f32 v5, v0;
	v14 =	vadd.f32 v10, v1;
	v10 =	vld [tilespmem:s28+$0x6400]  }
0x107: {  	v7 =	vld [tilespmem:s28+$0x6050];
	v17 =	vadd.f32 v16, v1;
	v16 =	vmul.f32 v6, v0  }
0x108: {  	vm2 =	vge.f32 v11, $0.0e+00;
	v13 =	vadd.f32 v9, v1;
	v15 =	vadd.f32 v12, v1  }
0x109: {  	v9 =	vld [tilespmem:s28+$0x6070];
	v12 =	vmul.f32 v3, v0;
	v19 =	vadd.f32 v16, v1;
	v16 =	vmul.f32 v8, v0  }
0x10a: {  	vm0 =	vge.f32 v4, $0.0e+00;
	v13 =	vsel vm2, v13, v11;
	v11 =	vld [tilespmem:s28+$0x6410]  }
0x10b: {  	v18 =	vadd.f32 v12, v1;
	v12 =	vld [tilespmem:s28+$0x6420];
	v21 =	vadd.f32 v16, v1;
	v16 =	vmul.f32 v10, v0  }
0x10c: {  	vm1 =	vge.f32 v5, $0.0e+00;
	vm3 =	vge.f32 v3, $0.0e+00;
	v20 =	vmul.f32 v7, v0;
	[tilespmem:s28+$0x12450] =	vst v13;
	v13 =	vld [tilespmem:s28+$0x6430]  }
0x10d: {  	vm4 =	vge.f32 v6, $0.0e+00;
	vm5 =	vge.f32 v7, $0.0e+00;
	v23 =	vadd.f32 v16, v1;
	v16 =	vld [tilespmem:s28+$0x6440]  }
0x10e: {  	vm6 =	vge.f32 v8, $0.0e+00;
	v20 =	vadd.f32 v20, v1;
	v22 =	vmul.f32 v9, v0  }
0x10f: {  	vm2 =	vge.f32 v2, $0.0e+00;
	vm7 =	vge.f32 v9, $0.0e+00;
	v24 =	vmul.f32 v11, v0  }
0x110: {  	s31 =	simm.s32 $0x100;
	s29 =	simm.s32 $0x80;
	vm8 =	vge.f32 v10, $0.0e+00;
	v22 =	vadd.f32 v22, v1;
	v25 =	vmul.f32 v12, v0  }
0x111: {  	s14 =	sand.u32 $0x380, s29;
	s2 =	sand.u32 $0x7800, s31;
	s0 =	simm.s32 $0x200;
	vm9 =	vge.f32 v11, $0.0e+00;
	v26 =	vmul.f32 v13, v0;
	v24 =	vadd.f32 v24, v1  }
.LBB2_11:
0x112: {  	p0 =	sne.s32 s0, $0x5F00;
	s2 =	sor.u32 s14, s2;
	vm10 =	vge.f32 v12, $0.0e+00;
	v25 =	vadd.f32 v25, v1;
	v27 =	vmul.f32 v16, v0  }
0x113: {  	vm11 =	vge.f32 v13, $0.0e+00;
	vm12 =	vge.f32 v16, $0.0e+00;
	v28 =	vld [tilespmem:s2+$0x6450];
	v26 =	vadd.f32 v26, v1  }
0x114: {  	v14 =	vsel vm0, v14, v4;
	v15 =	vsel vm1, v15, v5;
	v4 =	vld [tilespmem:s2+$0x6000];
	v27 =	vadd.f32 v27, v1  }
0x115: {  	v5 =	vld [tilespmem:s2+$0x6010];
	[tilespmem:s28+$0x12000] =	vst v14;
	v14 =	vsel vm2, v17, v2;
	v17 =	vsel vm3, v18, v3;
	v18 =	vsel vm4, v19, v6  }
0x116: {  	v19 =	vsel vm6, v21, v8;
	v2 =	vld [tilespmem:s2+$0x6020];
	[tilespmem:s28+$0x12010] =	vst v15;
	v15 =	vsel vm5, v20, v7;
	v20 =	vsel vm7, v22, v9  }
0x117: {  	v21 =	vsel vm8, v23, v10;
	v23 =	vsel vm10, v25, v12;
	v22 =	vsel vm9, v24, v11;
	v3 =	vld [tilespmem:s2+$0x6030];
	[tilespmem:s28+$0x12020] =	vst v14  }
0x118: {  	v24 =	vsel vm11, v26, v13;
	v25 =	vsel vm12, v27, v16;
	v6 =	vld [tilespmem:s2+$0x6040];
	v9 =	vmul.f32 v28, v0;
	[tilespmem:s28+$0x12030] =	vst v17  }
0x119: {  	vm0 =	vge.f32 v4, $0.0e+00;
	v10 =	vmul.f32 v4, v0;
	v7 =	vld [tilespmem:s2+$0x6050];
	[tilespmem:s28+$0x12040] =	vst v18  }
0x11a: {  	vm1 =	vge.f32 v5, $0.0e+00;
	v11 =	vmul.f32 v5, v0;
	v8 =	vld [tilespmem:s2+$0x6060];
	v12 =	vadd.f32 v9, v1;
	[tilespmem:s28+$0x12050] =	vst v15  }
0x11b: {  	vm2 =	vge.f32 v28, $0.0e+00;
	v14 =	vadd.f32 v10, v1;
	v13 =	vmul.f32 v2, v0;
	v9 =	vld [tilespmem:s2+$0x6070];
	[tilespmem:s28+$0x12060] =	vst v19  }
0x11c: {  	v15 =	vadd.f32 v11, v1;
	v16 =	vmul.f32 v3, v0;
	v10 =	vld [tilespmem:s2+$0x6400];
	v12 =	vsel vm2, v12, v28;
	[tilespmem:s28+$0x12070] =	vst v20  }
0x11d: {  	vm2 =	vge.f32 v2, $0.0e+00;
	v17 =	vadd.f32 v13, v1;
	v13 =	vmul.f32 v6, v0;
	v11 =	vld [tilespmem:s2+$0x6410];
	[tilespmem:s2+$0x12450] =	vst v12  }
0x11e: {  	vm3 =	vge.f32 v3, $0.0e+00;
	v18 =	vadd.f32 v16, v1;
	v16 =	vmul.f32 v7, v0;
	v12 =	vld [tilespmem:s2+$0x6420];
	[tilespmem:s28+$0x12400] =	vst v21  }
0x11f: {  	vm4 =	vge.f32 v6, $0.0e+00;
	v19 =	vadd.f32 v13, v1;
	v21 =	vmul.f32 v8, v0;
	v13 =	vld [tilespmem:s2+$0x6430];
	[tilespmem:s28+$0x12410] =	vst v22  }
.Ltmp5:
0x120: {  	vm5 =	vge.f32 v7, $0.0e+00;
	v20 =	vadd.f32 v16, v1;
	v22 =	vmul.f32 v9, v0;
	v16 =	vld [tilespmem:s2+$0x6440];
	[tilespmem:s28+$0x12420] =	vst v23;
	(pc) =	sbr.rel @p0 .LBB2_11-.Ltmp5, $4  }
0x121: {  	vm6 =	vge.f32 v8, $0.0e+00;
	v21 =	vadd.f32 v21, v1;
	v23 =	vmul.f32 v10, v0;
	[tilespmem:s28+$0x12430] =	vst v24  }
0x122: {  	vm7 =	vge.f32 v9, $0.0e+00;
	v22 =	vadd.f32 v22, v1;
	v24 =	vmul.f32 v11, v0;
	[tilespmem:s28+$0x12440] =	vst v25;
	s28 =	smov.u32 s2  }
0x123: {  	s29 =	sadd.s32 $0x80, s29;
	vm8 =	vge.f32 v10, $0.0e+00;
	v23 =	vadd.f32 v23, v1;
	v25 =	vmul.f32 v12, v0  }
0x124: {  	s14 =	sand.u32 $0x380, s29;
	s2 =	sand.u32 $0x7800, s0;
	s0 =	sadd.s32 $0x100, s0;
	vm9 =	vge.f32 v11, $0.0e+00;
	v24 =	vadd.f32 v24, v1;
	v26 =	vmul.f32 v13, v0  }
0x125: {  	s29 =	sor.u32 s14, s2  }
0x126: {  	v4 =	vsel vm0, v14, v4;
	v27 =	vld [tilespmem:s29+$0x6450]  }
0x127: {  	vm13 =	vge.f32 v12, $0.0e+00;
	v60 =	vadd.f32 v25, v1;
	v5 =	vsel vm1, v15, v5;
	[tilespmem:s28+$0x12000] =	vst v4;
	v62 =	vld [tilespmem:s29+$0x6000]  }
0x128: {  	v61 =	vmul.f32 v16, v0;
	vm14 =	vge.f32 v13, $0.0e+00;
	v2 =	vsel vm2, v17, v2;
	[tilespmem:s28+$0x12010] =	vst v5;
	v25 =	vld [tilespmem:s29+$0x6010]  }
0x129: {  	vm15 =	vge.f32 v16, $0.0e+00;
	v3 =	vsel vm3, v18, v3;
	v30 =	vsel vm6, v21, v8;
	[tilespmem:s28+$0x12020] =	vst v2;
	v28 =	vld [tilespmem:s29+$0x6020]  }
0x12a: {  	v31 =	vsel vm7, v22, v9;
	v33 =	vsel vm8, v23, v10;
	v63 =	vadd.f32 v26, v1;
	[tilespmem:s28+$0x12030] =	vst v3;
	v32 =	vld [tilespmem:s29+$0x6030]  }
0x12b: {  	v26 =	vsel vm4, v19, v6;
	v3 =	vsel vm5, v20, v7;
	v35 =	vld [tilespmem:s29+$0x6040];
	[tilespmem:s28+$0x12060] =	vst v30;
	v2 =	vadd.f32 v61, v1  }
0x12c: {  	v34 =	vsel vm9, v24, v11;
	v37 =	vld [tilespmem:s29+$0x6050];
	[tilespmem:s28+$0x12050] =	vst v3;
	v3 =	vsel vm13, v60, v12;
	v5 =	vsel vm14, v63, v13  }
0x12d: {  	[tilespmem:s28+$0x12070] =	vst v31;
	v40 =	vld [tilespmem:s29+$0x6060];
	v2 =	vsel vm15, v2, v16;
	v29 =	vmul.f32 v27, v0;
	vm10 =	vge.f32 v27, $0.0e+00  }
0x12e: {  	v42 =	vld [tilespmem:s29+$0x6070];
	[tilespmem:s28+$0x12400] =	vst v33;
	v36 =	vmul.f32 v62, v0;
	vm11 =	vge.f32 v62, $0.0e+00;
	v39 =	vmul.f32 v25, v0  }
0x12f: {  	[tilespmem:s28+$0x12040] =	vst v26;
	vm12 =	vge.f32 v25, $0.0e+00;
	v41 =	vmul.f32 v28, v0;
	v43 =	vmul.f32 v32, v0  }
0x130: {  	v46 =	vld [tilespmem:s29+$0x6400];
	[tilespmem:s28+$0x12410] =	vst v34;
	vm13 =	vge.f32 v28, $0.0e+00;
	v45 =	vmul.f32 v35, v0;
	vm14 =	vge.f32 v32, $0.0e+00  }
0x131: {  	v49 =	vld [tilespmem:s29+$0x6420];
	[tilespmem:s28+$0x12420] =	vst v3;
	v47 =	vmul.f32 v37, v0;
	vm15 =	vge.f32 v35, $0.0e+00;
	v18 =	vadd.f32 v29, v1  }
0x132: {  	[tilespmem:s28+$0x12430] =	vst v5;
	v48 =	vmul.f32 v40, v0;
	vm8 =	vge.f32 v37, $0.0e+00;
	v7 =	vadd.f32 v36, v1  }
0x133: {  	v3 =	vld [tilespmem:s29+$0x6410];
	[tilespmem:s28+$0x12440] =	vst v2;
	v51 =	vmul.f32 v42, v0;
	v44 =	vadd.f32 v39, v1;
	v38 =	vsel vm10, v18, v27  }
0x134: {  	vm9 =	vge.f32 v40, $0.0e+00;
	v13 =	vadd.f32 v41, v1;
	v2 =	vsel vm11, v7, v62;
	[tilespmem:s29+$0x12450] =	vst v38  }
0x135: {  	v53 =	vmul.f32 v46, v0;
	v8 =	vadd.f32 v45, v1;
	v4 =	vsel vm12, v44, v25;
	[tilespmem:s29+$0x12000] =	vst v2  }
0x136: {  	v52 =	vld [tilespmem:s29+$0x6440];
	v58 =	vmul.f32 v49, v0;
	v50 =	vadd.f32 v47, v1;
	v6 =	vsel vm13, v13, v28;
	[tilespmem:s29+$0x12010] =	vst v4  }
0x137: {  	v5 =	vadd.f32 v48, v1;
	v54 =	vadd.f32 v51, v1;
	v8 =	vsel vm15, v8, v35;
	v2 =	vld [tilespmem:s29+$0x6430];
	[tilespmem:s29+$0x12020] =	vst v6  }
0x138: {  	v55 =	vmul.f32 v3, v0;
	v56 =	vadd.f32 v53, v1;
	v57 =	vsel vm8, v50, v37;
	[tilespmem:s29+$0x12040] =	vst v8  }
0x139: {  	v61 =	vadd.f32 v58, v1;
	vm10 =	vge.f32 v42, $0.0e+00;
	v5 =	vsel vm9, v5, v40;
	[tilespmem:s29+$0x12050] =	vst v57  }
0x13a: {  	v18 =	vadd.f32 v43, v1;
	vm13 =	vge.f32 v49, $0.0e+00;
	v6 =	vsel vm10, v54, v42;
	[tilespmem:s29+$0x12060] =	vst v5  }
0x13b: {  	v59 =	vadd.f32 v55, v1;
	v62 =	vmul.f32 v52, v0;
	v5 =	vsel vm13, v61, v49;
	[tilespmem:s29+$0x12070] =	vst v6  }
0x13c: {  	s25 =	sadd.s32 $0x1, s25;
	vm12 =	vge.f32 v3, $0.0e+00;
	v9 =	vsel vm14, v18, v32;
	[tilespmem:s29+$0x12420] =	vst v5;
	v60 =	vmul.f32 v2, v0  }
0x13d: {  	p0 =	sne.s32 s25, $0x1C;
	vm11 =	vge.f32 v46, $0.0e+00;
	v3 =	vsel vm12, v59, v3;
	v8 =	vadd.f32 v62, v1;
	[tilespmem:s29+$0x12030] =	vst v9  }
.Ltmp6:
0x13e: {  	vm15 =	vge.f32 v52, $0.0e+00;
	v9 =	vsel vm11, v56, v46;
	[tilespmem:s29+$0x12410] =	vst v3;
	v63 =	vadd.f32 v60, v1;
	(pc) =	sbr.rel @p0 .LBB2_4-.Ltmp6, $4  }
0x13f: {  	[tilespmem:s29+$0x12400] =	vst v9;
	v3 =	vsel vm15, v8, v52;
	vm14 =	vge.f32 v2, $0.0e+00  }
0x140: {  	[tilespmem:s29+$0x12440] =	vst v3;
	v2 =	vsel vm14, v63, v2  }
0x141: {  	s0 =	sadd.s32 s3, s26;
	[tilespmem:s29+$0x12430] =	vst v2  }
0x142: {  	[hbm4b:s0+s4] =	stream.linear.scatter [tilespmem:s21], [sflag:$0x4], $0x6000, $0x38;
	[tilespmem:$0x1C400] =	vst v63  }
0x143: {  	s0 =	simm.s32 $0x3  }
0x144: {  	_ =	swait.ge [sflag:s0], $0x6000  }
0x145: {  	[sflag:s0] =	ssyncset.done $0x0  }
0x146: {  	[sflag:s0] =	ssyncadd.s32 $0xFFFFA000  }
0x147: {  	_ =	swait.ge [sflag:s20], $0x6000  }
0x148: {  	s2 =	rddreg [dreg:$0xa]  }
0x149: {  	s31 =	rddreg [dreg:$0x7];
	s2 =	sadd.s32 $0x1, s2  }
0x14a: {  	p0 =	sne.s32 s2, s31  }
.Ltmp7:
0x14b: {  	_ = 	snop;
	(pc) =	sbr.rel @p0 .LBB2_1-.Ltmp7, $3  }
0x14c: {  	_ =	sdelay $0x1  }
0x14d: {  	[sflag:s20] =	ssyncset.done $0x0  }
0x14e: {  	[sflag:s20] =	ssyncadd.s32 $0xFFFFA000  }
0x14f: {  	_ =	sfence.sel $0x180000  }
0x150: {  	[bflag:$0x0] =	sbarrier.arrive $0xFFFF  }
0x151: {  	_ =	strace $0x9000004A  }
0x152: {  	s0 =	stileid.u32;
	[bflag:$0x2] =	sbarrier.arrive $0xFFFF  }
0x153: {  	p0 =	sne.s32 s0, $0x0;
	s0 =	rddreg [dreg:$0x3]  }
0x154: {  	s0 =	sadd.s32 @!p0 $0x100000, s0  }
0x155: {  	[sflag:s0] =	ssyncadd.tile.s32 @!p0 $0x1;
	_ =	shalt  }
.Lfunc_end2:
_tile_overlayer_lowered:
.L_overlay_start_2:
0x156: {  	(tag) =	ssettag $0x2  }
0x157: {  	s0 =	rddreg [dreg:$0x0];
	s2 =	stileid.u32  }
0x158: {  	s1 =	rddreg [dreg:$0x1];
	p0 =	sne.s32 s2, $0x0  }
0x159: {  	s3 =	rddreg [dreg:$0x2];
	[bflag:$0x3] =	sbarrier.arrive $0xFFFF;
	s2 =	simm.s32 @!p0 $0x1C05  }
0x15a: {  	[timem:s3], [sflag:s2] =	dma.local @!p0 [hbm:s0], s1  }
0x15b: {  	s0 =	simm.s32 @!p0 $0x5  }
0x15c: {  	_ =	swait.ge @!p0 [sflag:s0], s1  }
0x15d: {  	s1 =	ssub.s32 @!p0 $0x0, s1;
	[sflag:s0] =	ssyncset.done @!p0 $0x0  }
0x15e: {  	[sflag:s0] =	ssyncadd.s32 @!p0 s1  }
0x15f: {  	[bflag:$0x3] =	sbarrier.arrive $0xFFFF  }
0x160: {  	_ =	shalt  }

</sc_bundles>
